<compile_context>
chip_gen: v7x
topology: tpu7x:2x2x1
jax: 0.10.2.dev20260603
libtpu: 0.0.44.dev20260713+nightly
codegen_flags: <defaults>
</compile_context>

<pallas_src>
import functools
import math

import jax
import jax.numpy as jnp
from jax import lax
from jax.experimental import pallas as pl
from jax.experimental.pallas import tpu as pltpu
from jax.experimental.pallas import tpu_sc as plsc

D_MODEL = 128
SCALE = math.sqrt(float(D_MODEL))

_info = plsc.get_sparse_core_info()
_NC, _NS, _L = _info.num_cores, _info.num_subcores, _info.num_lanes
_NW = _NC * _NS

CHUNK = 128
NBUF = 7


@functools.lru_cache(maxsize=None)
def _make_kernel(n_rows: int, n_cols: int):
    n_idx = n_rows * n_cols
    b_per_w = n_idx // _NW
    assert n_cols % b_per_w == 0 and b_per_w % CHUNK == 0
    w_per_row = n_cols // b_per_w
    n_chunks = b_per_w // CHUNK
    mesh = plsc.VectorSubcoreMesh(core_axis_name="c", subcore_axis_name="s")

    scratch = [pltpu.VMEM((b_per_w,), jnp.int32)]
    scratch += [pltpu.VMEM((CHUNK, D_MODEL), jnp.float32) for _ in range(NBUF)]
    scratch += [pltpu.SemaphoreType.DMA for _ in range(2 * NBUF)]

    @functools.partial(
        pl.kernel,
        mesh=mesh,
        out_type=jax.ShapeDtypeStruct((n_idx, D_MODEL), jnp.float32),
        scratch_types=scratch,
    )
    def emb(x_hbm, table_hbm, out_hbm, idx_v, *bufs_and_sems):
        bufs = bufs_and_sems[:NBUF]
        gsems = bufs_and_sems[NBUF:2 * NBUF]
        ssems = bufs_and_sems[2 * NBUF:]
        wid = lax.axis_index("s") * _NC + lax.axis_index("c")
        base = wid * b_per_w
        row = wid // w_per_row
        col0 = (wid % w_per_row) * b_per_w
        pltpu.sync_copy(x_hbm.at[row, pl.ds(col0, b_per_w)], idx_v)

        gathers = [None] * NBUF
        stores = [None] * NBUF
        for b in range(min(NBUF, n_chunks)):
            gathers[b] = pltpu.async_copy(
                table_hbm.at[idx_v.at[pl.ds(b * CHUNK, CHUNK)]],
                bufs[b], gsems[b])

        for c in range(n_chunks):
            b = c % NBUF
            gathers[b].wait()
            rows_v = bufs[b]

            def row_body(r, carry, rows_v=rows_v):
                for rr in range(2):
                    for j in range(D_MODEL // _L):
                        sl = pl.ds(j * _L, _L)
                        rows_v[2 * r + rr, sl] = rows_v[2 * r + rr, sl] * SCALE
                return carry

            lax.fori_loop(0, CHUNK // 2, row_body, 0)
            stores[b] = pltpu.async_copy(
                rows_v, out_hbm.at[pl.ds(base + c * CHUNK, CHUNK)], ssems[b])
            nc = c + NBUF
            if nc < n_chunks:
                stores[b].wait()
                gathers[b] = pltpu.async_copy(
                    table_hbm.at[idx_v.at[pl.ds(nc * CHUNK, CHUNK)]],
                    bufs[b], gsems[b])

        for c in range(max(0, n_chunks - NBUF), n_chunks):
            stores[c % NBUF].wait()

    return emb


def kernel(x, table):
    orig_shape = x.shape
    out = _make_kernel(x.shape[0], x.shape[1])(x.astype(jnp.int32), table)
    return out.reshape(*orig_shape, D_MODEL)

# --- scband reference (transcript-rebuilt; emitter-appended) ---
"""Pipeline reference for scband-input-embeddings-84009560310448 (READ-ONLY COPY).

The authoritative reference and input builder live on the scoring server;
editing this copy changes nothing except your own understanding.
"""

import jax, jax.numpy as jnp
import numpy as np
import math

D_MODEL = 128
VOCAB_SIZE = 1000000

def setup_inputs(seed: int = 0) -> dict:
    key = jax.random.key(seed)
    k_idx, k_tab = jax.random.split(key)
    x = jax.random.randint(k_idx, (4, 8192), 0, VOCAB_SIZE, dtype=jnp.int64 if jax.config.jax_enable_x64 else jnp.int32)
    table = jax.random.normal(k_tab, (VOCAB_SIZE, D_MODEL), dtype=jnp.float32)
    return {"x": x, "table": table}

def reference(x, table):
    # nn.Embedding lookup scaled by sqrt(d_model), as in 'Attention Is All You Need'
    emb = jnp.take(table, x, axis=0)
    return emb * math.sqrt(D_MODEL)

if __name__ == "__main__":
    import jax
    _d = setup_inputs()
    print(jax.jit(kernel)(*tuple(_d.values())))

</pallas_src>

<mosaic_0001>
#map = affine_map<(d0, d1) -> (0, 0)>
module attributes {stable_mosaic.version = 14 : i64} {
  func.func @emb(%arg0: i32, %arg1: i32, %arg2: memref<4x8192xi32, #tpu.memory_space<hbm>>, %arg3: memref<1000000x128xf32, #tpu.memory_space<hbm>>, %arg4: memref<32768x128xf32, #tpu.memory_space<hbm>>, %arg5: memref<1024xi32, #tpu.memory_space<vmem>>, %arg6: memref<128x128xf32, #tpu.memory_space<vmem>>, %arg7: memref<128x128xf32, #tpu.memory_space<vmem>>, %arg8: memref<128x128xf32, #tpu.memory_space<vmem>>, %arg9: memref<128x128xf32, #tpu.memory_space<vmem>>, %arg10: memref<128x128xf32, #tpu.memory_space<vmem>>, %arg11: memref<128x128xf32, #tpu.memory_space<vmem>>, %arg12: memref<128x128xf32, #tpu.memory_space<vmem>>, %arg13: memref<!tpu.dma_semaphore, #tpu.memory_space<semaphore_mem>>, %arg14: memref<!tpu.dma_semaphore, #tpu.memory_space<semaphore_mem>>, %arg15: memref<!tpu.dma_semaphore, #tpu.memory_space<semaphore_mem>>, %arg16: memref<!tpu.dma_semaphore, #tpu.memory_space<semaphore_mem>>, %arg17: memref<!tpu.dma_semaphore, #tpu.memory_space<semaphore_mem>>, %arg18: memref<!tpu.dma_semaphore, #tpu.memory_space<semaphore_mem>>, %arg19: memref<!tpu.dma_semaphore, #tpu.memory_space<semaphore_mem>>, %arg20: memref<!tpu.dma_semaphore, #tpu.memory_space<semaphore_mem>>, %arg21: memref<!tpu.dma_semaphore, #tpu.memory_space<semaphore_mem>>, %arg22: memref<!tpu.dma_semaphore, #tpu.memory_space<semaphore_mem>>, %arg23: memref<!tpu.dma_semaphore, #tpu.memory_space<semaphore_mem>>, %arg24: memref<!tpu.dma_semaphore, #tpu.memory_space<semaphore_mem>>, %arg25: memref<!tpu.dma_semaphore, #tpu.memory_space<semaphore_mem>>, %arg26: memref<!tpu.dma_semaphore, #tpu.memory_space<semaphore_mem>>) attributes {dimension_semantics = [#tpu.dimension_semantics<core_parallel>, #tpu.dimension_semantics<subcore_parallel>], iteration_bounds = array<i64: 2, 16>, scalar_prefetch = 0 : i64, scratch_operands = 22 : i64, tpu.core_type = #tpu.core_type<sc_vector_subcore>, window_params = [{transform_indices = #map}, {transform_indices = #map}, {transform_indices = #map}]} {
    %mul3A = arith.constant 2 : i32
    %mul3A_0 = arith.muli %arg1, %mul3A : i32
    %add3A = arith.addi %mul3A_0, %arg0 : i32
    %mul3A_1 = arith.constant 1024 : i32
    %mul3A_2 = arith.muli %add3A, %mul3A_1 : i32
    %jit3A = arith.constant 8 : i32
    %div3A = arith.divsi %add3A, %jit3A : i32
    %sign3A = arith.constant 0 : i32
    %sign3A_3 = arith.cmpi sgt, %add3A, %sign3A : i32
    %sign3A_4 = arith.extui %sign3A_3 : i1 to i32
    %sign3A_5 = arith.constant 0 : i32
    %sign3A_6 = arith.cmpi slt, %add3A, %sign3A_5 : i32
    %sign3A_7 = arith.extui %sign3A_6 : i1 to i32
    %sign3A_8 = arith.subi %sign3A_4, %sign3A_7 : i32
    %sign3A_9 = arith.constant 0 : i32
    %sign3A_10 = arith.cmpi sgt, %jit3A, %sign3A_9 : i32
    %sign3A_11 = arith.extui %sign3A_10 : i1 to i32
    %sign3A_12 = arith.constant 0 : i32
    %sign3A_13 = arith.cmpi slt, %jit3A, %sign3A_12 : i32
    %sign3A_14 = arith.extui %sign3A_13 : i1 to i32
    %sign3A_15 = arith.subi %sign3A_11, %sign3A_14 : i32
    %ne3A = arith.cmpi ne, %sign3A_8, %sign3A_15 : i32
    %rem3A = arith.remsi %add3A, %jit3A : i32
    %ne3A_16 = arith.constant 0 : i32
    %ne3A_17 = arith.cmpi ne, %rem3A, %ne3A_16 : i32
    %and3A = arith.andi %ne3A, %ne3A_17 : i1
    %sub3A = arith.constant 1 : i32
    %sub3A_18 = arith.subi %div3A, %sub3A : i32
    %select_n3A = arith.select %and3A, %sub3A_18, %div3A : i32
    %jit3A_19 = arith.constant 8 : i32
    %eq3A = arith.constant 0 : i32
    %eq3A_20 = arith.cmpi eq, %jit3A_19, %eq3A : i32
    %jit3A_21 = arith.constant 1 : i32
    %select_n3A_22 = arith.select %eq3A_20, %jit3A_21, %jit3A_19 : i32
    %rem3A_23 = arith.remsi %add3A, %select_n3A_22 : i32
    %ne3A_24 = arith.constant 0 : i32
    %ne3A_25 = arith.cmpi ne, %rem3A_23, %ne3A_24 : i32
    %lt3A = arith.constant 0 : i32
    %lt3A_26 = arith.cmpi slt, %rem3A_23, %lt3A : i32
    %lt3A_27 = arith.constant 0 : i32
    %lt3A_28 = arith.cmpi slt, %select_n3A_22, %lt3A_27 : i32
    %ne3A_29 = arith.xori %lt3A_26, %lt3A_28 : i1
    %and3A_30 = arith.andi %ne3A_29, %ne3A_25 : i1
    %add3A_31 = arith.addi %rem3A_23, %select_n3A_22 : i32
    %select_n3A_32 = arith.select %and3A_30, %add3A_31, %rem3A_23 : i32
    %mul3A_33 = arith.constant 1024 : i32
    %mul3A_34 = arith.muli %select_n3A_32, %mul3A_33 : i32
    "tpu.region"() ({
      %run_scoped3A = tpu.sem_alloc : memref<!tpu.dma_semaphore, #tpu.memory_space<semaphore_mem>>
      %dma_start3A_240 = tpu.memref_slice %arg2[%select_n3A, %mul3A_34] : memref<4x8192xi32, #tpu.memory_space<hbm>> -> memref<1x1024xi32, #tpu.memory_space<hbm>>
      %dma_start3A_241 = tpu.memref_squeeze %dma_start3A_240 : memref<1x1024xi32, #tpu.memory_space<hbm>> -> memref<1024xi32, #tpu.memory_space<hbm>>
      %dma_start3A_242 = tpu.memref_slice %arg2[%select_n3A, %mul3A_34] : memref<4x8192xi32, #tpu.memory_space<hbm>> -> memref<1x1024xi32, #tpu.memory_space<hbm>>
      %dma_start3A_243 = tpu.memref_squeeze %dma_start3A_242 : memref<1x1024xi32, #tpu.memory_space<hbm>> -> memref<1024xi32, #tpu.memory_space<hbm>>
      tpu.enqueue_dma source(%dma_start3A_243 : memref<1024xi32, #tpu.memory_space<hbm>>) target(%arg5 : memref<1024xi32, #tpu.memory_space<vmem>>) target_semaphore(%run_scoped3A : memref<!tpu.dma_semaphore, #tpu.memory_space<semaphore_mem>>)
      %dma_wait3A_244 = tpu.memref_slice %arg2[%select_n3A, %mul3A_34] : memref<4x8192xi32, #tpu.memory_space<hbm>> -> memref<1x1024xi32, #tpu.memory_space<hbm>>
      %dma_wait3A_245 = tpu.memref_squeeze %dma_wait3A_244 : memref<1x1024xi32, #tpu.memory_space<hbm>> -> memref<1024xi32, #tpu.memory_space<hbm>>
      %dma_wait3A_246 = tpu.memref_slice %arg2[%select_n3A, %mul3A_34] : memref<4x8192xi32, #tpu.memory_space<hbm>> -> memref<1x1024xi32, #tpu.memory_space<hbm>>
      %dma_wait3A_247 = tpu.memref_squeeze %dma_wait3A_246 : memref<1x1024xi32, #tpu.memory_space<hbm>> -> memref<1024xi32, #tpu.memory_space<hbm>>
      tpu.wait_dma2 semaphore(%run_scoped3A : memref<!tpu.dma_semaphore, #tpu.memory_space<semaphore_mem>>) src(%dma_wait3A_247 : memref<1024xi32, #tpu.memory_space<hbm>>) dst(%arg5 : memref<1024xi32, #tpu.memory_space<vmem>>)
      tpu.yield
    }) : () -> ()
    %dma_start3A = arith.constant 0 : i32
    %dma_start3A_35 = tpu.memref_slice %arg5[%dma_start3A] : memref<1024xi32, #tpu.memory_space<vmem>> -> memref<128xi32, #tpu.memory_space<vmem>>
    %dma_start3A_36 = arith.constant 0 : i32
    %dma_start3A_37 = arith.constant 0 : i32
    %dma_start3A_38 = tpu.memref_slice %arg3[%dma_start3A_36, %dma_start3A_37] : memref<1000000x128xf32, #tpu.memory_space<hbm>> -> memref<1000000x128xf32, #tpu.memory_space<hbm>>
    tpu.enqueue_indirect_dma source(%dma_start3A_38 : memref<1000000x128xf32, #tpu.memory_space<hbm>>) target(%arg6 : memref<128x128xf32, #tpu.memory_space<vmem>>) offsets(%dma_start3A_35 : memref<128xi32, #tpu.memory_space<vmem>>) semaphore(%arg13 : memref<!tpu.dma_semaphore, #tpu.memory_space<semaphore_mem>>)
    %dma_start3A_39 = arith.constant 128 : i32
    %dma_start3A_40 = tpu.memref_slice %arg5[%dma_start3A_39] : memref<1024xi32, #tpu.memory_space<vmem>> -> memref<128xi32, #tpu.memory_space<vmem>>
    %dma_start3A_41 = arith.constant 0 : i32
    %dma_start3A_42 = arith.constant 0 : i32
    %dma_start3A_43 = tpu.memref_slice %arg3[%dma_start3A_41, %dma_start3A_42] : memref<1000000x128xf32, #tpu.memory_space<hbm>> -> memref<1000000x128xf32, #tpu.memory_space<hbm>>
    tpu.enqueue_indirect_dma source(%dma_start3A_43 : memref<1000000x128xf32, #tpu.memory_space<hbm>>) target(%arg7 : memref<128x128xf32, #tpu.memory_space<vmem>>) offsets(%dma_start3A_40 : memref<128xi32, #tpu.memory_space<vmem>>) semaphore(%arg14 : memref<!tpu.dma_semaphore, #tpu.memory_space<semaphore_mem>>)
    %dma_start3A_44 = arith.constant 256 : i32
    %dma_start3A_45 = tpu.memref_slice %arg5[%dma_start3A_44] : memref<1024xi32, #tpu.memory_space<vmem>> -> memref<128xi32, #tpu.memory_space<vmem>>
    %dma_start3A_46 = arith.constant 0 : i32
    %dma_start3A_47 = arith.constant 0 : i32
    %dma_start3A_48 = tpu.memref_slice %arg3[%dma_start3A_46, %dma_start3A_47] : memref<1000000x128xf32, #tpu.memory_space<hbm>> -> memref<1000000x128xf32, #tpu.memory_space<hbm>>
    tpu.enqueue_indirect_dma source(%dma_start3A_48 : memref<1000000x128xf32, #tpu.memory_space<hbm>>) target(%arg8 : memref<128x128xf32, #tpu.memory_space<vmem>>) offsets(%dma_start3A_45 : memref<128xi32, #tpu.memory_space<vmem>>) semaphore(%arg15 : memref<!tpu.dma_semaphore, #tpu.memory_space<semaphore_mem>>)
    %dma_start3A_49 = arith.constant 384 : i32
    %dma_start3A_50 = tpu.memref_slice %arg5[%dma_start3A_49] : memref<1024xi32, #tpu.memory_space<vmem>> -> memref<128xi32, #tpu.memory_space<vmem>>
    %dma_start3A_51 = arith.constant 0 : i32
    %dma_start3A_52 = arith.constant 0 : i32
    %dma_start3A_53 = tpu.memref_slice %arg3[%dma_start3A_51, %dma_start3A_52] : memref<1000000x128xf32, #tpu.memory_space<hbm>> -> memref<1000000x128xf32, #tpu.memory_space<hbm>>
    tpu.enqueue_indirect_dma source(%dma_start3A_53 : memref<1000000x128xf32, #tpu.memory_space<hbm>>) target(%arg9 : memref<128x128xf32, #tpu.memory_space<vmem>>) offsets(%dma_start3A_50 : memref<128xi32, #tpu.memory_space<vmem>>) semaphore(%arg16 : memref<!tpu.dma_semaphore, #tpu.memory_space<semaphore_mem>>)
    %dma_start3A_54 = arith.constant 512 : i32
    %dma_start3A_55 = tpu.memref_slice %arg5[%dma_start3A_54] : memref<1024xi32, #tpu.memory_space<vmem>> -> memref<128xi32, #tpu.memory_space<vmem>>
    %dma_start3A_56 = arith.constant 0 : i32
    %dma_start3A_57 = arith.constant 0 : i32
    %dma_start3A_58 = tpu.memref_slice %arg3[%dma_start3A_56, %dma_start3A_57] : memref<1000000x128xf32, #tpu.memory_space<hbm>> -> memref<1000000x128xf32, #tpu.memory_space<hbm>>
    tpu.enqueue_indirect_dma source(%dma_start3A_58 : memref<1000000x128xf32, #tpu.memory_space<hbm>>) target(%arg10 : memref<128x128xf32, #tpu.memory_space<vmem>>) offsets(%dma_start3A_55 : memref<128xi32, #tpu.memory_space<vmem>>) semaphore(%arg17 : memref<!tpu.dma_semaphore, #tpu.memory_space<semaphore_mem>>)
    %dma_start3A_59 = arith.constant 640 : i32
    %dma_start3A_60 = tpu.memref_slice %arg5[%dma_start3A_59] : memref<1024xi32, #tpu.memory_space<vmem>> -> memref<128xi32, #tpu.memory_space<vmem>>
    %dma_start3A_61 = arith.constant 0 : i32
    %dma_start3A_62 = arith.constant 0 : i32
    %dma_start3A_63 = tpu.memref_slice %arg3[%dma_start3A_61, %dma_start3A_62] : memref<1000000x128xf32, #tpu.memory_space<hbm>> -> memref<1000000x128xf32, #tpu.memory_space<hbm>>
    tpu.enqueue_indirect_dma source(%dma_start3A_63 : memref<1000000x128xf32, #tpu.memory_space<hbm>>) target(%arg11 : memref<128x128xf32, #tpu.memory_space<vmem>>) offsets(%dma_start3A_60 : memref<128xi32, #tpu.memory_space<vmem>>) semaphore(%arg18 : memref<!tpu.dma_semaphore, #tpu.memory_space<semaphore_mem>>)
    %dma_start3A_64 = arith.constant 768 : i32
    %dma_start3A_65 = tpu.memref_slice %arg5[%dma_start3A_64] : memref<1024xi32, #tpu.memory_space<vmem>> -> memref<128xi32, #tpu.memory_space<vmem>>
    %dma_start3A_66 = arith.constant 0 : i32
    %dma_start3A_67 = arith.constant 0 : i32
    %dma_start3A_68 = tpu.memref_slice %arg3[%dma_start3A_66, %dma_start3A_67] : memref<1000000x128xf32, #tpu.memory_space<hbm>> -> memref<1000000x128xf32, #tpu.memory_space<hbm>>
    tpu.enqueue_indirect_dma source(%dma_start3A_68 : memref<1000000x128xf32, #tpu.memory_space<hbm>>) target(%arg12 : memref<128x128xf32, #tpu.memory_space<vmem>>) offsets(%dma_start3A_65 : memref<128xi32, #tpu.memory_space<vmem>>) semaphore(%arg19 : memref<!tpu.dma_semaphore, #tpu.memory_space<semaphore_mem>>)
    %dma_wait3A = arith.constant 0 : i32
    %dma_wait3A_69 = tpu.memref_slice %arg5[%dma_wait3A] : memref<1024xi32, #tpu.memory_space<vmem>> -> memref<128xi32, #tpu.memory_space<vmem>>
    %dma_wait3A_70 = arith.constant 0 : i32
    %dma_wait3A_71 = arith.constant 0 : i32
    %dma_wait3A_72 = tpu.memref_slice %arg3[%dma_wait3A_70, %dma_wait3A_71] : memref<1000000x128xf32, #tpu.memory_space<hbm>> -> memref<1000000x128xf32, #tpu.memory_space<hbm>>
    tpu.wait_indirect_dma semaphore(%arg13 : memref<!tpu.dma_semaphore, #tpu.memory_space<semaphore_mem>>) src(%dma_wait3A_72 : memref<1000000x128xf32, #tpu.memory_space<hbm>>) dst(%arg6 : memref<128x128xf32, #tpu.memory_space<vmem>>)
    %scan3A = arith.constant 0 : i32
    %scan3A_73 = arith.constant 0 : i32
    %scan3A_74 = arith.constant 64 : i32
    %scan3A_75 = arith.addi %scan3A_73, %scan3A_74 : i32
    %scan3A_76 = arith.constant 1 : i32
    scf.for %scan3A_240 = %scan3A_73 to %scan3A_75 step %scan3A_76  : i32 {
      %mul3A_241 = arith.constant 2 : i32
      %mul3A_242 = arith.muli %mul3A_241, %scan3A_240 : i32
      %add3A_243 = arith.constant 0 : i32
      %add3A_244 = arith.addi %mul3A_242, %add3A_243 : i32
      %get3A = arith.index_cast %add3A_244 : i32 to index
      %get3A_245 = arith.constant 0 : index
      %get3A_246 = tpu.vector_load %arg6[%get3A, %get3A_245] {strides = array<i32>} : memref<128x128xf32, #tpu.memory_space<vmem>>, vector<1x16xf32>,
      %get3A_247 = vector.shape_cast %get3A_246 : vector<1x16xf32> to vector<16xf32>
      %mul3A_248 = arith.constant 11.3137083 : f32
      %mul3A_249 = vector.broadcast %mul3A_248 : f32 to vector<16xf32>
      %mul3A_250 = arith.mulf %get3A_247, %mul3A_249 : vector<16xf32>
      %mul3A_251 = arith.constant 2 : i32
      %mul3A_252 = arith.muli %mul3A_251, %scan3A_240 : i32
      %add3A_253 = arith.constant 0 : i32
      %add3A_254 = arith.addi %mul3A_252, %add3A_253 : i32
      %swap3A = arith.index_cast %add3A_254 : i32 to index
      %swap3A_255 = arith.constant 0 : index
      %swap3A_256 = tpu.vector_load %arg6[%swap3A, %swap3A_255] {strides = array<i32>} : memref<128x128xf32, #tpu.memory_space<vmem>>, vector<1x16xf32>,
      %swap3A_257 = vector.shape_cast %swap3A_256 : vector<1x16xf32> to vector<16xf32>
      %swap3A_258 = vector.shape_cast %mul3A_250 : vector<16xf32> to vector<1x16xf32>
      tpu.vector_store %arg6[%swap3A, %swap3A_255], %swap3A_258 {strides = array<i32>} : memref<128x128xf32, #tpu.memory_space<vmem>>, vector<1x16xf32>,
      %mul3A_259 = arith.constant 2 : i32
      %mul3A_260 = arith.muli %mul3A_259, %scan3A_240 : i32
      %add3A_261 = arith.constant 0 : i32
      %add3A_262 = arith.addi %mul3A_260, %add3A_261 : i32
      %get3A_263 = arith.index_cast %add3A_262 : i32 to index
      %get3A_264 = arith.constant 16 : index
      %get3A_265 = tpu.vector_load %arg6[%get3A_263, %get3A_264] {strides = array<i32>} : memref<128x128xf32, #tpu.memory_space<vmem>>, vector<1x16xf32>,
      %get3A_266 = vector.shape_cast %get3A_265 : vector<1x16xf32> to vector<16xf32>
      %mul3A_267 = arith.constant 11.3137083 : f32
      %mul3A_268 = vector.broadcast %mul3A_267 : f32 to vector<16xf32>
      %mul3A_269 = arith.mulf %get3A_266, %mul3A_268 : vector<16xf32>
      %mul3A_270 = arith.constant 2 : i32
      %mul3A_271 = arith.muli %mul3A_270, %scan3A_240 : i32
      %add3A_272 = arith.constant 0 : i32
      %add3A_273 = arith.addi %mul3A_271, %add3A_272 : i32
      %swap3A_274 = arith.index_cast %add3A_273 : i32 to index
      %swap3A_275 = arith.constant 16 : index
      %swap3A_276 = tpu.vector_load %arg6[%swap3A_274, %swap3A_275] {strides = array<i32>} : memref<128x128xf32, #tpu.memory_space<vmem>>, vector<1x16xf32>,
      %swap3A_277 = vector.shape_cast %swap3A_276 : vector<1x16xf32> to vector<16xf32>
      %swap3A_278 = vector.shape_cast %mul3A_269 : vector<16xf32> to vector<1x16xf32>
      tpu.vector_store %arg6[%swap3A_274, %swap3A_275], %swap3A_278 {strides = array<i32>} : memref<128x128xf32, #tpu.memory_space<vmem>>, vector<1x16xf32>,
      %mul3A_279 = arith.constant 2 : i32
      %mul3A_280 = arith.muli %mul3A_279, %scan3A_240 : i32
      %add3A_281 = arith.constant 0 : i32
      %add3A_282 = arith.addi %mul3A_280, %add3A_281 : i32
      %get3A_283 = arith.index_cast %add3A_282 : i32 to index
      %get3A_284 = arith.constant 32 : index
      %get3A_285 = tpu.vector_load %arg6[%get3A_283, %get3A_284] {strides = array<i32>} : memref<128x128xf32, #tpu.memory_space<vmem>>, vector<1x16xf32>,
      %get3A_286 = vector.shape_cast %get3A_285 : vector<1x16xf32> to vector<16xf32>
      %mul3A_287 = arith.constant 11.3137083 : f32
      %mul3A_288 = vector.broadcast %mul3A_287 : f32 to vector<16xf32>
      %mul3A_289 = arith.mulf %get3A_286, %mul3A_288 : vector<16xf32>
      %mul3A_290 = arith.constant 2 : i32
      %mul3A_291 = arith.muli %mul3A_290, %scan3A_240 : i32
      %add3A_292 = arith.constant 0 : i32
      %add3A_293 = arith.addi %mul3A_291, %add3A_292 : i32
      %swap3A_294 = arith.index_cast %add3A_293 : i32 to index
      %swap3A_295 = arith.constant 32 : index
      %swap3A_296 = tpu.vector_load %arg6[%swap3A_294, %swap3A_295] {strides = array<i32>} : memref<128x128xf32, #tpu.memory_space<vmem>>, vector<1x16xf32>,
      %swap3A_297 = vector.shape_cast %swap3A_296 : vector<1x16xf32> to vector<16xf32>
      %swap3A_298 = vector.shape_cast %mul3A_289 : vector<16xf32> to vector<1x16xf32>
      tpu.vector_store %arg6[%swap3A_294, %swap3A_295], %swap3A_298 {strides = array<i32>} : memref<128x128xf32, #tpu.memory_space<vmem>>, vector<1x16xf32>,
      %mul3A_299 = arith.constant 2 : i32
      %mul3A_300 = arith.muli %mul3A_299, %scan3A_240 : i32
      %add3A_301 = arith.constant 0 : i32
      %add3A_302 = arith.addi %mul3A_300, %add3A_301 : i32
      %get3A_303 = arith.index_cast %add3A_302 : i32 to index
      %get3A_304 = arith.constant 48 : index
      %get3A_305 = tpu.vector_load %arg6[%get3A_303, %get3A_304] {strides = array<i32>} : memref<128x128xf32, #tpu.memory_space<vmem>>, vector<1x16xf32>,
      %get3A_306 = vector.shape_cast %get3A_305 : vector<1x16xf32> to vector<16xf32>
      %mul3A_307 = arith.constant 11.3137083 : f32
      %mul3A_308 = vector.broadcast %mul3A_307 : f32 to vector<16xf32>
      %mul3A_309 = arith.mulf %get3A_306, %mul3A_308 : vector<16xf32>
      %mul3A_310 = arith.constant 2 : i32
      %mul3A_311 = arith.muli %mul3A_310, %scan3A_240 : i32
      %add3A_312 = arith.constant 0 : i32
      %add3A_313 = arith.addi %mul3A_311, %add3A_312 : i32
      %swap3A_314 = arith.index_cast %add3A_313 : i32 to index
      %swap3A_315 = arith.constant 48 : index
      %swap3A_316 = tpu.vector_load %arg6[%swap3A_314, %swap3A_315] {strides = array<i32>} : memref<128x128xf32, #tpu.memory_space<vmem>>, vector<1x16xf32>,
      %swap3A_317 = vector.shape_cast %swap3A_316 : vector<1x16xf32> to vector<16xf32>
      %swap3A_318 = vector.shape_cast %mul3A_309 : vector<16xf32> to vector<1x16xf32>
      tpu.vector_store %arg6[%swap3A_314, %swap3A_315], %swap3A_318 {strides = array<i32>} : memref<128x128xf32, #tpu.memory_space<vmem>>, vector<1x16xf32>,
      %mul3A_319 = arith.constant 2 : i32
      %mul3A_320 = arith.muli %mul3A_319, %scan3A_240 : i32
      %add3A_321 = arith.constant 0 : i32
      %add3A_322 = arith.addi %mul3A_320, %add3A_321 : i32
      %get3A_323 = arith.index_cast %add3A_322 : i32 to index
      %get3A_324 = arith.constant 64 : index
      %get3A_325 = tpu.vector_load %arg6[%get3A_323, %get3A_324] {strides = array<i32>} : memref<128x128xf32, #tpu.memory_space<vmem>>, vector<1x16xf32>,
      %get3A_326 = vector.shape_cast %get3A_325 : vector<1x16xf32> to vector<16xf32>
      %mul3A_327 = arith.constant 11.3137083 : f32
      %mul3A_328 = vector.broadcast %mul3A_327 : f32 to vector<16xf32>
      %mul3A_329 = arith.mulf %get3A_326, %mul3A_328 : vector<16xf32>
      %mul3A_330 = arith.constant 2 : i32
      %mul3A_331 = arith.muli %mul3A_330, %scan3A_240 : i32
      %add3A_332 = arith.constant 0 : i32
      %add3A_333 = arith.addi %mul3A_331, %add3A_332 : i32
      %swap3A_334 = arith.index_cast %add3A_333 : i32 to index
      %swap3A_335 = arith.constant 64 : index
      %swap3A_336 = tpu.vector_load %arg6[%swap3A_334, %swap3A_335] {strides = array<i32>} : memref<128x128xf32, #tpu.memory_space<vmem>>, vector<1x16xf32>,
      %swap3A_337 = vector.shape_cast %swap3A_336 : vector<1x16xf32> to vector<16xf32>
      %swap3A_338 = vector.shape_cast %mul3A_329 : vector<16xf32> to vector<1x16xf32>
      tpu.vector_store %arg6[%swap3A_334, %swap3A_335], %swap3A_338 {strides = array<i32>} : memref<128x128xf32, #tpu.memory_space<vmem>>, vector<1x16xf32>,
      %mul3A_339 = arith.constant 2 : i32
      %mul3A_340 = arith.muli %mul3A_339, %scan3A_240 : i32
      %add3A_341 = arith.constant 0 : i32
      %add3A_342 = arith.addi %mul3A_340, %add3A_341 : i32
      %get3A_343 = arith.index_cast %add3A_342 : i32 to index
      %get3A_344 = arith.constant 80 : index
      %get3A_345 = tpu.vector_load %arg6[%get3A_343, %get3A_344] {strides = array<i32>} : memref<128x128xf32, #tpu.memory_space<vmem>>, vector<1x16xf32>,
      %get3A_346 = vector.shape_cast %get3A_345 : vector<1x16xf32> to vector<16xf32>
      %mul3A_347 = arith.constant 11.3137083 : f32
      %mul3A_348 = vector.broadcast %mul3A_347 : f32 to vector<16xf32>
      %mul3A_349 = arith.mulf %get3A_346, %mul3A_348 : vector<16xf32>
      %mul3A_350 = arith.constant 2 : i32
      %mul3A_351 = arith.muli %mul3A_350, %scan3A_240 : i32
      %add3A_352 = arith.constant 0 : i32
      %add3A_353 = arith.addi %mul3A_351, %add3A_352 : i32
      %swap3A_354 = arith.index_cast %add3A_353 : i32 to index
      %swap3A_355 = arith.constant 80 : index
      %swap3A_356 = tpu.vector_load %arg6[%swap3A_354, %swap3A_355] {strides = array<i32>} : memref<128x128xf32, #tpu.memory_space<vmem>>, vector<1x16xf32>,
      %swap3A_357 = vector.shape_cast %swap3A_356 : vector<1x16xf32> to vector<16xf32>
      %swap3A_358 = vector.shape_cast %mul3A_349 : vector<16xf32> to vector<1x16xf32>
      tpu.vector_store %arg6[%swap3A_354, %swap3A_355], %swap3A_358 {strides = array<i32>} : memref<128x128xf32, #tpu.memory_space<vmem>>, vector<1x16xf32>,
      %mul3A_359 = arith.constant 2 : i32
      %mul3A_360 = arith.muli %mul3A_359, %scan3A_240 : i32
      %add3A_361 = arith.constant 0 : i32
      %add3A_362 = arith.addi %mul3A_360, %add3A_361 : i32
      %get3A_363 = arith.index_cast %add3A_362 : i32 to index
      %get3A_364 = arith.constant 96 : index
      %get3A_365 = tpu.vector_load %arg6[%get3A_363, %get3A_364] {strides = array<i32>} : memref<128x128xf32, #tpu.memory_space<vmem>>, vector<1x16xf32>,
      %get3A_366 = vector.shape_cast %get3A_365 : vector<1x16xf32> to vector<16xf32>
      %mul3A_367 = arith.constant 11.3137083 : f32
      %mul3A_368 = vector.broadcast %mul3A_367 : f32 to vector<16xf32>
      %mul3A_369 = arith.mulf %get3A_366, %mul3A_368 : vector<16xf32>
      %mul3A_370 = arith.constant 2 : i32
      %mul3A_371 = arith.muli %mul3A_370, %scan3A_240 : i32
      %add3A_372 = arith.constant 0 : i32
      %add3A_373 = arith.addi %mul3A_371, %add3A_372 : i32
      %swap3A_374 = arith.index_cast %add3A_373 : i32 to index
      %swap3A_375 = arith.constant 96 : index
      %swap3A_376 = tpu.vector_load %arg6[%swap3A_374, %swap3A_375] {strides = array<i32>} : memref<128x128xf32, #tpu.memory_space<vmem>>, vector<1x16xf32>,
      %swap3A_377 = vector.shape_cast %swap3A_376 : vector<1x16xf32> to vector<16xf32>
      %swap3A_378 = vector.shape_cast %mul3A_369 : vector<16xf32> to vector<1x16xf32>
      tpu.vector_store %arg6[%swap3A_374, %swap3A_375], %swap3A_378 {strides = array<i32>} : memref<128x128xf32, #tpu.memory_space<vmem>>, vector<1x16xf32>,
      %mul3A_379 = arith.constant 2 : i32
      %mul3A_380 = arith.muli %mul3A_379, %scan3A_240 : i32
      %add3A_381 = arith.constant 0 : i32
      %add3A_382 = arith.addi %mul3A_380, %add3A_381 : i32
      %get3A_383 = arith.index_cast %add3A_382 : i32 to index
      %get3A_384 = arith.constant 112 : index
      %get3A_385 = tpu.vector_load %arg6[%get3A_383, %get3A_384] {strides = array<i32>} : memref<128x128xf32, #tpu.memory_space<vmem>>, vector<1x16xf32>,
      %get3A_386 = vector.shape_cast %get3A_385 : vector<1x16xf32> to vector<16xf32>
      %mul3A_387 = arith.constant 11.3137083 : f32
      %mul3A_388 = vector.broadcast %mul3A_387 : f32 to vector<16xf32>
      %mul3A_389 = arith.mulf %get3A_386, %mul3A_388 : vector<16xf32>
      %mul3A_390 = arith.constant 2 : i32
      %mul3A_391 = arith.muli %mul3A_390, %scan3A_240 : i32
      %add3A_392 = arith.constant 0 : i32
      %add3A_393 = arith.addi %mul3A_391, %add3A_392 : i32
      %swap3A_394 = arith.index_cast %add3A_393 : i32 to index
      %swap3A_395 = arith.constant 112 : index
      %swap3A_396 = tpu.vector_load %arg6[%swap3A_394, %swap3A_395] {strides = array<i32>} : memref<128x128xf32, #tpu.memory_space<vmem>>, vector<1x16xf32>,
      %swap3A_397 = vector.shape_cast %swap3A_396 : vector<1x16xf32> to vector<16xf32>
      %swap3A_398 = vector.shape_cast %mul3A_389 : vector<16xf32> to vector<1x16xf32>
      tpu.vector_store %arg6[%swap3A_394, %swap3A_395], %swap3A_398 {strides = array<i32>} : memref<128x128xf32, #tpu.memory_space<vmem>>, vector<1x16xf32>,
      %mul3A_399 = arith.constant 2 : i32
      %mul3A_400 = arith.muli %mul3A_399, %scan3A_240 : i32
      %add3A_401 = arith.constant 1 : i32
      %add3A_402 = arith.addi %mul3A_400, %add3A_401 : i32
      %get3A_403 = arith.index_cast %add3A_402 : i32 to index
      %get3A_404 = arith.constant 0 : index
      %get3A_405 = tpu.vector_load %arg6[%get3A_403, %get3A_404] {strides = array<i32>} : memref<128x128xf32, #tpu.memory_space<vmem>>, vector<1x16xf32>,
      %get3A_406 = vector.shape_cast %get3A_405 : vector<1x16xf32> to vector<16xf32>
      %mul3A_407 = arith.constant 11.3137083 : f32
      %mul3A_408 = vector.broadcast %mul3A_407 : f32 to vector<16xf32>
      %mul3A_409 = arith.mulf %get3A_406, %mul3A_408 : vector<16xf32>
      %mul3A_410 = arith.constant 2 : i32
      %mul3A_411 = arith.muli %mul3A_410, %scan3A_240 : i32
      %add3A_412 = arith.constant 1 : i32
      %add3A_413 = arith.addi %mul3A_411, %add3A_412 : i32
      %swap3A_414 = arith.index_cast %add3A_413 : i32 to index
      %swap3A_415 = arith.constant 0 : index
      %swap3A_416 = tpu.vector_load %arg6[%swap3A_414, %swap3A_415] {strides = array<i32>} : memref<128x128xf32, #tpu.memory_space<vmem>>, vector<1x16xf32>,
      %swap3A_417 = vector.shape_cast %swap3A_416 : vector<1x16xf32> to vector<16xf32>
      %swap3A_418 = vector.shape_cast %mul3A_409 : vector<16xf32> to vector<1x16xf32>
      tpu.vector_store %arg6[%swap3A_414, %swap3A_415], %swap3A_418 {strides = array<i32>} : memref<128x128xf32, #tpu.memory_space<vmem>>, vector<1x16xf32>,
      %mul3A_419 = arith.constant 2 : i32
      %mul3A_420 = arith.muli %mul3A_419, %scan3A_240 : i32
      %add3A_421 = arith.constant 1 : i32
      %add3A_422 = arith.addi %mul3A_420, %add3A_421 : i32
      %get3A_423 = arith.index_cast %add3A_422 : i32 to index
      %get3A_424 = arith.constant 16 : index
      %get3A_425 = tpu.vector_load %arg6[%get3A_423, %get3A_424] {strides = array<i32>} : memref<128x128xf32, #tpu.memory_space<vmem>>, vector<1x16xf32>,
      %get3A_426 = vector.shape_cast %get3A_425 : vector<1x16xf32> to vector<16xf32>
      %mul3A_427 = arith.constant 11.3137083 : f32
      %mul3A_428 = vector.broadcast %mul3A_427 : f32 to vector<16xf32>
      %mul3A_429 = arith.mulf %get3A_426, %mul3A_428 : vector<16xf32>
      %mul3A_430 = arith.constant 2 : i32
      %mul3A_431 = arith.muli %mul3A_430, %scan3A_240 : i32
      %add3A_432 = arith.constant 1 : i32
      %add3A_433 = arith.addi %mul3A_431, %add3A_432 : i32
      %swap3A_434 = arith.index_cast %add3A_433 : i32 to index
      %swap3A_435 = arith.constant 16 : index
      %swap3A_436 = tpu.vector_load %arg6[%swap3A_434, %swap3A_435] {strides = array<i32>} : memref<128x128xf32, #tpu.memory_space<vmem>>, vector<1x16xf32>,
      %swap3A_437 = vector.shape_cast %swap3A_436 : vector<1x16xf32> to vector<16xf32>
      %swap3A_438 = vector.shape_cast %mul3A_429 : vector<16xf32> to vector<1x16xf32>
      tpu.vector_store %arg6[%swap3A_434, %swap3A_435], %swap3A_438 {strides = array<i32>} : memref<128x128xf32, #tpu.memory_space<vmem>>, vector<1x16xf32>,
      %mul3A_439 = arith.constant 2 : i32
      %mul3A_440 = arith.muli %mul3A_439, %scan3A_240 : i32
      %add3A_441 = arith.constant 1 : i32
      %add3A_442 = arith.addi %mul3A_440, %add3A_441 : i32
      %get3A_443 = arith.index_cast %add3A_442 : i32 to index
      %get3A_444 = arith.constant 32 : index
      %get3A_445 = tpu.vector_load %arg6[%get3A_443, %get3A_444] {strides = array<i32>} : memref<128x128xf32, #tpu.memory_space<vmem>>, vector<1x16xf32>,
      %get3A_446 = vector.shape_cast %get3A_445 : vector<1x16xf32> to vector<16xf32>
      %mul3A_447 = arith.constant 11.3137083 : f32
      %mul3A_448 = vector.broadcast %mul3A_447 : f32 to vector<16xf32>
      %mul3A_449 = arith.mulf %get3A_446, %mul3A_448 : vector<16xf32>
      %mul3A_450 = arith.constant 2 : i32
      %mul3A_451 = arith.muli %mul3A_450, %scan3A_240 : i32
      %add3A_452 = arith.constant 1 : i32
      %add3A_453 = arith.addi %mul3A_451, %add3A_452 : i32
      %swap3A_454 = arith.index_cast %add3A_453 : i32 to index
      %swap3A_455 = arith.constant 32 : index
      %swap3A_456 = tpu.vector_load %arg6[%swap3A_454, %swap3A_455] {strides = array<i32>} : memref<128x128xf32, #tpu.memory_space<vmem>>, vector<1x16xf32>,
      %swap3A_457 = vector.shape_cast %swap3A_456 : vector<1x16xf32> to vector<16xf32>
      %swap3A_458 = vector.shape_cast %mul3A_449 : vector<16xf32> to vector<1x16xf32>
      tpu.vector_store %arg6[%swap3A_454, %swap3A_455], %swap3A_458 {strides = array<i32>} : memref<128x128xf32, #tpu.memory_space<vmem>>, vector<1x16xf32>,
      %mul3A_459 = arith.constant 2 : i32
      %mul3A_460 = arith.muli %mul3A_459, %scan3A_240 : i32
      %add3A_461 = arith.constant 1 : i32
      %add3A_462 = arith.addi %mul3A_460, %add3A_461 : i32
      %get3A_463 = arith.index_cast %add3A_462 : i32 to index
      %get3A_464 = arith.constant 48 : index
      %get3A_465 = tpu.vector_load %arg6[%get3A_463, %get3A_464] {strides = array<i32>} : memref<128x128xf32, #tpu.memory_space<vmem>>, vector<1x16xf32>,
      %get3A_466 = vector.shape_cast %get3A_465 : vector<1x16xf32> to vector<16xf32>
      %mul3A_467 = arith.constant 11.3137083 : f32
      %mul3A_468 = vector.broadcast %mul3A_467 : f32 to vector<16xf32>
      %mul3A_469 = arith.mulf %get3A_466, %mul3A_468 : vector<16xf32>
      %mul3A_470 = arith.constant 2 : i32
      %mul3A_471 = arith.muli %mul3A_470, %scan3A_240 : i32
      %add3A_472 = arith.constant 1 : i32
      %add3A_473 = arith.addi %mul3A_471, %add3A_472 : i32
      %swap3A_474 = arith.index_cast %add3A_473 : i32 to index
      %swap3A_475 = arith.constant 48 : index
      %swap3A_476 = tpu.vector_load %arg6[%swap3A_474, %swap3A_475] {strides = array<i32>} : memref<128x128xf32, #tpu.memory_space<vmem>>, vector<1x16xf32>,
      %swap3A_477 = vector.shape_cast %swap3A_476 : vector<1x16xf32> to vector<16xf32>
      %swap3A_478 = vector.shape_cast %mul3A_469 : vector<16xf32> to vector<1x16xf32>
      tpu.vector_store %arg6[%swap3A_474, %swap3A_475], %swap3A_478 {strides = array<i32>} : memref<128x128xf32, #tpu.memory_space<vmem>>, vector<1x16xf32>,
      %mul3A_479 = arith.constant 2 : i32
      %mul3A_480 = arith.muli %mul3A_479, %scan3A_240 : i32
      %add3A_481 = arith.constant 1 : i32
      %add3A_482 = arith.addi %mul3A_480, %add3A_481 : i32
      %get3A_483 = arith.index_cast %add3A_482 : i32 to index
      %get3A_484 = arith.constant 64 : index
      %get3A_485 = tpu.vector_load %arg6[%get3A_483, %get3A_484] {strides = array<i32>} : memref<128x128xf32, #tpu.memory_space<vmem>>, vector<1x16xf32>,
      %get3A_486 = vector.shape_cast %get3A_485 : vector<1x16xf32> to vector<16xf32>
      %mul3A_487 = arith.constant 11.3137083 : f32
      %mul3A_488 = vector.broadcast %mul3A_487 : f32 to vector<16xf32>
      %mul3A_489 = arith.mulf %get3A_486, %mul3A_488 : vector<16xf32>
      %mul3A_490 = arith.constant 2 : i32
      %mul3A_491 = arith.muli %mul3A_490, %scan3A_240 : i32
      %add3A_492 = arith.constant 1 : i32
      %add3A_493 = arith.addi %mul3A_491, %add3A_492 : i32
      %swap3A_494 = arith.index_cast %add3A_493 : i32 to index
      %swap3A_495 = arith.constant 64 : index
      %swap3A_496 = tpu.vector_load %arg6[%swap3A_494, %swap3A_495] {strides = array<i32>} : memref<128x128xf32, #tpu.memory_space<vmem>>, vector<1x16xf32>,
      %swap3A_497 = vector.shape_cast %swap3A_496 : vector<1x16xf32> to vector<16xf32>
      %swap3A_498 = vector.shape_cast %mul3A_489 : vector<16xf32> to vector<1x16xf32>
      tpu.vector_store %arg6[%swap3A_494, %swap3A_495], %swap3A_498 {strides = array<i32>} : memref<128x128xf32, #tpu.memory_space<vmem>>, vector<1x16xf32>,
      %mul3A_499 = arith.constant 2 : i32
      %mul3A_500 = arith.muli %mul3A_499, %scan3A_240 : i32
      %add3A_501 = arith.constant 1 : i32
      %add3A_502 = arith.addi %mul3A_500, %add3A_501 : i32
      %get3A_503 = arith.index_cast %add3A_502 : i32 to index
      %get3A_504 = arith.constant 80 : index
      %get3A_505 = tpu.vector_load %arg6[%get3A_503, %get3A_504] {strides = array<i32>} : memref<128x128xf32, #tpu.memory_space<vmem>>, vector<1x16xf32>,
      %get3A_506 = vector.shape_cast %get3A_505 : vector<1x16xf32> to vector<16xf32>
      %mul3A_507 = arith.constant 11.3137083 : f32
      %mul3A_508 = vector.broadcast %mul3A_507 : f32 to vector<16xf32>
      %mul3A_509 = arith.mulf %get3A_506, %mul3A_508 : vector<16xf32>
      %mul3A_510 = arith.constant 2 : i32
      %mul3A_511 = arith.muli %mul3A_510, %scan3A_240 : i32
      %add3A_512 = arith.constant 1 : i32
      %add3A_513 = arith.addi %mul3A_511, %add3A_512 : i32
      %swap3A_514 = arith.index_cast %add3A_513 : i32 to index
      %swap3A_515 = arith.constant 80 : index
      %swap3A_516 = tpu.vector_load %arg6[%swap3A_514, %swap3A_515] {strides = array<i32>} : memref<128x128xf32, #tpu.memory_space<vmem>>, vector<1x16xf32>,
      %swap3A_517 = vector.shape_cast %swap3A_516 : vector<1x16xf32> to vector<16xf32>
      %swap3A_518 = vector.shape_cast %mul3A_509 : vector<16xf32> to vector<1x16xf32>
      tpu.vector_store %arg6[%swap3A_514, %swap3A_515], %swap3A_518 {strides = array<i32>} : memref<128x128xf32, #tpu.memory_space<vmem>>, vector<1x16xf32>,
      %mul3A_519 = arith.constant 2 : i32
      %mul3A_520 = arith.muli %mul3A_519, %scan3A_240 : i32
      %add3A_521 = arith.constant 1 : i32
      %add3A_522 = arith.addi %mul3A_520, %add3A_521 : i32
      %get3A_523 = arith.index_cast %add3A_522 : i32 to index
      %get3A_524 = arith.constant 96 : index
      %get3A_525 = tpu.vector_load %arg6[%get3A_523, %get3A_524] {strides = array<i32>} : memref<128x128xf32, #tpu.memory_space<vmem>>, vector<1x16xf32>,
      %get3A_526 = vector.shape_cast %get3A_525 : vector<1x16xf32> to vector<16xf32>
      %mul3A_527 = arith.constant 11.3137083 : f32
      %mul3A_528 = vector.broadcast %mul3A_527 : f32 to vector<16xf32>
      %mul3A_529 = arith.mulf %get3A_526, %mul3A_528 : vector<16xf32>
      %mul3A_530 = arith.constant 2 : i32
      %mul3A_531 = arith.muli %mul3A_530, %scan3A_240 : i32
      %add3A_532 = arith.constant 1 : i32
      %add3A_533 = arith.addi %mul3A_531, %add3A_532 : i32
      %swap3A_534 = arith.index_cast %add3A_533 : i32 to index
      %swap3A_535 = arith.constant 96 : index
      %swap3A_536 = tpu.vector_load %arg6[%swap3A_534, %swap3A_535] {strides = array<i32>} : memref<128x128xf32, #tpu.memory_space<vmem>>, vector<1x16xf32>,
      %swap3A_537 = vector.shape_cast %swap3A_536 : vector<1x16xf32> to vector<16xf32>
      %swap3A_538 = vector.shape_cast %mul3A_529 : vector<16xf32> to vector<1x16xf32>
      tpu.vector_store %arg6[%swap3A_534, %swap3A_535], %swap3A_538 {strides = array<i32>} : memref<128x128xf32, #tpu.memory_space<vmem>>, vector<1x16xf32>,
      %mul3A_539 = arith.constant 2 : i32
      %mul3A_540 = arith.muli %mul3A_539, %scan3A_240 : i32
      %add3A_541 = arith.constant 1 : i32
      %add3A_542 = arith.addi %mul3A_540, %add3A_541 : i32
      %get3A_543 = arith.index_cast %add3A_542 : i32 to index
      %get3A_544 = arith.constant 112 : index
      %get3A_545 = tpu.vector_load %arg6[%get3A_543, %get3A_544] {strides = array<i32>} : memref<128x128xf32, #tpu.memory_space<vmem>>, vector<1x16xf32>,
      %get3A_546 = vector.shape_cast %get3A_545 : vector<1x16xf32> to vector<16xf32>
      %mul3A_547 = arith.constant 11.3137083 : f32
      %mul3A_548 = vector.broadcast %mul3A_547 : f32 to vector<16xf32>
      %mul3A_549 = arith.mulf %get3A_546, %mul3A_548 : vector<16xf32>
      %mul3A_550 = arith.constant 2 : i32
      %mul3A_551 = arith.muli %mul3A_550, %scan3A_240 : i32
      %add3A_552 = arith.constant 1 : i32
      %add3A_553 = arith.addi %mul3A_551, %add3A_552 : i32
      %swap3A_554 = arith.index_cast %add3A_553 : i32 to index
      %swap3A_555 = arith.constant 112 : index
      %swap3A_556 = tpu.vector_load %arg6[%swap3A_554, %swap3A_555] {strides = array<i32>} : memref<128x128xf32, #tpu.memory_space<vmem>>, vector<1x16xf32>,
      %swap3A_557 = vector.shape_cast %swap3A_556 : vector<1x16xf32> to vector<16xf32>
      %swap3A_558 = vector.shape_cast %mul3A_549 : vector<16xf32> to vector<1x16xf32>
      tpu.vector_store %arg6[%swap3A_554, %swap3A_555], %swap3A_558 {strides = array<i32>} : memref<128x128xf32, #tpu.memory_space<vmem>>, vector<1x16xf32>,
    }
    %scan3A_77 = arith.constant 64 : i32
    %add3A_78 = arith.constant 0 : i32
    %add3A_79 = arith.addi %mul3A_2, %add3A_78 : i32
    %dma_start3A_80 = arith.constant 0 : i32
    %dma_start3A_81 = tpu.memref_slice %arg4[%add3A_79, %dma_start3A_80] : memref<32768x128xf32, #tpu.memory_space<hbm>> -> memref<128x128xf32, #tpu.memory_space<hbm>>
    %dma_start3A_82 = arith.constant 0 : i32
    %dma_start3A_83 = tpu.memref_slice %arg4[%add3A_79, %dma_start3A_82] : memref<32768x128xf32, #tpu.memory_space<hbm>> -> memref<128x128xf32, #tpu.memory_space<hbm>>
    tpu.enqueue_dma source(%arg6 : memref<128x128xf32, #tpu.memory_space<vmem>>) target(%dma_start3A_83 : memref<128x128xf32, #tpu.memory_space<hbm>>) target_semaphore(%arg20 : memref<!tpu.dma_semaphore, #tpu.memory_space<semaphore_mem>>)
    %dma_wait3A_84 = arith.constant 0 : i32
    %dma_wait3A_85 = tpu.memref_slice %arg4[%add3A_79, %dma_wait3A_84] : memref<32768x128xf32, #tpu.memory_space<hbm>> -> memref<128x128xf32, #tpu.memory_space<hbm>>
    %dma_wait3A_86 = arith.constant 0 : i32
    %dma_wait3A_87 = tpu.memref_slice %arg4[%add3A_79, %dma_wait3A_86] : memref<32768x128xf32, #tpu.memory_space<hbm>> -> memref<128x128xf32, #tpu.memory_space<hbm>>
    tpu.wait_dma2 semaphore(%arg20 : memref<!tpu.dma_semaphore, #tpu.memory_space<semaphore_mem>>) src(%arg6 : memref<128x128xf32, #tpu.memory_space<vmem>>) dst(%dma_wait3A_87 : memref<128x128xf32, #tpu.memory_space<hbm>>)
    %dma_start3A_88 = arith.constant 896 : i32
    %dma_start3A_89 = tpu.memref_slice %arg5[%dma_start3A_88] : memref<1024xi32, #tpu.memory_space<vmem>> -> memref<128xi32, #tpu.memory_space<vmem>>
    %dma_start3A_90 = arith.constant 0 : i32
    %dma_start3A_91 = arith.constant 0 : i32
    %dma_start3A_92 = tpu.memref_slice %arg3[%dma_start3A_90, %dma_start3A_91] : memref<1000000x128xf32, #tpu.memory_space<hbm>> -> memref<1000000x128xf32, #tpu.memory_space<hbm>>
    tpu.enqueue_indirect_dma source(%dma_start3A_92 : memref<1000000x128xf32, #tpu.memory_space<hbm>>) target(%arg6 : memref<128x128xf32, #tpu.memory_space<vmem>>) offsets(%dma_start3A_89 : memref<128xi32, #tpu.memory_space<vmem>>) semaphore(%arg13 : memref<!tpu.dma_semaphore, #tpu.memory_space<semaphore_mem>>)
    %dma_wait3A_93 = arith.constant 128 : i32
    %dma_wait3A_94 = tpu.memref_slice %arg5[%dma_wait3A_93] : memref<1024xi32, #tpu.memory_space<vmem>> -> memref<128xi32, #tpu.memory_space<vmem>>
    %dma_wait3A_95 = arith.constant 0 : i32
    %dma_wait3A_96 = arith.constant 0 : i32
    %dma_wait3A_97 = tpu.memref_slice %arg3[%dma_wait3A_95, %dma_wait3A_96] : memref<1000000x128xf32, #tpu.memory_space<hbm>> -> memref<1000000x128xf32, #tpu.memory_space<hbm>>
    tpu.wait_indirect_dma semaphore(%arg14 : memref<!tpu.dma_semaphore, #tpu.memory_space<semaphore_mem>>) src(%dma_wait3A_97 : memref<1000000x128xf32, #tpu.memory_space<hbm>>) dst(%arg7 : memref<128x128xf32, #tpu.memory_space<vmem>>)
    %scan3A_98 = arith.constant 0 : i32
    %scan3A_99 = arith.constant 0 : i32
    %scan3A_100 = arith.constant 64 : i32
    %scan3A_101 = arith.addi %scan3A_99, %scan3A_100 : i32
    %scan3A_102 = arith.constant 1 : i32
    scf.for %scan3A_240 = %scan3A_99 to %scan3A_101 step %scan3A_102  : i32 {
      %mul3A_241 = arith.constant 2 : i32
      %mul3A_242 = arith.muli %mul3A_241, %scan3A_240 : i32
      %add3A_243 = arith.constant 0 : i32
      %add3A_244 = arith.addi %mul3A_242, %add3A_243 : i32
      %get3A = arith.index_cast %add3A_244 : i32 to index
      %get3A_245 = arith.constant 0 : index
      %get3A_246 = tpu.vector_load %arg7[%get3A, %get3A_245] {strides = array<i32>} : memref<128x128xf32, #tpu.memory_space<vmem>>, vector<1x16xf32>,
      %get3A_247 = vector.shape_cast %get3A_246 : vector<1x16xf32> to vector<16xf32>
      %mul3A_248 = arith.constant 11.3137083 : f32
      %mul3A_249 = vector.broadcast %mul3A_248 : f32 to vector<16xf32>
      %mul3A_250 = arith.mulf %get3A_247, %mul3A_249 : vector<16xf32>
      %mul3A_251 = arith.constant 2 : i32
      %mul3A_252 = arith.muli %mul3A_251, %scan3A_240 : i32
      %add3A_253 = arith.constant 0 : i32
      %add3A_254 = arith.addi %mul3A_252, %add3A_253 : i32
      %swap3A = arith.index_cast %add3A_254 : i32 to index
      %swap3A_255 = arith.constant 0 : index
      %swap3A_256 = tpu.vector_load %arg7[%swap3A, %swap3A_255] {strides = array<i32>} : memref<128x128xf32, #tpu.memory_space<vmem>>, vector<1x16xf32>,
      %swap3A_257 = vector.shape_cast %swap3A_256 : vector<1x16xf32> to vector<16xf32>
      %swap3A_258 = vector.shape_cast %mul3A_250 : vector<16xf32> to vector<1x16xf32>
      tpu.vector_store %arg7[%swap3A, %swap3A_255], %swap3A_258 {strides = array<i32>} : memref<128x128xf32, #tpu.memory_space<vmem>>, vector<1x16xf32>,
      %mul3A_259 = arith.constant 2 : i32
      %mul3A_260 = arith.muli %mul3A_259, %scan3A_240 : i32
      %add3A_261 = arith.constant 0 : i32
      %add3A_262 = arith.addi %mul3A_260, %add3A_261 : i32
      %get3A_263 = arith.index_cast %add3A_262 : i32 to index
      %get3A_264 = arith.constant 16 : index
      %get3A_265 = tpu.vector_load %arg7[%get3A_263, %get3A_264] {strides = array<i32>} : memref<128x128xf32, #tpu.memory_space<vmem>>, vector<1x16xf32>,
      %get3A_266 = vector.shape_cast %get3A_265 : vector<1x16xf32> to vector<16xf32>
      %mul3A_267 = arith.constant 11.3137083 : f32
      %mul3A_268 = vector.broadcast %mul3A_267 : f32 to vector<16xf32>
      %mul3A_269 = arith.mulf %get3A_266, %mul3A_268 : vector<16xf32>
      %mul3A_270 = arith.constant 2 : i32
      %mul3A_271 = arith.muli %mul3A_270, %scan3A_240 : i32
      %add3A_272 = arith.constant 0 : i32
      %add3A_273 = arith.addi %mul3A_271, %add3A_272 : i32
      %swap3A_274 = arith.index_cast %add3A_273 : i32 to index
      %swap3A_275 = arith.constant 16 : index
      %swap3A_276 = tpu.vector_load %arg7[%swap3A_274, %swap3A_275] {strides = array<i32>} : memref<128x128xf32, #tpu.memory_space<vmem>>, vector<1x16xf32>,
      %swap3A_277 = vector.shape_cast %swap3A_276 : vector<1x16xf32> to vector<16xf32>
      %swap3A_278 = vector.shape_cast %mul3A_269 : vector<16xf32> to vector<1x16xf32>
      tpu.vector_store %arg7[%swap3A_274, %swap3A_275], %swap3A_278 {strides = array<i32>} : memref<128x128xf32, #tpu.memory_space<vmem>>, vector<1x16xf32>,
      %mul3A_279 = arith.constant 2 : i32
      %mul3A_280 = arith.muli %mul3A_279, %scan3A_240 : i32
      %add3A_281 = arith.constant 0 : i32
      %add3A_282 = arith.addi %mul3A_280, %add3A_281 : i32
      %get3A_283 = arith.index_cast %add3A_282 : i32 to index
      %get3A_284 = arith.constant 32 : index
      %get3A_285 = tpu.vector_load %arg7[%get3A_283, %get3A_284] {strides = array<i32>} : memref<128x128xf32, #tpu.memory_space<vmem>>, vector<1x16xf32>,
      %get3A_286 = vector.shape_cast %get3A_285 : vector<1x16xf32> to vector<16xf32>
      %mul3A_287 = arith.constant 11.3137083 : f32
      %mul3A_288 = vector.broadcast %mul3A_287 : f32 to vector<16xf32>
      %mul3A_289 = arith.mulf %get3A_286, %mul3A_288 : vector<16xf32>
      %mul3A_290 = arith.constant 2 : i32
      %mul3A_291 = arith.muli %mul3A_290, %scan3A_240 : i32
      %add3A_292 = arith.constant 0 : i32
      %add3A_293 = arith.addi %mul3A_291, %add3A_292 : i32
      %swap3A_294 = arith.index_cast %add3A_293 : i32 to index
      %swap3A_295 = arith.constant 32 : index
      %swap3A_296 = tpu.vector_load %arg7[%swap3A_294, %swap3A_295] {strides = array<i32>} : memref<128x128xf32, #tpu.memory_space<vmem>>, vector<1x16xf32>,
      %swap3A_297 = vector.shape_cast %swap3A_296 : vector<1x16xf32> to vector<16xf32>
      %swap3A_298 = vector.shape_cast %mul3A_289 : vector<16xf32> to vector<1x16xf32>
      tpu.vector_store %arg7[%swap3A_294, %swap3A_295], %swap3A_298 {strides = array<i32>} : memref<128x128xf32, #tpu.memory_space<vmem>>, vector<1x16xf32>,
      %mul3A_299 = arith.constant 2 : i32
      %mul3A_300 = arith.muli %mul3A_299, %scan3A_240 : i32
      %add3A_301 = arith.constant 0 : i32
      %add3A_302 = arith.addi %mul3A_300, %add3A_301 : i32
      %get3A_303 = arith.index_cast %add3A_302 : i32 to index
      %get3A_304 = arith.constant 48 : index
      %get3A_305 = tpu.vector_load %arg7[%get3A_303, %get3A_304] {strides = array<i32>} : memref<128x128xf32, #tpu.memory_space<vmem>>, vector<1x16xf32>,
      %get3A_306 = vector.shape_cast %get3A_305 : vector<1x16xf32> to vector<16xf32>
      %mul3A_307 = arith.constant 11.3137083 : f32
      %mul3A_308 = vector.broadcast %mul3A_307 : f32 to vector<16xf32>
      %mul3A_309 = arith.mulf %get3A_306, %mul3A_308 : vector<16xf32>
      %mul3A_310 = arith.constant 2 : i32
      %mul3A_311 = arith.muli %mul3A_310, %scan3A_240 : i32
      %add3A_312 = arith.constant 0 : i32
      %add3A_313 = arith.addi %mul3A_311, %add3A_312 : i32
      %swap3A_314 = arith.index_cast %add3A_313 : i32 to index
      %swap3A_315 = arith.constant 48 : index
      %swap3A_316 = tpu.vector_load %arg7[%swap3A_314, %swap3A_315] {strides = array<i32>} : memref<128x128xf32, #tpu.memory_space<vmem>>, vector<1x16xf32>,
      %swap3A_317 = vector.shape_cast %swap3A_316 : vector<1x16xf32> to vector<16xf32>
      %swap3A_318 = vector.shape_cast %mul3A_309 : vector<16xf32> to vector<1x16xf32>
      tpu.vector_store %arg7[%swap3A_314, %swap3A_315], %swap3A_318 {strides = array<i32>} : memref<128x128xf32, #tpu.memory_space<vmem>>, vector<1x16xf32>,
      %mul3A_319 = arith.constant 2 : i32
      %mul3A_320 = arith.muli %mul3A_319, %scan3A_240 : i32
      %add3A_321 = arith.constant 0 : i32
      %add3A_322 = arith.addi %mul3A_320, %add3A_321 : i32
      %get3A_323 = arith.index_cast %add3A_322 : i32 to index
      %get3A_324 = arith.constant 64 : index
      %get3A_325 = tpu.vector_load %arg7[%get3A_323, %get3A_324] {strides = array<i32>} : memref<128x128xf32, #tpu.memory_space<vmem>>, vector<1x16xf32>,
      %get3A_326 = vector.shape_cast %get3A_325 : vector<1x16xf32> to vector<16xf32>
      %mul3A_327 = arith.constant 11.3137083 : f32
      %mul3A_328 = vector.broadcast %mul3A_327 : f32 to vector<16xf32>
      %mul3A_329 = arith.mulf %get3A_326, %mul3A_328 : vector<16xf32>
      %mul3A_330 = arith.constant 2 : i32
      %mul3A_331 = arith.muli %mul3A_330, %scan3A_240 : i32
      %add3A_332 = arith.constant 0 : i32
      %add3A_333 = arith.addi %mul3A_331, %add3A_332 : i32
      %swap3A_334 = arith.index_cast %add3A_333 : i32 to index
      %swap3A_335 = arith.constant 64 : index
      %swap3A_336 = tpu.vector_load %arg7[%swap3A_334, %swap3A_335] {strides = array<i32>} : memref<128x128xf32, #tpu.memory_space<vmem>>, vector<1x16xf32>,
      %swap3A_337 = vector.shape_cast %swap3A_336 : vector<1x16xf32> to vector<16xf32>
      %swap3A_338 = vector.shape_cast %mul3A_329 : vector<16xf32> to vector<1x16xf32>
      tpu.vector_store %arg7[%swap3A_334, %swap3A_335], %swap3A_338 {strides = array<i32>} : memref<128x128xf32, #tpu.memory_space<vmem>>, vector<1x16xf32>,
      %mul3A_339 = arith.constant 2 : i32
      %mul3A_340 = arith.muli %mul3A_339, %scan3A_240 : i32
      %add3A_341 = arith.constant 0 : i32
      %add3A_342 = arith.addi %mul3A_340, %add3A_341 : i32
      %get3A_343 = arith.index_cast %add3A_342 : i32 to index
      %get3A_344 = arith.constant 80 : index
      %get3A_345 = tpu.vector_load %arg7[%get3A_343, %get3A_344] {strides = array<i32>} : memref<128x128xf32, #tpu.memory_space<vmem>>, vector<1x16xf32>,
      %get3A_346 = vector.shape_cast %get3A_345 : vector<1x16xf32> to vector<16xf32>
      %mul3A_347 = arith.constant 11.3137083 : f32
      %mul3A_348 = vector.broadcast %mul3A_347 : f32 to vector<16xf32>
      %mul3A_349 = arith.mulf %get3A_346, %mul3A_348 : vector<16xf32>
      %mul3A_350 = arith.constant 2 : i32
      %mul3A_351 = arith.muli %mul3A_350, %scan3A_240 : i32
      %add3A_352 = arith.constant 0 : i32
      %add3A_353 = arith.addi %mul3A_351, %add3A_352 : i32
      %swap3A_354 = arith.index_cast %add3A_353 : i32 to index
      %swap3A_355 = arith.constant 80 : index
      %swap3A_356 = tpu.vector_load %arg7[%swap3A_354, %swap3A_355] {strides = array<i32>} : memref<128x128xf32, #tpu.memory_space<vmem>>, vector<1x16xf32>,
      %swap3A_357 = vector.shape_cast %swap3A_356 : vector<1x16xf32> to vector<16xf32>
      %swap3A_358 = vector.shape_cast %mul3A_349 : vector<16xf32> to vector<1x16xf32>
      tpu.vector_store %arg7[%swap3A_354, %swap3A_355], %swap3A_358 {strides = array<i32>} : memref<128x128xf32, #tpu.memory_space<vmem>>, vector<1x16xf32>,
      %mul3A_359 = arith.constant 2 : i32
      %mul3A_360 = arith.muli %mul3A_359, %scan3A_240 : i32
      %add3A_361 = arith.constant 0 : i32
      %add3A_362 = arith.addi %mul3A_360, %add3A_361 : i32
      %get3A_363 = arith.index_cast %add3A_362 : i32 to index
      %get3A_364 = arith.constant 96 : index
      %get3A_365 = tpu.vector_load %arg7[%get3A_363, %get3A_364] {strides = array<i32>} : memref<128x128xf32, #tpu.memory_space<vmem>>, vector<1x16xf32>,
      %get3A_366 = vector.shape_cast %get3A_365 : vector<1x16xf32> to vector<16xf32>
      %mul3A_367 = arith.constant 11.3137083 : f32
      %mul3A_368 = vector.broadcast %mul3A_367 : f32 to vector<16xf32>
      %mul3A_369 = arith.mulf %get3A_366, %mul3A_368 : vector<16xf32>
      %mul3A_370 = arith.constant 2 : i32
      %mul3A_371 = arith.muli %mul3A_370, %scan3A_240 : i32
      %add3A_372 = arith.constant 0 : i32
      %add3A_373 = arith.addi %mul3A_371, %add3A_372 : i32
      %swap3A_374 = arith.index_cast %add3A_373 : i32 to index
      %swap3A_375 = arith.constant 96 : index
      %swap3A_376 = tpu.vector_load %arg7[%swap3A_374, %swap3A_375] {strides = array<i32>} : memref<128x128xf32, #tpu.memory_space<vmem>>, vector<1x16xf32>,
      %swap3A_377 = vector.shape_cast %swap3A_376 : vector<1x16xf32> to vector<16xf32>
      %swap3A_378 = vector.shape_cast %mul3A_369 : vector<16xf32> to vector<1x16xf32>
      tpu.vector_store %arg7[%swap3A_374, %swap3A_375], %swap3A_378 {strides = array<i32>} : memref<128x128xf32, #tpu.memory_space<vmem>>, vector<1x16xf32>,
      %mul3A_379 = arith.constant 2 : i32
      %mul3A_380 = arith.muli %mul3A_379, %scan3A_240 : i32
      %add3A_381 = arith.constant 0 : i32
      %add3A_382 = arith.addi %mul3A_380, %add3A_381 : i32
      %get3A_383 = arith.index_cast %add3A_382 : i32 to index
      %get3A_384 = arith.constant 112 : index
      %get3A_385 = tpu.vector_load %arg7[%get3A_383, %get3A_384] {strides = array<i32>} : memref<128x128xf32, #tpu.memory_space<vmem>>, vector<1x16xf32>,
      %get3A_386 = vector.shape_cast %get3A_385 : vector<1x16xf32> to vector<16xf32>
      %mul3A_387 = arith.constant 11.3137083 : f32
      %mul3A_388 = vector.broadcast %mul3A_387 : f32 to vector<16xf32>
      %mul3A_389 = arith.mulf %get3A_386, %mul3A_388 : vector<16xf32>
      %mul3A_390 = arith.constant 2 : i32
      %mul3A_391 = arith.muli %mul3A_390, %scan3A_240 : i32
      %add3A_392 = arith.constant 0 : i32
      %add3A_393 = arith.addi %mul3A_391, %add3A_392 : i32
      %swap3A_394 = arith.index_cast %add3A_393 : i32 to index
      %swap3A_395 = arith.constant 112 : index
      %swap3A_396 = tpu.vector_load %arg7[%swap3A_394, %swap3A_395] {strides = array<i32>} : memref<128x128xf32, #tpu.memory_space<vmem>>, vector<1x16xf32>,
      %swap3A_397 = vector.shape_cast %swap3A_396 : vector<1x16xf32> to vector<16xf32>
      %swap3A_398 = vector.shape_cast %mul3A_389 : vector<16xf32> to vector<1x16xf32>
      tpu.vector_store %arg7[%swap3A_394, %swap3A_395], %swap3A_398 {strides = array<i32>} : memref<128x128xf32, #tpu.memory_space<vmem>>, vector<1x16xf32>,
      %mul3A_399 = arith.constant 2 : i32
      %mul3A_400 = arith.muli %mul3A_399, %scan3A_240 : i32
      %add3A_401 = arith.constant 1 : i32
      %add3A_402 = arith.addi %mul3A_400, %add3A_401 : i32
      %get3A_403 = arith.index_cast %add3A_402 : i32 to index
      %get3A_404 = arith.constant 0 : index
      %get3A_405 = tpu.vector_load %arg7[%get3A_403, %get3A_404] {strides = array<i32>} : memref<128x128xf32, #tpu.memory_space<vmem>>, vector<1x16xf32>,
      %get3A_406 = vector.shape_cast %get3A_405 : vector<1x16xf32> to vector<16xf32>
      %mul3A_407 = arith.constant 11.3137083 : f32
      %mul3A_408 = vector.broadcast %mul3A_407 : f32 to vector<16xf32>
      %mul3A_409 = arith.mulf %get3A_406, %mul3A_408 : vector<16xf32>
      %mul3A_410 = arith.constant 2 : i32
      %mul3A_411 = arith.muli %mul3A_410, %scan3A_240 : i32
      %add3A_412 = arith.constant 1 : i32
      %add3A_413 = arith.addi %mul3A_411, %add3A_412 : i32
      %swap3A_414 = arith.index_cast %add3A_413 : i32 to index
      %swap3A_415 = arith.constant 0 : index
      %swap3A_416 = tpu.vector_load %arg7[%swap3A_414, %swap3A_415] {strides = array<i32>} : memref<128x128xf32, #tpu.memory_space<vmem>>, vector<1x16xf32>,
      %swap3A_417 = vector.shape_cast %swap3A_416 : vector<1x16xf32> to vector<16xf32>
      %swap3A_418 = vector.shape_cast %mul3A_409 : vector<16xf32> to vector<1x16xf32>
      tpu.vector_store %arg7[%swap3A_414, %swap3A_415], %swap3A_418 {strides = array<i32>} : memref<128x128xf32, #tpu.memory_space<vmem>>, vector<1x16xf32>,
      %mul3A_419 = arith.constant 2 : i32
      %mul3A_420 = arith.muli %mul3A_419, %scan3A_240 : i32
      %add3A_421 = arith.constant 1 : i32
      %add3A_422 = arith.addi %mul3A_420, %add3A_421 : i32
      %get3A_423 = arith.index_cast %add3A_422 : i32 to index
      %get3A_424 = arith.constant 16 : index
      %get3A_425 = tpu.vector_load %arg7[%get3A_423, %get3A_424] {strides = array<i32>} : memref<128x128xf32, #tpu.memory_space<vmem>>, vector<1x16xf32>,
      %get3A_426 = vector.shape_cast %get3A_425 : vector<1x16xf32> to vector<16xf32>
      %mul3A_427 = arith.constant 11.3137083 : f32
      %mul3A_428 = vector.broadcast %mul3A_427 : f32 to vector<16xf32>
      %mul3A_429 = arith.mulf %get3A_426, %mul3A_428 : vector<16xf32>
      %mul3A_430 = arith.constant 2 : i32
      %mul3A_431 = arith.muli %mul3A_430, %scan3A_240 : i32
      %add3A_432 = arith.constant 1 : i32
      %add3A_433 = arith.addi %mul3A_431, %add3A_432 : i32
      %swap3A_434 = arith.index_cast %add3A_433 : i32 to index
      %swap3A_435 = arith.constant 16 : index
      %swap3A_436 = tpu.vector_load %arg7[%swap3A_434, %swap3A_435] {strides = array<i32>} : memref<128x128xf32, #tpu.memory_space<vmem>>, vector<1x16xf32>,
      %swap3A_437 = vector.shape_cast %swap3A_436 : vector<1x16xf32> to vector<16xf32>
      %swap3A_438 = vector.shape_cast %mul3A_429 : vector<16xf32> to vector<1x16xf32>
      tpu.vector_store %arg7[%swap3A_434, %swap3A_435], %swap3A_438 {strides = array<i32>} : memref<128x128xf32, #tpu.memory_space<vmem>>, vector<1x16xf32>,
      %mul3A_439 = arith.constant 2 : i32
      %mul3A_440 = arith.muli %mul3A_439, %scan3A_240 : i32
      %add3A_441 = arith.constant 1 : i32
      %add3A_442 = arith.addi %mul3A_440, %add3A_441 : i32
      %get3A_443 = arith.index_cast %add3A_442 : i32 to index
      %get3A_444 = arith.constant 32 : index
      %get3A_445 = tpu.vector_load %arg7[%get3A_443, %get3A_444] {strides = array<i32>} : memref<128x128xf32, #tpu.memory_space<vmem>>, vector<1x16xf32>,
      %get3A_446 = vector.shape_cast %get3A_445 : vector<1x16xf32> to vector<16xf32>
      %mul3A_447 = arith.constant 11.3137083 : f32
      %mul3A_448 = vector.broadcast %mul3A_447 : f32 to vector<16xf32>
      %mul3A_449 = arith.mulf %get3A_446, %mul3A_448 : vector<16xf32>
      %mul3A_450 = arith.constant 2 : i32
      %mul3A_451 = arith.muli %mul3A_450, %scan3A_240 : i32
      %add3A_452 = arith.constant 1 : i32
      %add3A_453 = arith.addi %mul3A_451, %add3A_452 : i32
      %swap3A_454 = arith.index_cast %add3A_453 : i32 to index
      %swap3A_455 = arith.constant 32 : index
      %swap3A_456 = tpu.vector_load %arg7[%swap3A_454, %swap3A_455] {strides = array<i32>} : memref<128x128xf32, #tpu.memory_space<vmem>>, vector<1x16xf32>,
      %swap3A_457 = vector.shape_cast %swap3A_456 : vector<1x16xf32> to vector<16xf32>
      %swap3A_458 = vector.shape_cast %mul3A_449 : vector<16xf32> to vector<1x16xf32>
      tpu.vector_store %arg7[%swap3A_454, %swap3A_455], %swap3A_458 {strides = array<i32>} : memref<128x128xf32, #tpu.memory_space<vmem>>, vector<1x16xf32>,
      %mul3A_459 = arith.constant 2 : i32
      %mul3A_460 = arith.muli %mul3A_459, %scan3A_240 : i32
      %add3A_461 = arith.constant 1 : i32
      %add3A_462 = arith.addi %mul3A_460, %add3A_461 : i32
      %get3A_463 = arith.index_cast %add3A_462 : i32 to index
      %get3A_464 = arith.constant 48 : index
      %get3A_465 = tpu.vector_load %arg7[%get3A_463, %get3A_464] {strides = array<i32>} : memref<128x128xf32, #tpu.memory_space<vmem>>, vector<1x16xf32>,
      %get3A_466 = vector.shape_cast %get3A_465 : vector<1x16xf32> to vector<16xf32>
      %mul3A_467 = arith.constant 11.3137083 : f32
      %mul3A_468 = vector.broadcast %mul3A_467 : f32 to vector<16xf32>
      %mul3A_469 = arith.mulf %get3A_466, %mul3A_468 : vector<16xf32>
      %mul3A_470 = arith.constant 2 : i32
      %mul3A_471 = arith.muli %mul3A_470, %scan3A_240 : i32
      %add3A_472 = arith.constant 1 : i32
      %add3A_473 = arith.addi %mul3A_471, %add3A_472 : i32
      %swap3A_474 = arith.index_cast %add3A_473 : i32 to index
      %swap3A_475 = arith.constant 48 : index
      %swap3A_476 = tpu.vector_load %arg7[%swap3A_474, %swap3A_475] {strides = array<i32>} : memref<128x128xf32, #tpu.memory_space<vmem>>, vector<1x16xf32>,
      %swap3A_477 = vector.shape_cast %swap3A_476 : vector<1x16xf32> to vector<16xf32>
      %swap3A_478 = vector.shape_cast %mul3A_469 : vector<16xf32> to vector<1x16xf32>
      tpu.vector_store %arg7[%swap3A_474, %swap3A_475], %swap3A_478 {strides = array<i32>} : memref<128x128xf32, #tpu.memory_space<vmem>>, vector<1x16xf32>,
      %mul3A_479 = arith.constant 2 : i32
      %mul3A_480 = arith.muli %mul3A_479, %scan3A_240 : i32
      %add3A_481 = arith.constant 1 : i32
      %add3A_482 = arith.addi %mul3A_480, %add3A_481 : i32
      %get3A_483 = arith.index_cast %add3A_482 : i32 to index
      %get3A_484 = arith.constant 64 : index
      %get3A_485 = tpu.vector_load %arg7[%get3A_483, %get3A_484] {strides = array<i32>} : memref<128x128xf32, #tpu.memory_space<vmem>>, vector<1x16xf32>,
      %get3A_486 = vector.shape_cast %get3A_485 : vector<1x16xf32> to vector<16xf32>
      %mul3A_487 = arith.constant 11.3137083 : f32
      %mul3A_488 = vector.broadcast %mul3A_487 : f32 to vector<16xf32>
      %mul3A_489 = arith.mulf %get3A_486, %mul3A_488 : vector<16xf32>
      %mul3A_490 = arith.constant 2 : i32
      %mul3A_491 = arith.muli %mul3A_490, %scan3A_240 : i32
      %add3A_492 = arith.constant 1 : i32
      %add3A_493 = arith.addi %mul3A_491, %add3A_492 : i32
      %swap3A_494 = arith.index_cast %add3A_493 : i32 to index
      %swap3A_495 = arith.constant 64 : index
      %swap3A_496 = tpu.vector_load %arg7[%swap3A_494, %swap3A_495] {strides = array<i32>} : memref<128x128xf32, #tpu.memory_space<vmem>>, vector<1x16xf32>,
      %swap3A_497 = vector.shape_cast %swap3A_496 : vector<1x16xf32> to vector<16xf32>
      %swap3A_498 = vector.shape_cast %mul3A_489 : vector<16xf32> to vector<1x16xf32>
      tpu.vector_store %arg7[%swap3A_494, %swap3A_495], %swap3A_498 {strides = array<i32>} : memref<128x128xf32, #tpu.memory_space<vmem>>, vector<1x16xf32>,
      %mul3A_499 = arith.constant 2 : i32
      %mul3A_500 = arith.muli %mul3A_499, %scan3A_240 : i32
      %add3A_501 = arith.constant 1 : i32
      %add3A_502 = arith.addi %mul3A_500, %add3A_501 : i32
      %get3A_503 = arith.index_cast %add3A_502 : i32 to index
      %get3A_504 = arith.constant 80 : index
      %get3A_505 = tpu.vector_load %arg7[%get3A_503, %get3A_504] {strides = array<i32>} : memref<128x128xf32, #tpu.memory_space<vmem>>, vector<1x16xf32>,
      %get3A_506 = vector.shape_cast %get3A_505 : vector<1x16xf32> to vector<16xf32>
      %mul3A_507 = arith.constant 11.3137083 : f32
      %mul3A_508 = vector.broadcast %mul3A_507 : f32 to vector<16xf32>
      %mul3A_509 = arith.mulf %get3A_506, %mul3A_508 : vector<16xf32>
      %mul3A_510 = arith.constant 2 : i32
      %mul3A_511 = arith.muli %mul3A_510, %scan3A_240 : i32
      %add3A_512 = arith.constant 1 : i32
      %add3A_513 = arith.addi %mul3A_511, %add3A_512 : i32
      %swap3A_514 = arith.index_cast %add3A_513 : i32 to index
      %swap3A_515 = arith.constant 80 : index
      %swap3A_516 = tpu.vector_load %arg7[%swap3A_514, %swap3A_515] {strides = array<i32>} : memref<128x128xf32, #tpu.memory_space<vmem>>, vector<1x16xf32>,
      %swap3A_517 = vector.shape_cast %swap3A_516 : vector<1x16xf32> to vector<16xf32>
      %swap3A_518 = vector.shape_cast %mul3A_509 : vector<16xf32> to vector<1x16xf32>
      tpu.vector_store %arg7[%swap3A_514, %swap3A_515], %swap3A_518 {strides = array<i32>} : memref<128x128xf32, #tpu.memory_space<vmem>>, vector<1x16xf32>,
      %mul3A_519 = arith.constant 2 : i32
      %mul3A_520 = arith.muli %mul3A_519, %scan3A_240 : i32
      %add3A_521 = arith.constant 1 : i32
      %add3A_522 = arith.addi %mul3A_520, %add3A_521 : i32
      %get3A_523 = arith.index_cast %add3A_522 : i32 to index
      %get3A_524 = arith.constant 96 : index
      %get3A_525 = tpu.vector_load %arg7[%get3A_523, %get3A_524] {strides = array<i32>} : memref<128x128xf32, #tpu.memory_space<vmem>>, vector<1x16xf32>,
      %get3A_526 = vector.shape_cast %get3A_525 : vector<1x16xf32> to vector<16xf32>
      %mul3A_527 = arith.constant 11.3137083 : f32
      %mul3A_528 = vector.broadcast %mul3A_527 : f32 to vector<16xf32>
      %mul3A_529 = arith.mulf %get3A_526, %mul3A_528 : vector<16xf32>
      %mul3A_530 = arith.constant 2 : i32
      %mul3A_531 = arith.muli %mul3A_530, %scan3A_240 : i32
      %add3A_532 = arith.constant 1 : i32
      %add3A_533 = arith.addi %mul3A_531, %add3A_532 : i32
      %swap3A_534 = arith.index_cast %add3A_533 : i32 to index
      %swap3A_535 = arith.constant 96 : index
      %swap3A_536 = tpu.vector_load %arg7[%swap3A_534, %swap3A_535] {strides = array<i32>} : memref<128x128xf32, #tpu.memory_space<vmem>>, vector<1x16xf32>,
      %swap3A_537 = vector.shape_cast %swap3A_536 : vector<1x16xf32> to vector<16xf32>
      %swap3A_538 = vector.shape_cast %mul3A_529 : vector<16xf32> to vector<1x16xf32>
      tpu.vector_store %arg7[%swap3A_534, %swap3A_535], %swap3A_538 {strides = array<i32>} : memref<128x128xf32, #tpu.memory_space<vmem>>, vector<1x16xf32>,
      %mul3A_539 = arith.constant 2 : i32
      %mul3A_540 = arith.muli %mul3A_539, %scan3A_240 : i32
      %add3A_541 = arith.constant 1 : i32
      %add3A_542 = arith.addi %mul3A_540, %add3A_541 : i32
      %get3A_543 = arith.index_cast %add3A_542 : i32 to index
      %get3A_544 = arith.constant 112 : index
      %get3A_545 = tpu.vector_load %arg7[%get3A_543, %get3A_544] {strides = array<i32>} : memref<128x128xf32, #tpu.memory_space<vmem>>, vector<1x16xf32>,
      %get3A_546 = vector.shape_cast %get3A_545 : vector<1x16xf32> to vector<16xf32>
      %mul3A_547 = arith.constant 11.3137083 : f32
      %mul3A_548 = vector.broadcast %mul3A_547 : f32 to vector<16xf32>
      %mul3A_549 = arith.mulf %get3A_546, %mul3A_548 : vector<16xf32>
      %mul3A_550 = arith.constant 2 : i32
      %mul3A_551 = arith.muli %mul3A_550, %scan3A_240 : i32
      %add3A_552 = arith.constant 1 : i32
      %add3A_553 = arith.addi %mul3A_551, %add3A_552 : i32
      %swap3A_554 = arith.index_cast %add3A_553 : i32 to index
      %swap3A_555 = arith.constant 112 : index
      %swap3A_556 = tpu.vector_load %arg7[%swap3A_554, %swap3A_555] {strides = array<i32>} : memref<128x128xf32, #tpu.memory_space<vmem>>, vector<1x16xf32>,
      %swap3A_557 = vector.shape_cast %swap3A_556 : vector<1x16xf32> to vector<16xf32>
      %swap3A_558 = vector.shape_cast %mul3A_549 : vector<16xf32> to vector<1x16xf32>
      tpu.vector_store %arg7[%swap3A_554, %swap3A_555], %swap3A_558 {strides = array<i32>} : memref<128x128xf32, #tpu.memory_space<vmem>>, vector<1x16xf32>,
    }
    %scan3A_103 = arith.constant 64 : i32
    %add3A_104 = arith.constant 128 : i32
    %add3A_105 = arith.addi %mul3A_2, %add3A_104 : i32
    %dma_start3A_106 = arith.constant 0 : i32
    %dma_start3A_107 = tpu.memref_slice %arg4[%add3A_105, %dma_start3A_106] : memref<32768x128xf32, #tpu.memory_space<hbm>> -> memref<128x128xf32, #tpu.memory_space<hbm>>
    %dma_start3A_108 = arith.constant 0 : i32
    %dma_start3A_109 = tpu.memref_slice %arg4[%add3A_105, %dma_start3A_108] : memref<32768x128xf32, #tpu.memory_space<hbm>> -> memref<128x128xf32, #tpu.memory_space<hbm>>
    tpu.enqueue_dma source(%arg7 : memref<128x128xf32, #tpu.memory_space<vmem>>) target(%dma_start3A_109 : memref<128x128xf32, #tpu.memory_space<hbm>>) target_semaphore(%arg21 : memref<!tpu.dma_semaphore, #tpu.memory_space<semaphore_mem>>)
    %dma_wait3A_110 = arith.constant 256 : i32
    %dma_wait3A_111 = tpu.memref_slice %arg5[%dma_wait3A_110] : memref<1024xi32, #tpu.memory_space<vmem>> -> memref<128xi32, #tpu.memory_space<vmem>>
    %dma_wait3A_112 = arith.constant 0 : i32
    %dma_wait3A_113 = arith.constant 0 : i32
    %dma_wait3A_114 = tpu.memref_slice %arg3[%dma_wait3A_112, %dma_wait3A_113] : memref<1000000x128xf32, #tpu.memory_space<hbm>> -> memref<1000000x128xf32, #tpu.memory_space<hbm>>
    tpu.wait_indirect_dma semaphore(%arg15 : memref<!tpu.dma_semaphore, #tpu.memory_space<semaphore_mem>>) src(%dma_wait3A_114 : memref<1000000x128xf32, #tpu.memory_space<hbm>>) dst(%arg8 : memref<128x128xf32, #tpu.memory_space<vmem>>)
    %scan3A_115 = arith.constant 0 : i32
    %scan3A_116 = arith.constant 0 : i32
    %scan3A_117 = arith.constant 64 : i32
    %scan3A_118 = arith.addi %scan3A_116, %scan3A_117 : i32
    %scan3A_119 = arith.constant 1 : i32
    scf.for %scan3A_240 = %scan3A_116 to %scan3A_118 step %scan3A_119  : i32 {
      %mul3A_241 = arith.constant 2 : i32
      %mul3A_242 = arith.muli %mul3A_241, %scan3A_240 : i32
      %add3A_243 = arith.constant 0 : i32
      %add3A_244 = arith.addi %mul3A_242, %add3A_243 : i32
      %get3A = arith.index_cast %add3A_244 : i32 to index
      %get3A_245 = arith.constant 0 : index
      %get3A_246 = tpu.vector_load %arg8[%get3A, %get3A_245] {strides = array<i32>} : memref<128x128xf32, #tpu.memory_space<vmem>>, vector<1x16xf32>,
      %get3A_247 = vector.shape_cast %get3A_246 : vector<1x16xf32> to vector<16xf32>
      %mul3A_248 = arith.constant 11.3137083 : f32
      %mul3A_249 = vector.broadcast %mul3A_248 : f32 to vector<16xf32>
      %mul3A_250 = arith.mulf %get3A_247, %mul3A_249 : vector<16xf32>
      %mul3A_251 = arith.constant 2 : i32
      %mul3A_252 = arith.muli %mul3A_251, %scan3A_240 : i32
      %add3A_253 = arith.constant 0 : i32
      %add3A_254 = arith.addi %mul3A_252, %add3A_253 : i32
      %swap3A = arith.index_cast %add3A_254 : i32 to index
      %swap3A_255 = arith.constant 0 : index
      %swap3A_256 = tpu.vector_load %arg8[%swap3A, %swap3A_255] {strides = array<i32>} : memref<128x128xf32, #tpu.memory_space<vmem>>, vector<1x16xf32>,
      %swap3A_257 = vector.shape_cast %swap3A_256 : vector<1x16xf32> to vector<16xf32>
      %swap3A_258 = vector.shape_cast %mul3A_250 : vector<16xf32> to vector<1x16xf32>
      tpu.vector_store %arg8[%swap3A, %swap3A_255], %swap3A_258 {strides = array<i32>} : memref<128x128xf32, #tpu.memory_space<vmem>>, vector<1x16xf32>,
      %mul3A_259 = arith.constant 2 : i32
      %mul3A_260 = arith.muli %mul3A_259, %scan3A_240 : i32
      %add3A_261 = arith.constant 0 : i32
      %add3A_262 = arith.addi %mul3A_260, %add3A_261 : i32
      %get3A_263 = arith.index_cast %add3A_262 : i32 to index
      %get3A_264 = arith.constant 16 : index
      %get3A_265 = tpu.vector_load %arg8[%get3A_263, %get3A_264] {strides = array<i32>} : memref<128x128xf32, #tpu.memory_space<vmem>>, vector<1x16xf32>,
      %get3A_266 = vector.shape_cast %get3A_265 : vector<1x16xf32> to vector<16xf32>
      %mul3A_267 = arith.constant 11.3137083 : f32
      %mul3A_268 = vector.broadcast %mul3A_267 : f32 to vector<16xf32>
      %mul3A_269 = arith.mulf %get3A_266, %mul3A_268 : vector<16xf32>
      %mul3A_270 = arith.constant 2 : i32
      %mul3A_271 = arith.muli %mul3A_270, %scan3A_240 : i32
      %add3A_272 = arith.constant 0 : i32
      %add3A_273 = arith.addi %mul3A_271, %add3A_272 : i32
      %swap3A_274 = arith.index_cast %add3A_273 : i32 to index
      %swap3A_275 = arith.constant 16 : index
      %swap3A_276 = tpu.vector_load %arg8[%swap3A_274, %swap3A_275] {strides = array<i32>} : memref<128x128xf32, #tpu.memory_space<vmem>>, vector<1x16xf32>,
      %swap3A_277 = vector.shape_cast %swap3A_276 : vector<1x16xf32> to vector<16xf32>
      %swap3A_278 = vector.shape_cast %mul3A_269 : vector<16xf32> to vector<1x16xf32>
      tpu.vector_store %arg8[%swap3A_274, %swap3A_275], %swap3A_278 {strides = array<i32>} : memref<128x128xf32, #tpu.memory_space<vmem>>, vector<1x16xf32>,
      %mul3A_279 = arith.constant 2 : i32
      %mul3A_280 = arith.muli %mul3A_279, %scan3A_240 : i32
      %add3A_281 = arith.constant 0 : i32
      %add3A_282 = arith.addi %mul3A_280, %add3A_281 : i32
      %get3A_283 = arith.index_cast %add3A_282 : i32 to index
      %get3A_284 = arith.constant 32 : index
      %get3A_285 = tpu.vector_load %arg8[%get3A_283, %get3A_284] {strides = array<i32>} : memref<128x128xf32, #tpu.memory_space<vmem>>, vector<1x16xf32>,
      %get3A_286 = vector.shape_cast %get3A_285 : vector<1x16xf32> to vector<16xf32>
      %mul3A_287 = arith.constant 11.3137083 : f32
      %mul3A_288 = vector.broadcast %mul3A_287 : f32 to vector<16xf32>
      %mul3A_289 = arith.mulf %get3A_286, %mul3A_288 : vector<16xf32>
      %mul3A_290 = arith.constant 2 : i32
      %mul3A_291 = arith.muli %mul3A_290, %scan3A_240 : i32
      %add3A_292 = arith.constant 0 : i32
      %add3A_293 = arith.addi %mul3A_291, %add3A_292 : i32
      %swap3A_294 = arith.index_cast %add3A_293 : i32 to index
      %swap3A_295 = arith.constant 32 : index
      %swap3A_296 = tpu.vector_load %arg8[%swap3A_294, %swap3A_295] {strides = array<i32>} : memref<128x128xf32, #tpu.memory_space<vmem>>, vector<1x16xf32>,
      %swap3A_297 = vector.shape_cast %swap3A_296 : vector<1x16xf32> to vector<16xf32>
      %swap3A_298 = vector.shape_cast %mul3A_289 : vector<16xf32> to vector<1x16xf32>
      tpu.vector_store %arg8[%swap3A_294, %swap3A_295], %swap3A_298 {strides = array<i32>} : memref<128x128xf32, #tpu.memory_space<vmem>>, vector<1x16xf32>,
      %mul3A_299 = arith.constant 2 : i32
      %mul3A_300 = arith.muli %mul3A_299, %scan3A_240 : i32
      %add3A_301 = arith.constant 0 : i32
      %add3A_302 = arith.addi %mul3A_300, %add3A_301 : i32
      %get3A_303 = arith.index_cast %add3A_302 : i32 to index
      %get3A_304 = arith.constant 48 : index
      %get3A_305 = tpu.vector_load %arg8[%get3A_303, %get3A_304] {strides = array<i32>} : memref<128x128xf32, #tpu.memory_space<vmem>>, vector<1x16xf32>,
      %get3A_306 = vector.shape_cast %get3A_305 : vector<1x16xf32> to vector<16xf32>
      %mul3A_307 = arith.constant 11.3137083 : f32
      %mul3A_308 = vector.broadcast %mul3A_307 : f32 to vector<16xf32>
      %mul3A_309 = arith.mulf %get3A_306, %mul3A_308 : vector<16xf32>
      %mul3A_310 = arith.constant 2 : i32
      %mul3A_311 = arith.muli %mul3A_310, %scan3A_240 : i32
      %add3A_312 = arith.constant 0 : i32
      %add3A_313 = arith.addi %mul3A_311, %add3A_312 : i32
      %swap3A_314 = arith.index_cast %add3A_313 : i32 to index
      %swap3A_315 = arith.constant 48 : index
      %swap3A_316 = tpu.vector_load %arg8[%swap3A_314, %swap3A_315] {strides = array<i32>} : memref<128x128xf32, #tpu.memory_space<vmem>>, vector<1x16xf32>,
      %swap3A_317 = vector.shape_cast %swap3A_316 : vector<1x16xf32> to vector<16xf32>
      %swap3A_318 = vector.shape_cast %mul3A_309 : vector<16xf32> to vector<1x16xf32>
      tpu.vector_store %arg8[%swap3A_314, %swap3A_315], %swap3A_318 {strides = array<i32>} : memref<128x128xf32, #tpu.memory_space<vmem>>, vector<1x16xf32>,
      %mul3A_319 = arith.constant 2 : i32
      %mul3A_320 = arith.muli %mul3A_319, %scan3A_240 : i32
      %add3A_321 = arith.constant 0 : i32
      %add3A_322 = arith.addi %mul3A_320, %add3A_321 : i32
      %get3A_323 = arith.index_cast %add3A_322 : i32 to index
      %get3A_324 = arith.constant 64 : index
      %get3A_325 = tpu.vector_load %arg8[%get3A_323, %get3A_324] {strides = array<i32>} : memref<128x128xf32, #tpu.memory_space<vmem>>, vector<1x16xf32>,
      %get3A_326 = vector.shape_cast %get3A_325 : vector<1x16xf32> to vector<16xf32>
      %mul3A_327 = arith.constant 11.3137083 : f32
      %mul3A_328 = vector.broadcast %mul3A_327 : f32 to vector<16xf32>
      %mul3A_329 = arith.mulf %get3A_326, %mul3A_328 : vector<16xf32>
      %mul3A_330 = arith.constant 2 : i32
      %mul3A_331 = arith.muli %mul3A_330, %scan3A_240 : i32
      %add3A_332 = arith.constant 0 : i32
      %add3A_333 = arith.addi %mul3A_331, %add3A_332 : i32
      %swap3A_334 = arith.index_cast %add3A_333 : i32 to index
      %swap3A_335 = arith.constant 64 : index
      %swap3A_336 = tpu.vector_load %arg8[%swap3A_334, %swap3A_335] {strides = array<i32>} : memref<128x128xf32, #tpu.memory_space<vmem>>, vector<1x16xf32>,
      %swap3A_337 = vector.shape_cast %swap3A_336 : vector<1x16xf32> to vector<16xf32>
      %swap3A_338 = vector.shape_cast %mul3A_329 : vector<16xf32> to vector<1x16xf32>
      tpu.vector_store %arg8[%swap3A_334, %swap3A_335], %swap3A_338 {strides = array<i32>} : memref<128x128xf32, #tpu.memory_space<vmem>>, vector<1x16xf32>,
      %mul3A_339 = arith.constant 2 : i32
      %mul3A_340 = arith.muli %mul3A_339, %scan3A_240 : i32
      %add3A_341 = arith.constant 0 : i32
      %add3A_342 = arith.addi %mul3A_340, %add3A_341 : i32
      %get3A_343 = arith.index_cast %add3A_342 : i32 to index
      %get3A_344 = arith.constant 80 : index
      %get3A_345 = tpu.vector_load %arg8[%get3A_343, %get3A_344] {strides = array<i32>} : memref<128x128xf32, #tpu.memory_space<vmem>>, vector<1x16xf32>,
      %get3A_346 = vector.shape_cast %get3A_345 : vector<1x16xf32> to vector<16xf32>
      %mul3A_347 = arith.constant 11.3137083 : f32
      %mul3A_348 = vector.broadcast %mul3A_347 : f32 to vector<16xf32>
      %mul3A_349 = arith.mulf %get3A_346, %mul3A_348 : vector<16xf32>
      %mul3A_350 = arith.constant 2 : i32
      %mul3A_351 = arith.muli %mul3A_350, %scan3A_240 : i32
      %add3A_352 = arith.constant 0 : i32
      %add3A_353 = arith.addi %mul3A_351, %add3A_352 : i32
      %swap3A_354 = arith.index_cast %add3A_353 : i32 to index
      %swap3A_355 = arith.constant 80 : index
      %swap3A_356 = tpu.vector_load %arg8[%swap3A_354, %swap3A_355] {strides = array<i32>} : memref<128x128xf32, #tpu.memory_space<vmem>>, vector<1x16xf32>,
      %swap3A_357 = vector.shape_cast %swap3A_356 : vector<1x16xf32> to vector<16xf32>
      %swap3A_358 = vector.shape_cast %mul3A_349 : vector<16xf32> to vector<1x16xf32>
      tpu.vector_store %arg8[%swap3A_354, %swap3A_355], %swap3A_358 {strides = array<i32>} : memref<128x128xf32, #tpu.memory_space<vmem>>, vector<1x16xf32>,
      %mul3A_359 = arith.constant 2 : i32
      %mul3A_360 = arith.muli %mul3A_359, %scan3A_240 : i32
      %add3A_361 = arith.constant 0 : i32
      %add3A_362 = arith.addi %mul3A_360, %add3A_361 : i32
      %get3A_363 = arith.index_cast %add3A_362 : i32 to index
      %get3A_364 = arith.constant 96 : index
      %get3A_365 = tpu.vector_load %arg8[%get3A_363, %get3A_364] {strides = array<i32>} : memref<128x128xf32, #tpu.memory_space<vmem>>, vector<1x16xf32>,
      %get3A_366 = vector.shape_cast %get3A_365 : vector<1x16xf32> to vector<16xf32>
      %mul3A_367 = arith.constant 11.3137083 : f32
      %mul3A_368 = vector.broadcast %mul3A_367 : f32 to vector<16xf32>
      %mul3A_369 = arith.mulf %get3A_366, %mul3A_368 : vector<16xf32>
      %mul3A_370 = arith.constant 2 : i32
      %mul3A_371 = arith.muli %mul3A_370, %scan3A_240 : i32
      %add3A_372 = arith.constant 0 : i32
      %add3A_373 = arith.addi %mul3A_371, %add3A_372 : i32
      %swap3A_374 = arith.index_cast %add3A_373 : i32 to index
      %swap3A_375 = arith.constant 96 : index
      %swap3A_376 = tpu.vector_load %arg8[%swap3A_374, %swap3A_375] {strides = array<i32>} : memref<128x128xf32, #tpu.memory_space<vmem>>, vector<1x16xf32>,
      %swap3A_377 = vector.shape_cast %swap3A_376 : vector<1x16xf32> to vector<16xf32>
      %swap3A_378 = vector.shape_cast %mul3A_369 : vector<16xf32> to vector<1x16xf32>
      tpu.vector_store %arg8[%swap3A_374, %swap3A_375], %swap3A_378 {strides = array<i32>} : memref<128x128xf32, #tpu.memory_space<vmem>>, vector<1x16xf32>,
      %mul3A_379 = arith.constant 2 : i32
      %mul3A_380 = arith.muli %mul3A_379, %scan3A_240 : i32
      %add3A_381 = arith.constant 0 : i32
      %add3A_382 = arith.addi %mul3A_380, %add3A_381 : i32
      %get3A_383 = arith.index_cast %add3A_382 : i32 to index
      %get3A_384 = arith.constant 112 : index
      %get3A_385 = tpu.vector_load %arg8[%get3A_383, %get3A_384] {strides = array<i32>} : memref<128x128xf32, #tpu.memory_space<vmem>>, vector<1x16xf32>,
      %get3A_386 = vector.shape_cast %get3A_385 : vector<1x16xf32> to vector<16xf32>
      %mul3A_387 = arith.constant 11.3137083 : f32
      %mul3A_388 = vector.broadcast %mul3A_387 : f32 to vector<16xf32>
      %mul3A_389 = arith.mulf %get3A_386, %mul3A_388 : vector<16xf32>
      %mul3A_390 = arith.constant 2 : i32
      %mul3A_391 = arith.muli %mul3A_390, %scan3A_240 : i32
      %add3A_392 = arith.constant 0 : i32
      %add3A_393 = arith.addi %mul3A_391, %add3A_392 : i32
      %swap3A_394 = arith.index_cast %add3A_393 : i32 to index
      %swap3A_395 = arith.constant 112 : index
      %swap3A_396 = tpu.vector_load %arg8[%swap3A_394, %swap3A_395] {strides = array<i32>} : memref<128x128xf32, #tpu.memory_space<vmem>>, vector<1x16xf32>,
      %swap3A_397 = vector.shape_cast %swap3A_396 : vector<1x16xf32> to vector<16xf32>
      %swap3A_398 = vector.shape_cast %mul3A_389 : vector<16xf32> to vector<1x16xf32>
      tpu.vector_store %arg8[%swap3A_394, %swap3A_395], %swap3A_398 {strides = array<i32>} : memref<128x128xf32, #tpu.memory_space<vmem>>, vector<1x16xf32>,
      %mul3A_399 = arith.constant 2 : i32
      %mul3A_400 = arith.muli %mul3A_399, %scan3A_240 : i32
      %add3A_401 = arith.constant 1 : i32
      %add3A_402 = arith.addi %mul3A_400, %add3A_401 : i32
      %get3A_403 = arith.index_cast %add3A_402 : i32 to index
      %get3A_404 = arith.constant 0 : index
      %get3A_405 = tpu.vector_load %arg8[%get3A_403, %get3A_404] {strides = array<i32>} : memref<128x128xf32, #tpu.memory_space<vmem>>, vector<1x16xf32>,
      %get3A_406 = vector.shape_cast %get3A_405 : vector<1x16xf32> to vector<16xf32>
      %mul3A_407 = arith.constant 11.3137083 : f32
      %mul3A_408 = vector.broadcast %mul3A_407 : f32 to vector<16xf32>
      %mul3A_409 = arith.mulf %get3A_406, %mul3A_408 : vector<16xf32>
      %mul3A_410 = arith.constant 2 : i32
      %mul3A_411 = arith.muli %mul3A_410, %scan3A_240 : i32
      %add3A_412 = arith.constant 1 : i32
      %add3A_413 = arith.addi %mul3A_411, %add3A_412 : i32
      %swap3A_414 = arith.index_cast %add3A_413 : i32 to index
      %swap3A_415 = arith.constant 0 : index
      %swap3A_416 = tpu.vector_load %arg8[%swap3A_414, %swap3A_415] {strides = array<i32>} : memref<128x128xf32, #tpu.memory_space<vmem>>, vector<1x16xf32>,
      %swap3A_417 = vector.shape_cast %swap3A_416 : vector<1x16xf32> to vector<16xf32>
      %swap3A_418 = vector.shape_cast %mul3A_409 : vector<16xf32> to vector<1x16xf32>
      tpu.vector_store %arg8[%swap3A_414, %swap3A_415], %swap3A_418 {strides = array<i32>} : memref<128x128xf32, #tpu.memory_space<vmem>>, vector<1x16xf32>,
      %mul3A_419 = arith.constant 2 : i32
      %mul3A_420 = arith.muli %mul3A_419, %scan3A_240 : i32
      %add3A_421 = arith.constant 1 : i32
      %add3A_422 = arith.addi %mul3A_420, %add3A_421 : i32
      %get3A_423 = arith.index_cast %add3A_422 : i32 to index
      %get3A_424 = arith.constant 16 : index
      %get3A_425 = tpu.vector_load %arg8[%get3A_423, %get3A_424] {strides = array<i32>} : memref<128x128xf32, #tpu.memory_space<vmem>>, vector<1x16xf32>,
      %get3A_426 = vector.shape_cast %get3A_425 : vector<1x16xf32> to vector<16xf32>
      %mul3A_427 = arith.constant 11.3137083 : f32
      %mul3A_428 = vector.broadcast %mul3A_427 : f32 to vector<16xf32>
      %mul3A_429 = arith.mulf %get3A_426, %mul3A_428 : vector<16xf32>
      %mul3A_430 = arith.constant 2 : i32
      %mul3A_431 = arith.muli %mul3A_430, %scan3A_240 : i32
      %add3A_432 = arith.constant 1 : i32
      %add3A_433 = arith.addi %mul3A_431, %add3A_432 : i32
      %swap3A_434 = arith.index_cast %add3A_433 : i32 to index
      %swap3A_435 = arith.constant 16 : index
      %swap3A_436 = tpu.vector_load %arg8[%swap3A_434, %swap3A_435] {strides = array<i32>} : memref<128x128xf32, #tpu.memory_space<vmem>>, vector<1x16xf32>,
      %swap3A_437 = vector.shape_cast %swap3A_436 : vector<1x16xf32> to vector<16xf32>
      %swap3A_438 = vector.shape_cast %mul3A_429 : vector<16xf32> to vector<1x16xf32>
      tpu.vector_store %arg8[%swap3A_434, %swap3A_435], %swap3A_438 {strides = array<i32>} : memref<128x128xf32, #tpu.memory_space<vmem>>, vector<1x16xf32>,
      %mul3A_439 = arith.constant 2 : i32
      %mul3A_440 = arith.muli %mul3A_439, %scan3A_240 : i32
      %add3A_441 = arith.constant 1 : i32
      %add3A_442 = arith.addi %mul3A_440, %add3A_441 : i32
      %get3A_443 = arith.index_cast %add3A_442 : i32 to index
      %get3A_444 = arith.constant 32 : index
      %get3A_445 = tpu.vector_load %arg8[%get3A_443, %get3A_444] {strides = array<i32>} : memref<128x128xf32, #tpu.memory_space<vmem>>, vector<1x16xf32>,
      %get3A_446 = vector.shape_cast %get3A_445 : vector<1x16xf32> to vector<16xf32>
      %mul3A_447 = arith.constant 11.3137083 : f32
      %mul3A_448 = vector.broadcast %mul3A_447 : f32 to vector<16xf32>
      %mul3A_449 = arith.mulf %get3A_446, %mul3A_448 : vector<16xf32>
      %mul3A_450 = arith.constant 2 : i32
      %mul3A_451 = arith.muli %mul3A_450, %scan3A_240 : i32
      %add3A_452 = arith.constant 1 : i32
      %add3A_453 = arith.addi %mul3A_451, %add3A_452 : i32
      %swap3A_454 = arith.index_cast %add3A_453 : i32 to index
      %swap3A_455 = arith.constant 32 : index
      %swap3A_456 = tpu.vector_load %arg8[%swap3A_454, %swap3A_455] {strides = array<i32>} : memref<128x128xf32, #tpu.memory_space<vmem>>, vector<1x16xf32>,
      %swap3A_457 = vector.shape_cast %swap3A_456 : vector<1x16xf32> to vector<16xf32>
      %swap3A_458 = vector.shape_cast %mul3A_449 : vector<16xf32> to vector<1x16xf32>
      tpu.vector_store %arg8[%swap3A_454, %swap3A_455], %swap3A_458 {strides = array<i32>} : memref<128x128xf32, #tpu.memory_space<vmem>>, vector<1x16xf32>,
      %mul3A_459 = arith.constant 2 : i32
      %mul3A_460 = arith.muli %mul3A_459, %scan3A_240 : i32
      %add3A_461 = arith.constant 1 : i32
      %add3A_462 = arith.addi %mul3A_460, %add3A_461 : i32
      %get3A_463 = arith.index_cast %add3A_462 : i32 to index
      %get3A_464 = arith.constant 48 : index
      %get3A_465 = tpu.vector_load %arg8[%get3A_463, %get3A_464] {strides = array<i32>} : memref<128x128xf32, #tpu.memory_space<vmem>>, vector<1x16xf32>,
      %get3A_466 = vector.shape_cast %get3A_465 : vector<1x16xf32> to vector<16xf32>
      %mul3A_467 = arith.constant 11.3137083 : f32
      %mul3A_468 = vector.broadcast %mul3A_467 : f32 to vector<16xf32>
      %mul3A_469 = arith.mulf %get3A_466, %mul3A_468 : vector<16xf32>
      %mul3A_470 = arith.constant 2 : i32
      %mul3A_471 = arith.muli %mul3A_470, %scan3A_240 : i32
      %add3A_472 = arith.constant 1 : i32
      %add3A_473 = arith.addi %mul3A_471, %add3A_472 : i32
      %swap3A_474 = arith.index_cast %add3A_473 : i32 to index
      %swap3A_475 = arith.constant 48 : index
      %swap3A_476 = tpu.vector_load %arg8[%swap3A_474, %swap3A_475] {strides = array<i32>} : memref<128x128xf32, #tpu.memory_space<vmem>>, vector<1x16xf32>,
      %swap3A_477 = vector.shape_cast %swap3A_476 : vector<1x16xf32> to vector<16xf32>
      %swap3A_478 = vector.shape_cast %mul3A_469 : vector<16xf32> to vector<1x16xf32>
      tpu.vector_store %arg8[%swap3A_474, %swap3A_475], %swap3A_478 {strides = array<i32>} : memref<128x128xf32, #tpu.memory_space<vmem>>, vector<1x16xf32>,
      %mul3A_479 = arith.constant 2 : i32
      %mul3A_480 = arith.muli %mul3A_479, %scan3A_240 : i32
      %add3A_481 = arith.constant 1 : i32
      %add3A_482 = arith.addi %mul3A_480, %add3A_481 : i32
      %get3A_483 = arith.index_cast %add3A_482 : i32 to index
      %get3A_484 = arith.constant 64 : index
      %get3A_485 = tpu.vector_load %arg8[%get3A_483, %get3A_484] {strides = array<i32>} : memref<128x128xf32, #tpu.memory_space<vmem>>, vector<1x16xf32>,
      %get3A_486 = vector.shape_cast %get3A_485 : vector<1x16xf32> to vector<16xf32>
      %mul3A_487 = arith.constant 11.3137083 : f32
      %mul3A_488 = vector.broadcast %mul3A_487 : f32 to vector<16xf32>
      %mul3A_489 = arith.mulf %get3A_486, %mul3A_488 : vector<16xf32>
      %mul3A_490 = arith.constant 2 : i32
      %mul3A_491 = arith.muli %mul3A_490, %scan3A_240 : i32
      %add3A_492 = arith.constant 1 : i32
      %add3A_493 = arith.addi %mul3A_491, %add3A_492 : i32
      %swap3A_494 = arith.index_cast %add3A_493 : i32 to index
      %swap3A_495 = arith.constant 64 : index
      %swap3A_496 = tpu.vector_load %arg8[%swap3A_494, %swap3A_495] {strides = array<i32>} : memref<128x128xf32, #tpu.memory_space<vmem>>, vector<1x16xf32>,
      %swap3A_497 = vector.shape_cast %swap3A_496 : vector<1x16xf32> to vector<16xf32>
      %swap3A_498 = vector.shape_cast %mul3A_489 : vector<16xf32> to vector<1x16xf32>
      tpu.vector_store %arg8[%swap3A_494, %swap3A_495], %swap3A_498 {strides = array<i32>} : memref<128x128xf32, #tpu.memory_space<vmem>>, vector<1x16xf32>,
      %mul3A_499 = arith.constant 2 : i32
      %mul3A_500 = arith.muli %mul3A_499, %scan3A_240 : i32
      %add3A_501 = arith.constant 1 : i32
      %add3A_502 = arith.addi %mul3A_500, %add3A_501 : i32
      %get3A_503 = arith.index_cast %add3A_502 : i32 to index
      %get3A_504 = arith.constant 80 : index
      %get3A_505 = tpu.vector_load %arg8[%get3A_503, %get3A_504] {strides = array<i32>} : memref<128x128xf32, #tpu.memory_space<vmem>>, vector<1x16xf32>,
      %get3A_506 = vector.shape_cast %get3A_505 : vector<1x16xf32> to vector<16xf32>
      %mul3A_507 = arith.constant 11.3137083 : f32
      %mul3A_508 = vector.broadcast %mul3A_507 : f32 to vector<16xf32>
      %mul3A_509 = arith.mulf %get3A_506, %mul3A_508 : vector<16xf32>
      %mul3A_510 = arith.constant 2 : i32
      %mul3A_511 = arith.muli %mul3A_510, %scan3A_240 : i32
      %add3A_512 = arith.constant 1 : i32
      %add3A_513 = arith.addi %mul3A_511, %add3A_512 : i32
      %swap3A_514 = arith.index_cast %add3A_513 : i32 to index
      %swap3A_515 = arith.constant 80 : index
      %swap3A_516 = tpu.vector_load %arg8[%swap3A_514, %swap3A_515] {strides = array<i32>} : memref<128x128xf32, #tpu.memory_space<vmem>>, vector<1x16xf32>,
      %swap3A_517 = vector.shape_cast %swap3A_516 : vector<1x16xf32> to vector<16xf32>
      %swap3A_518 = vector.shape_cast %mul3A_509 : vector<16xf32> to vector<1x16xf32>
      tpu.vector_store %arg8[%swap3A_514, %swap3A_515], %swap3A_518 {strides = array<i32>} : memref<128x128xf32, #tpu.memory_space<vmem>>, vector<1x16xf32>,
      %mul3A_519 = arith.constant 2 : i32
      %mul3A_520 = arith.muli %mul3A_519, %scan3A_240 : i32
      %add3A_521 = arith.constant 1 : i32
      %add3A_522 = arith.addi %mul3A_520, %add3A_521 : i32
      %get3A_523 = arith.index_cast %add3A_522 : i32 to index
      %get3A_524 = arith.constant 96 : index
      %get3A_525 = tpu.vector_load %arg8[%get3A_523, %get3A_524] {strides = array<i32>} : memref<128x128xf32, #tpu.memory_space<vmem>>, vector<1x16xf32>,
      %get3A_526 = vector.shape_cast %get3A_525 : vector<1x16xf32> to vector<16xf32>
      %mul3A_527 = arith.constant 11.3137083 : f32
      %mul3A_528 = vector.broadcast %mul3A_527 : f32 to vector<16xf32>
      %mul3A_529 = arith.mulf %get3A_526, %mul3A_528 : vector<16xf32>
      %mul3A_530 = arith.constant 2 : i32
      %mul3A_531 = arith.muli %mul3A_530, %scan3A_240 : i32
      %add3A_532 = arith.constant 1 : i32
      %add3A_533 = arith.addi %mul3A_531, %add3A_532 : i32
      %swap3A_534 = arith.index_cast %add3A_533 : i32 to index
      %swap3A_535 = arith.constant 96 : index
      %swap3A_536 = tpu.vector_load %arg8[%swap3A_534, %swap3A_535] {strides = array<i32>} : memref<128x128xf32, #tpu.memory_space<vmem>>, vector<1x16xf32>,
      %swap3A_537 = vector.shape_cast %swap3A_536 : vector<1x16xf32> to vector<16xf32>
      %swap3A_538 = vector.shape_cast %mul3A_529 : vector<16xf32> to vector<1x16xf32>
      tpu.vector_store %arg8[%swap3A_534, %swap3A_535], %swap3A_538 {strides = array<i32>} : memref<128x128xf32, #tpu.memory_space<vmem>>, vector<1x16xf32>,
      %mul3A_539 = arith.constant 2 : i32
      %mul3A_540 = arith.muli %mul3A_539, %scan3A_240 : i32
      %add3A_541 = arith.constant 1 : i32
      %add3A_542 = arith.addi %mul3A_540, %add3A_541 : i32
      %get3A_543 = arith.index_cast %add3A_542 : i32 to index
      %get3A_544 = arith.constant 112 : index
      %get3A_545 = tpu.vector_load %arg8[%get3A_543, %get3A_544] {strides = array<i32>} : memref<128x128xf32, #tpu.memory_space<vmem>>, vector<1x16xf32>,
      %get3A_546 = vector.shape_cast %get3A_545 : vector<1x16xf32> to vector<16xf32>
      %mul3A_547 = arith.constant 11.3137083 : f32
      %mul3A_548 = vector.broadcast %mul3A_547 : f32 to vector<16xf32>
      %mul3A_549 = arith.mulf %get3A_546, %mul3A_548 : vector<16xf32>
      %mul3A_550 = arith.constant 2 : i32
      %mul3A_551 = arith.muli %mul3A_550, %scan3A_240 : i32
      %add3A_552 = arith.constant 1 : i32
      %add3A_553 = arith.addi %mul3A_551, %add3A_552 : i32
      %swap3A_554 = arith.index_cast %add3A_553 : i32 to index
      %swap3A_555 = arith.constant 112 : index
      %swap3A_556 = tpu.vector_load %arg8[%swap3A_554, %swap3A_555] {strides = array<i32>} : memref<128x128xf32, #tpu.memory_space<vmem>>, vector<1x16xf32>,
      %swap3A_557 = vector.shape_cast %swap3A_556 : vector<1x16xf32> to vector<16xf32>
      %swap3A_558 = vector.shape_cast %mul3A_549 : vector<16xf32> to vector<1x16xf32>
      tpu.vector_store %arg8[%swap3A_554, %swap3A_555], %swap3A_558 {strides = array<i32>} : memref<128x128xf32, #tpu.memory_space<vmem>>, vector<1x16xf32>,
    }
    %scan3A_120 = arith.constant 64 : i32
    %add3A_121 = arith.constant 256 : i32
    %add3A_122 = arith.addi %mul3A_2, %add3A_121 : i32
    %dma_start3A_123 = arith.constant 0 : i32
    %dma_start3A_124 = tpu.memref_slice %arg4[%add3A_122, %dma_start3A_123] : memref<32768x128xf32, #tpu.memory_space<hbm>> -> memref<128x128xf32, #tpu.memory_space<hbm>>
    %dma_start3A_125 = arith.constant 0 : i32
    %dma_start3A_126 = tpu.memref_slice %arg4[%add3A_122, %dma_start3A_125] : memref<32768x128xf32, #tpu.memory_space<hbm>> -> memref<128x128xf32, #tpu.memory_space<hbm>>
    tpu.enqueue_dma source(%arg8 : memref<128x128xf32, #tpu.memory_space<vmem>>) target(%dma_start3A_126 : memref<128x128xf32, #tpu.memory_space<hbm>>) target_semaphore(%arg22 : memref<!tpu.dma_semaphore, #tpu.memory_space<semaphore_mem>>)
    %dma_wait3A_127 = arith.constant 384 : i32
    %dma_wait3A_128 = tpu.memref_slice %arg5[%dma_wait3A_127] : memref<1024xi32, #tpu.memory_space<vmem>> -> memref<128xi32, #tpu.memory_space<vmem>>
    %dma_wait3A_129 = arith.constant 0 : i32
    %dma_wait3A_130 = arith.constant 0 : i32
    %dma_wait3A_131 = tpu.memref_slice %arg3[%dma_wait3A_129, %dma_wait3A_130] : memref<1000000x128xf32, #tpu.memory_space<hbm>> -> memref<1000000x128xf32, #tpu.memory_space<hbm>>
    tpu.wait_indirect_dma semaphore(%arg16 : memref<!tpu.dma_semaphore, #tpu.memory_space<semaphore_mem>>) src(%dma_wait3A_131 : memref<1000000x128xf32, #tpu.memory_space<hbm>>) dst(%arg9 : memref<128x128xf32, #tpu.memory_space<vmem>>)
    %scan3A_132 = arith.constant 0 : i32
    %scan3A_133 = arith.constant 0 : i32
    %scan3A_134 = arith.constant 64 : i32
    %scan3A_135 = arith.addi %scan3A_133, %scan3A_134 : i32
    %scan3A_136 = arith.constant 1 : i32
    scf.for %scan3A_240 = %scan3A_133 to %scan3A_135 step %scan3A_136  : i32 {
      %mul3A_241 = arith.constant 2 : i32
      %mul3A_242 = arith.muli %mul3A_241, %scan3A_240 : i32
      %add3A_243 = arith.constant 0 : i32
      %add3A_244 = arith.addi %mul3A_242, %add3A_243 : i32
      %get3A = arith.index_cast %add3A_244 : i32 to index
      %get3A_245 = arith.constant 0 : index
      %get3A_246 = tpu.vector_load %arg9[%get3A, %get3A_245] {strides = array<i32>} : memref<128x128xf32, #tpu.memory_space<vmem>>, vector<1x16xf32>,
      %get3A_247 = vector.shape_cast %get3A_246 : vector<1x16xf32> to vector<16xf32>
      %mul3A_248 = arith.constant 11.3137083 : f32
      %mul3A_249 = vector.broadcast %mul3A_248 : f32 to vector<16xf32>
      %mul3A_250 = arith.mulf %get3A_247, %mul3A_249 : vector<16xf32>
      %mul3A_251 = arith.constant 2 : i32
      %mul3A_252 = arith.muli %mul3A_251, %scan3A_240 : i32
      %add3A_253 = arith.constant 0 : i32
      %add3A_254 = arith.addi %mul3A_252, %add3A_253 : i32
      %swap3A = arith.index_cast %add3A_254 : i32 to index
      %swap3A_255 = arith.constant 0 : index
      %swap3A_256 = tpu.vector_load %arg9[%swap3A, %swap3A_255] {strides = array<i32>} : memref<128x128xf32, #tpu.memory_space<vmem>>, vector<1x16xf32>,
      %swap3A_257 = vector.shape_cast %swap3A_256 : vector<1x16xf32> to vector<16xf32>
      %swap3A_258 = vector.shape_cast %mul3A_250 : vector<16xf32> to vector<1x16xf32>
      tpu.vector_store %arg9[%swap3A, %swap3A_255], %swap3A_258 {strides = array<i32>} : memref<128x128xf32, #tpu.memory_space<vmem>>, vector<1x16xf32>,
      %mul3A_259 = arith.constant 2 : i32
      %mul3A_260 = arith.muli %mul3A_259, %scan3A_240 : i32
      %add3A_261 = arith.constant 0 : i32
      %add3A_262 = arith.addi %mul3A_260, %add3A_261 : i32
      %get3A_263 = arith.index_cast %add3A_262 : i32 to index
      %get3A_264 = arith.constant 16 : index
      %get3A_265 = tpu.vector_load %arg9[%get3A_263, %get3A_264] {strides = array<i32>} : memref<128x128xf32, #tpu.memory_space<vmem>>, vector<1x16xf32>,
      %get3A_266 = vector.shape_cast %get3A_265 : vector<1x16xf32> to vector<16xf32>
      %mul3A_267 = arith.constant 11.3137083 : f32
      %mul3A_268 = vector.broadcast %mul3A_267 : f32 to vector<16xf32>
      %mul3A_269 = arith.mulf %get3A_266, %mul3A_268 : vector<16xf32>
      %mul3A_270 = arith.constant 2 : i32
      %mul3A_271 = arith.muli %mul3A_270, %scan3A_240 : i32
      %add3A_272 = arith.constant 0 : i32
      %add3A_273 = arith.addi %mul3A_271, %add3A_272 : i32
      %swap3A_274 = arith.index_cast %add3A_273 : i32 to index
      %swap3A_275 = arith.constant 16 : index
      %swap3A_276 = tpu.vector_load %arg9[%swap3A_274, %swap3A_275] {strides = array<i32>} : memref<128x128xf32, #tpu.memory_space<vmem>>, vector<1x16xf32>,
      %swap3A_277 = vector.shape_cast %swap3A_276 : vector<1x16xf32> to vector<16xf32>
      %swap3A_278 = vector.shape_cast %mul3A_269 : vector<16xf32> to vector<1x16xf32>
      tpu.vector_store %arg9[%swap3A_274, %swap3A_275], %swap3A_278 {strides = array<i32>} : memref<128x128xf32, #tpu.memory_space<vmem>>, vector<1x16xf32>,
      %mul3A_279 = arith.constant 2 : i32
      %mul3A_280 = arith.muli %mul3A_279, %scan3A_240 : i32
      %add3A_281 = arith.constant 0 : i32
      %add3A_282 = arith.addi %mul3A_280, %add3A_281 : i32
      %get3A_283 = arith.index_cast %add3A_282 : i32 to index
      %get3A_284 = arith.constant 32 : index
      %get3A_285 = tpu.vector_load %arg9[%get3A_283, %get3A_284] {strides = array<i32>} : memref<128x128xf32, #tpu.memory_space<vmem>>, vector<1x16xf32>,
      %get3A_286 = vector.shape_cast %get3A_285 : vector<1x16xf32> to vector<16xf32>
      %mul3A_287 = arith.constant 11.3137083 : f32
      %mul3A_288 = vector.broadcast %mul3A_287 : f32 to vector<16xf32>
      %mul3A_289 = arith.mulf %get3A_286, %mul3A_288 : vector<16xf32>
      %mul3A_290 = arith.constant 2 : i32
      %mul3A_291 = arith.muli %mul3A_290, %scan3A_240 : i32
      %add3A_292 = arith.constant 0 : i32
      %add3A_293 = arith.addi %mul3A_291, %add3A_292 : i32
      %swap3A_294 = arith.index_cast %add3A_293 : i32 to index
      %swap3A_295 = arith.constant 32 : index
      %swap3A_296 = tpu.vector_load %arg9[%swap3A_294, %swap3A_295] {strides = array<i32>} : memref<128x128xf32, #tpu.memory_space<vmem>>, vector<1x16xf32>,
      %swap3A_297 = vector.shape_cast %swap3A_296 : vector<1x16xf32> to vector<16xf32>
      %swap3A_298 = vector.shape_cast %mul3A_289 : vector<16xf32> to vector<1x16xf32>
      tpu.vector_store %arg9[%swap3A_294, %swap3A_295], %swap3A_298 {strides = array<i32>} : memref<128x128xf32, #tpu.memory_space<vmem>>, vector<1x16xf32>,
      %mul3A_299 = arith.constant 2 : i32
      %mul3A_300 = arith.muli %mul3A_299, %scan3A_240 : i32
      %add3A_301 = arith.constant 0 : i32
      %add3A_302 = arith.addi %mul3A_300, %add3A_301 : i32
      %get3A_303 = arith.index_cast %add3A_302 : i32 to index
      %get3A_304 = arith.constant 48 : index
      %get3A_305 = tpu.vector_load %arg9[%get3A_303, %get3A_304] {strides = array<i32>} : memref<128x128xf32, #tpu.memory_space<vmem>>, vector<1x16xf32>,
      %get3A_306 = vector.shape_cast %get3A_305 : vector<1x16xf32> to vector<16xf32>
      %mul3A_307 = arith.constant 11.3137083 : f32
      %mul3A_308 = vector.broadcast %mul3A_307 : f32 to vector<16xf32>
      %mul3A_309 = arith.mulf %get3A_306, %mul3A_308 : vector<16xf32>
      %mul3A_310 = arith.constant 2 : i32
      %mul3A_311 = arith.muli %mul3A_310, %scan3A_240 : i32
      %add3A_312 = arith.constant 0 : i32
      %add3A_313 = arith.addi %mul3A_311, %add3A_312 : i32
      %swap3A_314 = arith.index_cast %add3A_313 : i32 to index
      %swap3A_315 = arith.constant 48 : index
      %swap3A_316 = tpu.vector_load %arg9[%swap3A_314, %swap3A_315] {strides = array<i32>} : memref<128x128xf32, #tpu.memory_space<vmem>>, vector<1x16xf32>,
      %swap3A_317 = vector.shape_cast %swap3A_316 : vector<1x16xf32> to vector<16xf32>
      %swap3A_318 = vector.shape_cast %mul3A_309 : vector<16xf32> to vector<1x16xf32>
      tpu.vector_store %arg9[%swap3A_314, %swap3A_315], %swap3A_318 {strides = array<i32>} : memref<128x128xf32, #tpu.memory_space<vmem>>, vector<1x16xf32>,
      %mul3A_319 = arith.constant 2 : i32
      %mul3A_320 = arith.muli %mul3A_319, %scan3A_240 : i32
      %add3A_321 = arith.constant 0 : i32
      %add3A_322 = arith.addi %mul3A_320, %add3A_321 : i32
      %get3A_323 = arith.index_cast %add3A_322 : i32 to index
      %get3A_324 = arith.constant 64 : index
      %get3A_325 = tpu.vector_load %arg9[%get3A_323, %get3A_324] {strides = array<i32>} : memref<128x128xf32, #tpu.memory_space<vmem>>, vector<1x16xf32>,
      %get3A_326 = vector.shape_cast %get3A_325 : vector<1x16xf32> to vector<16xf32>
      %mul3A_327 = arith.constant 11.3137083 : f32
      %mul3A_328 = vector.broadcast %mul3A_327 : f32 to vector<16xf32>
      %mul3A_329 = arith.mulf %get3A_326, %mul3A_328 : vector<16xf32>
      %mul3A_330 = arith.constant 2 : i32
      %mul3A_331 = arith.muli %mul3A_330, %scan3A_240 : i32
      %add3A_332 = arith.constant 0 : i32
      %add3A_333 = arith.addi %mul3A_331, %add3A_332 : i32
      %swap3A_334 = arith.index_cast %add3A_333 : i32 to index
      %swap3A_335 = arith.constant 64 : index
      %swap3A_336 = tpu.vector_load %arg9[%swap3A_334, %swap3A_335] {strides = array<i32>} : memref<128x128xf32, #tpu.memory_space<vmem>>, vector<1x16xf32>,
      %swap3A_337 = vector.shape_cast %swap3A_336 : vector<1x16xf32> to vector<16xf32>
      %swap3A_338 = vector.shape_cast %mul3A_329 : vector<16xf32> to vector<1x16xf32>
      tpu.vector_store %arg9[%swap3A_334, %swap3A_335], %swap3A_338 {strides = array<i32>} : memref<128x128xf32, #tpu.memory_space<vmem>>, vector<1x16xf32>,
      %mul3A_339 = arith.constant 2 : i32
      %mul3A_340 = arith.muli %mul3A_339, %scan3A_240 : i32
      %add3A_341 = arith.constant 0 : i32
      %add3A_342 = arith.addi %mul3A_340, %add3A_341 : i32
      %get3A_343 = arith.index_cast %add3A_342 : i32 to index
      %get3A_344 = arith.constant 80 : index
      %get3A_345 = tpu.vector_load %arg9[%get3A_343, %get3A_344] {strides = array<i32>} : memref<128x128xf32, #tpu.memory_space<vmem>>, vector<1x16xf32>,
      %get3A_346 = vector.shape_cast %get3A_345 : vector<1x16xf32> to vector<16xf32>
      %mul3A_347 = arith.constant 11.3137083 : f32
      %mul3A_348 = vector.broadcast %mul3A_347 : f32 to vector<16xf32>
      %mul3A_349 = arith.mulf %get3A_346, %mul3A_348 : vector<16xf32>
      %mul3A_350 = arith.constant 2 : i32
      %mul3A_351 = arith.muli %mul3A_350, %scan3A_240 : i32
      %add3A_352 = arith.constant 0 : i32
      %add3A_353 = arith.addi %mul3A_351, %add3A_352 : i32
      %swap3A_354 = arith.index_cast %add3A_353 : i32 to index
      %swap3A_355 = arith.constant 80 : index
      %swap3A_356 = tpu.vector_load %arg9[%swap3A_354, %swap3A_355] {strides = array<i32>} : memref<128x128xf32, #tpu.memory_space<vmem>>, vector<1x16xf32>,
      %swap3A_357 = vector.shape_cast %swap3A_356 : vector<1x16xf32> to vector<16xf32>
      %swap3A_358 = vector.shape_cast %mul3A_349 : vector<16xf32> to vector<1x16xf32>
      tpu.vector_store %arg9[%swap3A_354, %swap3A_355], %swap3A_358 {strides = array<i32>} : memref<128x128xf32, #tpu.memory_space<vmem>>, vector<1x16xf32>,
      %mul3A_359 = arith.constant 2 : i32
      %mul3A_360 = arith.muli %mul3A_359, %scan3A_240 : i32
      %add3A_361 = arith.constant 0 : i32
      %add3A_362 = arith.addi %mul3A_360, %add3A_361 : i32
      %get3A_363 = arith.index_cast %add3A_362 : i32 to index
      %get3A_364 = arith.constant 96 : index
      %get3A_365 = tpu.vector_load %arg9[%get3A_363, %get3A_364] {strides = array<i32>} : memref<128x128xf32, #tpu.memory_space<vmem>>, vector<1x16xf32>,
      %get3A_366 = vector.shape_cast %get3A_365 : vector<1x16xf32> to vector<16xf32>
      %mul3A_367 = arith.constant 11.3137083 : f32
      %mul3A_368 = vector.broadcast %mul3A_367 : f32 to vector<16xf32>
      %mul3A_369 = arith.mulf %get3A_366, %mul3A_368 : vector<16xf32>
      %mul3A_370 = arith.constant 2 : i32
      %mul3A_371 = arith.muli %mul3A_370, %scan3A_240 : i32
      %add3A_372 = arith.constant 0 : i32
      %add3A_373 = arith.addi %mul3A_371, %add3A_372 : i32
      %swap3A_374 = arith.index_cast %add3A_373 : i32 to index
      %swap3A_375 = arith.constant 96 : index
      %swap3A_376 = tpu.vector_load %arg9[%swap3A_374, %swap3A_375] {strides = array<i32>} : memref<128x128xf32, #tpu.memory_space<vmem>>, vector<1x16xf32>,
      %swap3A_377 = vector.shape_cast %swap3A_376 : vector<1x16xf32> to vector<16xf32>
      %swap3A_378 = vector.shape_cast %mul3A_369 : vector<16xf32> to vector<1x16xf32>
      tpu.vector_store %arg9[%swap3A_374, %swap3A_375], %swap3A_378 {strides = array<i32>} : memref<128x128xf32, #tpu.memory_space<vmem>>, vector<1x16xf32>,
      %mul3A_379 = arith.constant 2 : i32
      %mul3A_380 = arith.muli %mul3A_379, %scan3A_240 : i32
      %add3A_381 = arith.constant 0 : i32
      %add3A_382 = arith.addi %mul3A_380, %add3A_381 : i32
      %get3A_383 = arith.index_cast %add3A_382 : i32 to index
      %get3A_384 = arith.constant 112 : index
      %get3A_385 = tpu.vector_load %arg9[%get3A_383, %get3A_384] {strides = array<i32>} : memref<128x128xf32, #tpu.memory_space<vmem>>, vector<1x16xf32>,
      %get3A_386 = vector.shape_cast %get3A_385 : vector<1x16xf32> to vector<16xf32>
      %mul3A_387 = arith.constant 11.3137083 : f32
      %mul3A_388 = vector.broadcast %mul3A_387 : f32 to vector<16xf32>
      %mul3A_389 = arith.mulf %get3A_386, %mul3A_388 : vector<16xf32>
      %mul3A_390 = arith.constant 2 : i32
      %mul3A_391 = arith.muli %mul3A_390, %scan3A_240 : i32
      %add3A_392 = arith.constant 0 : i32
      %add3A_393 = arith.addi %mul3A_391, %add3A_392 : i32
      %swap3A_394 = arith.index_cast %add3A_393 : i32 to index
      %swap3A_395 = arith.constant 112 : index
      %swap3A_396 = tpu.vector_load %arg9[%swap3A_394, %swap3A_395] {strides = array<i32>} : memref<128x128xf32, #tpu.memory_space<vmem>>, vector<1x16xf32>,
      %swap3A_397 = vector.shape_cast %swap3A_396 : vector<1x16xf32> to vector<16xf32>
      %swap3A_398 = vector.shape_cast %mul3A_389 : vector<16xf32> to vector<1x16xf32>
      tpu.vector_store %arg9[%swap3A_394, %swap3A_395], %swap3A_398 {strides = array<i32>} : memref<128x128xf32, #tpu.memory_space<vmem>>, vector<1x16xf32>,
      %mul3A_399 = arith.constant 2 : i32
      %mul3A_400 = arith.muli %mul3A_399, %scan3A_240 : i32
      %add3A_401 = arith.constant 1 : i32
      %add3A_402 = arith.addi %mul3A_400, %add3A_401 : i32
      %get3A_403 = arith.index_cast %add3A_402 : i32 to index
      %get3A_404 = arith.constant 0 : index
      %get3A_405 = tpu.vector_load %arg9[%get3A_403, %get3A_404] {strides = array<i32>} : memref<128x128xf32, #tpu.memory_space<vmem>>, vector<1x16xf32>,
      %get3A_406 = vector.shape_cast %get3A_405 : vector<1x16xf32> to vector<16xf32>
      %mul3A_407 = arith.constant 11.3137083 : f32
      %mul3A_408 = vector.broadcast %mul3A_407 : f32 to vector<16xf32>
      %mul3A_409 = arith.mulf %get3A_406, %mul3A_408 : vector<16xf32>
      %mul3A_410 = arith.constant 2 : i32
      %mul3A_411 = arith.muli %mul3A_410, %scan3A_240 : i32
      %add3A_412 = arith.constant 1 : i32
      %add3A_413 = arith.addi %mul3A_411, %add3A_412 : i32
      %swap3A_414 = arith.index_cast %add3A_413 : i32 to index
      %swap3A_415 = arith.constant 0 : index
      %swap3A_416 = tpu.vector_load %arg9[%swap3A_414, %swap3A_415] {strides = array<i32>} : memref<128x128xf32, #tpu.memory_space<vmem>>, vector<1x16xf32>,
      %swap3A_417 = vector.shape_cast %swap3A_416 : vector<1x16xf32> to vector<16xf32>
      %swap3A_418 = vector.shape_cast %mul3A_409 : vector<16xf32> to vector<1x16xf32>
      tpu.vector_store %arg9[%swap3A_414, %swap3A_415], %swap3A_418 {strides = array<i32>} : memref<128x128xf32, #tpu.memory_space<vmem>>, vector<1x16xf32>,
      %mul3A_419 = arith.constant 2 : i32
      %mul3A_420 = arith.muli %mul3A_419, %scan3A_240 : i32
      %add3A_421 = arith.constant 1 : i32
      %add3A_422 = arith.addi %mul3A_420, %add3A_421 : i32
      %get3A_423 = arith.index_cast %add3A_422 : i32 to index
      %get3A_424 = arith.constant 16 : index
      %get3A_425 = tpu.vector_load %arg9[%get3A_423, %get3A_424] {strides = array<i32>} : memref<128x128xf32, #tpu.memory_space<vmem>>, vector<1x16xf32>,
      %get3A_426 = vector.shape_cast %get3A_425 : vector<1x16xf32> to vector<16xf32>
      %mul3A_427 = arith.constant 11.3137083 : f32
      %mul3A_428 = vector.broadcast %mul3A_427 : f32 to vector<16xf32>
      %mul3A_429 = arith.mulf %get3A_426, %mul3A_428 : vector<16xf32>
      %mul3A_430 = arith.constant 2 : i32
      %mul3A_431 = arith.muli %mul3A_430, %scan3A_240 : i32
      %add3A_432 = arith.constant 1 : i32
      %add3A_433 = arith.addi %mul3A_431, %add3A_432 : i32
      %swap3A_434 = arith.index_cast %add3A_433 : i32 to index
      %swap3A_435 = arith.constant 16 : index
      %swap3A_436 = tpu.vector_load %arg9[%swap3A_434, %swap3A_435] {strides = array<i32>} : memref<128x128xf32, #tpu.memory_space<vmem>>, vector<1x16xf32>,
      %swap3A_437 = vector.shape_cast %swap3A_436 : vector<1x16xf32> to vector<16xf32>
      %swap3A_438 = vector.shape_cast %mul3A_429 : vector<16xf32> to vector<1x16xf32>
      tpu.vector_store %arg9[%swap3A_434, %swap3A_435], %swap3A_438 {strides = array<i32>} : memref<128x128xf32, #tpu.memory_space<vmem>>, vector<1x16xf32>,
      %mul3A_439 = arith.constant 2 : i32
      %mul3A_440 = arith.muli %mul3A_439, %scan3A_240 : i32
      %add3A_441 = arith.constant 1 : i32
      %add3A_442 = arith.addi %mul3A_440, %add3A_441 : i32
      %get3A_443 = arith.index_cast %add3A_442 : i32 to index
      %get3A_444 = arith.constant 32 : index
      %get3A_445 = tpu.vector_load %arg9[%get3A_443, %get3A_444] {strides = array<i32>} : memref<128x128xf32, #tpu.memory_space<vmem>>, vector<1x16xf32>,
      %get3A_446 = vector.shape_cast %get3A_445 : vector<1x16xf32> to vector<16xf32>
      %mul3A_447 = arith.constant 11.3137083 : f32
      %mul3A_448 = vector.broadcast %mul3A_447 : f32 to vector<16xf32>
      %mul3A_449 = arith.mulf %get3A_446, %mul3A_448 : vector<16xf32>
      %mul3A_450 = arith.constant 2 : i32
      %mul3A_451 = arith.muli %mul3A_450, %scan3A_240 : i32
      %add3A_452 = arith.constant 1 : i32
      %add3A_453 = arith.addi %mul3A_451, %add3A_452 : i32
      %swap3A_454 = arith.index_cast %add3A_453 : i32 to index
      %swap3A_455 = arith.constant 32 : index
      %swap3A_456 = tpu.vector_load %arg9[%swap3A_454, %swap3A_455] {strides = array<i32>} : memref<128x128xf32, #tpu.memory_space<vmem>>, vector<1x16xf32>,
      %swap3A_457 = vector.shape_cast %swap3A_456 : vector<1x16xf32> to vector<16xf32>
      %swap3A_458 = vector.shape_cast %mul3A_449 : vector<16xf32> to vector<1x16xf32>
      tpu.vector_store %arg9[%swap3A_454, %swap3A_455], %swap3A_458 {strides = array<i32>} : memref<128x128xf32, #tpu.memory_space<vmem>>, vector<1x16xf32>,
      %mul3A_459 = arith.constant 2 : i32
      %mul3A_460 = arith.muli %mul3A_459, %scan3A_240 : i32
      %add3A_461 = arith.constant 1 : i32
      %add3A_462 = arith.addi %mul3A_460, %add3A_461 : i32
      %get3A_463 = arith.index_cast %add3A_462 : i32 to index
      %get3A_464 = arith.constant 48 : index
      %get3A_465 = tpu.vector_load %arg9[%get3A_463, %get3A_464] {strides = array<i32>} : memref<128x128xf32, #tpu.memory_space<vmem>>, vector<1x16xf32>,
      %get3A_466 = vector.shape_cast %get3A_465 : vector<1x16xf32> to vector<16xf32>
      %mul3A_467 = arith.constant 11.3137083 : f32
      %mul3A_468 = vector.broadcast %mul3A_467 : f32 to vector<16xf32>
      %mul3A_469 = arith.mulf %get3A_466, %mul3A_468 : vector<16xf32>
      %mul3A_470 = arith.constant 2 : i32
      %mul3A_471 = arith.muli %mul3A_470, %scan3A_240 : i32
      %add3A_472 = arith.constant 1 : i32
      %add3A_473 = arith.addi %mul3A_471, %add3A_472 : i32
      %swap3A_474 = arith.index_cast %add3A_473 : i32 to index
      %swap3A_475 = arith.constant 48 : index
      %swap3A_476 = tpu.vector_load %arg9[%swap3A_474, %swap3A_475] {strides = array<i32>} : memref<128x128xf32, #tpu.memory_space<vmem>>, vector<1x16xf32>,
      %swap3A_477 = vector.shape_cast %swap3A_476 : vector<1x16xf32> to vector<16xf32>
      %swap3A_478 = vector.shape_cast %mul3A_469 : vector<16xf32> to vector<1x16xf32>
      tpu.vector_store %arg9[%swap3A_474, %swap3A_475], %swap3A_478 {strides = array<i32>} : memref<128x128xf32, #tpu.memory_space<vmem>>, vector<1x16xf32>,
      %mul3A_479 = arith.constant 2 : i32
      %mul3A_480 = arith.muli %mul3A_479, %scan3A_240 : i32
      %add3A_481 = arith.constant 1 : i32
      %add3A_482 = arith.addi %mul3A_480, %add3A_481 : i32
      %get3A_483 = arith.index_cast %add3A_482 : i32 to index
      %get3A_484 = arith.constant 64 : index
      %get3A_485 = tpu.vector_load %arg9[%get3A_483, %get3A_484] {strides = array<i32>} : memref<128x128xf32, #tpu.memory_space<vmem>>, vector<1x16xf32>,
      %get3A_486 = vector.shape_cast %get3A_485 : vector<1x16xf32> to vector<16xf32>
      %mul3A_487 = arith.constant 11.3137083 : f32
      %mul3A_488 = vector.broadcast %mul3A_487 : f32 to vector<16xf32>
      %mul3A_489 = arith.mulf %get3A_486, %mul3A_488 : vector<16xf32>
      %mul3A_490 = arith.constant 2 : i32
      %mul3A_491 = arith.muli %mul3A_490, %scan3A_240 : i32
      %add3A_492 = arith.constant 1 : i32
      %add3A_493 = arith.addi %mul3A_491, %add3A_492 : i32
      %swap3A_494 = arith.index_cast %add3A_493 : i32 to index
      %swap3A_495 = arith.constant 64 : index
      %swap3A_496 = tpu.vector_load %arg9[%swap3A_494, %swap3A_495] {strides = array<i32>} : memref<128x128xf32, #tpu.memory_space<vmem>>, vector<1x16xf32>,
      %swap3A_497 = vector.shape_cast %swap3A_496 : vector<1x16xf32> to vector<16xf32>
      %swap3A_498 = vector.shape_cast %mul3A_489 : vector<16xf32> to vector<1x16xf32>
      tpu.vector_store %arg9[%swap3A_494, %swap3A_495], %swap3A_498 {strides = array<i32>} : memref<128x128xf32, #tpu.memory_space<vmem>>, vector<1x16xf32>,
      %mul3A_499 = arith.constant 2 : i32
      %mul3A_500 = arith.muli %mul3A_499, %scan3A_240 : i32
      %add3A_501 = arith.constant 1 : i32
      %add3A_502 = arith.addi %mul3A_500, %add3A_501 : i32
      %get3A_503 = arith.index_cast %add3A_502 : i32 to index
      %get3A_504 = arith.constant 80 : index
      %get3A_505 = tpu.vector_load %arg9[%get3A_503, %get3A_504] {strides = array<i32>} : memref<128x128xf32, #tpu.memory_space<vmem>>, vector<1x16xf32>,
      %get3A_506 = vector.shape_cast %get3A_505 : vector<1x16xf32> to vector<16xf32>
      %mul3A_507 = arith.constant 11.3137083 : f32
      %mul3A_508 = vector.broadcast %mul3A_507 : f32 to vector<16xf32>
      %mul3A_509 = arith.mulf %get3A_506, %mul3A_508 : vector<16xf32>
      %mul3A_510 = arith.constant 2 : i32
      %mul3A_511 = arith.muli %mul3A_510, %scan3A_240 : i32
      %add3A_512 = arith.constant 1 : i32
      %add3A_513 = arith.addi %mul3A_511, %add3A_512 : i32
      %swap3A_514 = arith.index_cast %add3A_513 : i32 to index
      %swap3A_515 = arith.constant 80 : index
      %swap3A_516 = tpu.vector_load %arg9[%swap3A_514, %swap3A_515] {strides = array<i32>} : memref<128x128xf32, #tpu.memory_space<vmem>>, vector<1x16xf32>,
      %swap3A_517 = vector.shape_cast %swap3A_516 : vector<1x16xf32> to vector<16xf32>
      %swap3A_518 = vector.shape_cast %mul3A_509 : vector<16xf32> to vector<1x16xf32>
      tpu.vector_store %arg9[%swap3A_514, %swap3A_515], %swap3A_518 {strides = array<i32>} : memref<128x128xf32, #tpu.memory_space<vmem>>, vector<1x16xf32>,
      %mul3A_519 = arith.constant 2 : i32
      %mul3A_520 = arith.muli %mul3A_519, %scan3A_240 : i32
      %add3A_521 = arith.constant 1 : i32
      %add3A_522 = arith.addi %mul3A_520, %add3A_521 : i32
      %get3A_523 = arith.index_cast %add3A_522 : i32 to index
      %get3A_524 = arith.constant 96 : index
      %get3A_525 = tpu.vector_load %arg9[%get3A_523, %get3A_524] {strides = array<i32>} : memref<128x128xf32, #tpu.memory_space<vmem>>, vector<1x16xf32>,
      %get3A_526 = vector.shape_cast %get3A_525 : vector<1x16xf32> to vector<16xf32>
      %mul3A_527 = arith.constant 11.3137083 : f32
      %mul3A_528 = vector.broadcast %mul3A_527 : f32 to vector<16xf32>
      %mul3A_529 = arith.mulf %get3A_526, %mul3A_528 : vector<16xf32>
      %mul3A_530 = arith.constant 2 : i32
      %mul3A_531 = arith.muli %mul3A_530, %scan3A_240 : i32
      %add3A_532 = arith.constant 1 : i32
      %add3A_533 = arith.addi %mul3A_531, %add3A_532 : i32
      %swap3A_534 = arith.index_cast %add3A_533 : i32 to index
      %swap3A_535 = arith.constant 96 : index
      %swap3A_536 = tpu.vector_load %arg9[%swap3A_534, %swap3A_535] {strides = array<i32>} : memref<128x128xf32, #tpu.memory_space<vmem>>, vector<1x16xf32>,
      %swap3A_537 = vector.shape_cast %swap3A_536 : vector<1x16xf32> to vector<16xf32>
      %swap3A_538 = vector.shape_cast %mul3A_529 : vector<16xf32> to vector<1x16xf32>
      tpu.vector_store %arg9[%swap3A_534, %swap3A_535], %swap3A_538 {strides = array<i32>} : memref<128x128xf32, #tpu.memory_space<vmem>>, vector<1x16xf32>,
      %mul3A_539 = arith.constant 2 : i32
      %mul3A_540 = arith.muli %mul3A_539, %scan3A_240 : i32
      %add3A_541 = arith.constant 1 : i32
      %add3A_542 = arith.addi %mul3A_540, %add3A_541 : i32
      %get3A_543 = arith.index_cast %add3A_542 : i32 to index
      %get3A_544 = arith.constant 112 : index
      %get3A_545 = tpu.vector_load %arg9[%get3A_543, %get3A_544] {strides = array<i32>} : memref<128x128xf32, #tpu.memory_space<vmem>>, vector<1x16xf32>,
      %get3A_546 = vector.shape_cast %get3A_545 : vector<1x16xf32> to vector<16xf32>
      %mul3A_547 = arith.constant 11.3137083 : f32
      %mul3A_548 = vector.broadcast %mul3A_547 : f32 to vector<16xf32>
      %mul3A_549 = arith.mulf %get3A_546, %mul3A_548 : vector<16xf32>
      %mul3A_550 = arith.constant 2 : i32
      %mul3A_551 = arith.muli %mul3A_550, %scan3A_240 : i32
      %add3A_552 = arith.constant 1 : i32
      %add3A_553 = arith.addi %mul3A_551, %add3A_552 : i32
      %swap3A_554 = arith.index_cast %add3A_553 : i32 to index
      %swap3A_555 = arith.constant 112 : index
      %swap3A_556 = tpu.vector_load %arg9[%swap3A_554, %swap3A_555] {strides = array<i32>} : memref<128x128xf32, #tpu.memory_space<vmem>>, vector<1x16xf32>,
      %swap3A_557 = vector.shape_cast %swap3A_556 : vector<1x16xf32> to vector<16xf32>
      %swap3A_558 = vector.shape_cast %mul3A_549 : vector<16xf32> to vector<1x16xf32>
      tpu.vector_store %arg9[%swap3A_554, %swap3A_555], %swap3A_558 {strides = array<i32>} : memref<128x128xf32, #tpu.memory_space<vmem>>, vector<1x16xf32>,
    }
    %scan3A_137 = arith.constant 64 : i32
    %add3A_138 = arith.constant 384 : i32
    %add3A_139 = arith.addi %mul3A_2, %add3A_138 : i32
    %dma_start3A_140 = arith.constant 0 : i32
    %dma_start3A_141 = tpu.memref_slice %arg4[%add3A_139, %dma_start3A_140] : memref<32768x128xf32, #tpu.memory_space<hbm>> -> memref<128x128xf32, #tpu.memory_space<hbm>>
    %dma_start3A_142 = arith.constant 0 : i32
    %dma_start3A_143 = tpu.memref_slice %arg4[%add3A_139, %dma_start3A_142] : memref<32768x128xf32, #tpu.memory_space<hbm>> -> memref<128x128xf32, #tpu.memory_space<hbm>>
    tpu.enqueue_dma source(%arg9 : memref<128x128xf32, #tpu.memory_space<vmem>>) target(%dma_start3A_143 : memref<128x128xf32, #tpu.memory_space<hbm>>) target_semaphore(%arg23 : memref<!tpu.dma_semaphore, #tpu.memory_space<semaphore_mem>>)
    %dma_wait3A_144 = arith.constant 512 : i32
    %dma_wait3A_145 = tpu.memref_slice %arg5[%dma_wait3A_144] : memref<1024xi32, #tpu.memory_space<vmem>> -> memref<128xi32, #tpu.memory_space<vmem>>
    %dma_wait3A_146 = arith.constant 0 : i32
    %dma_wait3A_147 = arith.constant 0 : i32
    %dma_wait3A_148 = tpu.memref_slice %arg3[%dma_wait3A_146, %dma_wait3A_147] : memref<1000000x128xf32, #tpu.memory_space<hbm>> -> memref<1000000x128xf32, #tpu.memory_space<hbm>>
    tpu.wait_indirect_dma semaphore(%arg17 : memref<!tpu.dma_semaphore, #tpu.memory_space<semaphore_mem>>) src(%dma_wait3A_148 : memref<1000000x128xf32, #tpu.memory_space<hbm>>) dst(%arg10 : memref<128x128xf32, #tpu.memory_space<vmem>>)
    %scan3A_149 = arith.constant 0 : i32
    %scan3A_150 = arith.constant 0 : i32
    %scan3A_151 = arith.constant 64 : i32
    %scan3A_152 = arith.addi %scan3A_150, %scan3A_151 : i32
    %scan3A_153 = arith.constant 1 : i32
    scf.for %scan3A_240 = %scan3A_150 to %scan3A_152 step %scan3A_153  : i32 {
      %mul3A_241 = arith.constant 2 : i32
      %mul3A_242 = arith.muli %mul3A_241, %scan3A_240 : i32
      %add3A_243 = arith.constant 0 : i32
      %add3A_244 = arith.addi %mul3A_242, %add3A_243 : i32
      %get3A = arith.index_cast %add3A_244 : i32 to index
      %get3A_245 = arith.constant 0 : index
      %get3A_246 = tpu.vector_load %arg10[%get3A, %get3A_245] {strides = array<i32>} : memref<128x128xf32, #tpu.memory_space<vmem>>, vector<1x16xf32>,
      %get3A_247 = vector.shape_cast %get3A_246 : vector<1x16xf32> to vector<16xf32>
      %mul3A_248 = arith.constant 11.3137083 : f32
      %mul3A_249 = vector.broadcast %mul3A_248 : f32 to vector<16xf32>
      %mul3A_250 = arith.mulf %get3A_247, %mul3A_249 : vector<16xf32>
      %mul3A_251 = arith.constant 2 : i32
      %mul3A_252 = arith.muli %mul3A_251, %scan3A_240 : i32
      %add3A_253 = arith.constant 0 : i32
      %add3A_254 = arith.addi %mul3A_252, %add3A_253 : i32
      %swap3A = arith.index_cast %add3A_254 : i32 to index
      %swap3A_255 = arith.constant 0 : index
      %swap3A_256 = tpu.vector_load %arg10[%swap3A, %swap3A_255] {strides = array<i32>} : memref<128x128xf32, #tpu.memory_space<vmem>>, vector<1x16xf32>,
      %swap3A_257 = vector.shape_cast %swap3A_256 : vector<1x16xf32> to vector<16xf32>
      %swap3A_258 = vector.shape_cast %mul3A_250 : vector<16xf32> to vector<1x16xf32>
      tpu.vector_store %arg10[%swap3A, %swap3A_255], %swap3A_258 {strides = array<i32>} : memref<128x128xf32, #tpu.memory_space<vmem>>, vector<1x16xf32>,
      %mul3A_259 = arith.constant 2 : i32
      %mul3A_260 = arith.muli %mul3A_259, %scan3A_240 : i32
      %add3A_261 = arith.constant 0 : i32
      %add3A_262 = arith.addi %mul3A_260, %add3A_261 : i32
      %get3A_263 = arith.index_cast %add3A_262 : i32 to index
      %get3A_264 = arith.constant 16 : index
      %get3A_265 = tpu.vector_load %arg10[%get3A_263, %get3A_264] {strides = array<i32>} : memref<128x128xf32, #tpu.memory_space<vmem>>, vector<1x16xf32>,
      %get3A_266 = vector.shape_cast %get3A_265 : vector<1x16xf32> to vector<16xf32>
      %mul3A_267 = arith.constant 11.3137083 : f32
      %mul3A_268 = vector.broadcast %mul3A_267 : f32 to vector<16xf32>
      %mul3A_269 = arith.mulf %get3A_266, %mul3A_268 : vector<16xf32>
      %mul3A_270 = arith.constant 2 : i32
      %mul3A_271 = arith.muli %mul3A_270, %scan3A_240 : i32
      %add3A_272 = arith.constant 0 : i32
      %add3A_273 = arith.addi %mul3A_271, %add3A_272 : i32
      %swap3A_274 = arith.index_cast %add3A_273 : i32 to index
      %swap3A_275 = arith.constant 16 : index
      %swap3A_276 = tpu.vector_load %arg10[%swap3A_274, %swap3A_275] {strides = array<i32>} : memref<128x128xf32, #tpu.memory_space<vmem>>, vector<1x16xf32>,
      %swap3A_277 = vector.shape_cast %swap3A_276 : vector<1x16xf32> to vector<16xf32>
      %swap3A_278 = vector.shape_cast %mul3A_269 : vector<16xf32> to vector<1x16xf32>
      tpu.vector_store %arg10[%swap3A_274, %swap3A_275], %swap3A_278 {strides = array<i32>} : memref<128x128xf32, #tpu.memory_space<vmem>>, vector<1x16xf32>,
      %mul3A_279 = arith.constant 2 : i32
      %mul3A_280 = arith.muli %mul3A_279, %scan3A_240 : i32
      %add3A_281 = arith.constant 0 : i32
      %add3A_282 = arith.addi %mul3A_280, %add3A_281 : i32
      %get3A_283 = arith.index_cast %add3A_282 : i32 to index
      %get3A_284 = arith.constant 32 : index
      %get3A_285 = tpu.vector_load %arg10[%get3A_283, %get3A_284] {strides = array<i32>} : memref<128x128xf32, #tpu.memory_space<vmem>>, vector<1x16xf32>,
      %get3A_286 = vector.shape_cast %get3A_285 : vector<1x16xf32> to vector<16xf32>
      %mul3A_287 = arith.constant 11.3137083 : f32
      %mul3A_288 = vector.broadcast %mul3A_287 : f32 to vector<16xf32>
      %mul3A_289 = arith.mulf %get3A_286, %mul3A_288 : vector<16xf32>
      %mul3A_290 = arith.constant 2 : i32
      %mul3A_291 = arith.muli %mul3A_290, %scan3A_240 : i32
      %add3A_292 = arith.constant 0 : i32
      %add3A_293 = arith.addi %mul3A_291, %add3A_292 : i32
      %swap3A_294 = arith.index_cast %add3A_293 : i32 to index
      %swap3A_295 = arith.constant 32 : index
      %swap3A_296 = tpu.vector_load %arg10[%swap3A_294, %swap3A_295] {strides = array<i32>} : memref<128x128xf32, #tpu.memory_space<vmem>>, vector<1x16xf32>,
      %swap3A_297 = vector.shape_cast %swap3A_296 : vector<1x16xf32> to vector<16xf32>
      %swap3A_298 = vector.shape_cast %mul3A_289 : vector<16xf32> to vector<1x16xf32>
      tpu.vector_store %arg10[%swap3A_294, %swap3A_295], %swap3A_298 {strides = array<i32>} : memref<128x128xf32, #tpu.memory_space<vmem>>, vector<1x16xf32>,
      %mul3A_299 = arith.constant 2 : i32
      %mul3A_300 = arith.muli %mul3A_299, %scan3A_240 : i32
      %add3A_301 = arith.constant 0 : i32
      %add3A_302 = arith.addi %mul3A_300, %add3A_301 : i32
      %get3A_303 = arith.index_cast %add3A_302 : i32 to index
      %get3A_304 = arith.constant 48 : index
      %get3A_305 = tpu.vector_load %arg10[%get3A_303, %get3A_304] {strides = array<i32>} : memref<128x128xf32, #tpu.memory_space<vmem>>, vector<1x16xf32>,
      %get3A_306 = vector.shape_cast %get3A_305 : vector<1x16xf32> to vector<16xf32>
      %mul3A_307 = arith.constant 11.3137083 : f32
      %mul3A_308 = vector.broadcast %mul3A_307 : f32 to vector<16xf32>
      %mul3A_309 = arith.mulf %get3A_306, %mul3A_308 : vector<16xf32>
      %mul3A_310 = arith.constant 2 : i32
      %mul3A_311 = arith.muli %mul3A_310, %scan3A_240 : i32
      %add3A_312 = arith.constant 0 : i32
      %add3A_313 = arith.addi %mul3A_311, %add3A_312 : i32
      %swap3A_314 = arith.index_cast %add3A_313 : i32 to index
      %swap3A_315 = arith.constant 48 : index
      %swap3A_316 = tpu.vector_load %arg10[%swap3A_314, %swap3A_315] {strides = array<i32>} : memref<128x128xf32, #tpu.memory_space<vmem>>, vector<1x16xf32>,
      %swap3A_317 = vector.shape_cast %swap3A_316 : vector<1x16xf32> to vector<16xf32>
      %swap3A_318 = vector.shape_cast %mul3A_309 : vector<16xf32> to vector<1x16xf32>
      tpu.vector_store %arg10[%swap3A_314, %swap3A_315], %swap3A_318 {strides = array<i32>} : memref<128x128xf32, #tpu.memory_space<vmem>>, vector<1x16xf32>,
      %mul3A_319 = arith.constant 2 : i32
      %mul3A_320 = arith.muli %mul3A_319, %scan3A_240 : i32
      %add3A_321 = arith.constant 0 : i32
      %add3A_322 = arith.addi %mul3A_320, %add3A_321 : i32
      %get3A_323 = arith.index_cast %add3A_322 : i32 to index
      %get3A_324 = arith.constant 64 : index
      %get3A_325 = tpu.vector_load %arg10[%get3A_323, %get3A_324] {strides = array<i32>} : memref<128x128xf32, #tpu.memory_space<vmem>>, vector<1x16xf32>,
      %get3A_326 = vector.shape_cast %get3A_325 : vector<1x16xf32> to vector<16xf32>
      %mul3A_327 = arith.constant 11.3137083 : f32
      %mul3A_328 = vector.broadcast %mul3A_327 : f32 to vector<16xf32>
      %mul3A_329 = arith.mulf %get3A_326, %mul3A_328 : vector<16xf32>
      %mul3A_330 = arith.constant 2 : i32
      %mul3A_331 = arith.muli %mul3A_330, %scan3A_240 : i32
      %add3A_332 = arith.constant 0 : i32
      %add3A_333 = arith.addi %mul3A_331, %add3A_332 : i32
      %swap3A_334 = arith.index_cast %add3A_333 : i32 to index
      %swap3A_335 = arith.constant 64 : index
      %swap3A_336 = tpu.vector_load %arg10[%swap3A_334, %swap3A_335] {strides = array<i32>} : memref<128x128xf32, #tpu.memory_space<vmem>>, vector<1x16xf32>,
      %swap3A_337 = vector.shape_cast %swap3A_336 : vector<1x16xf32> to vector<16xf32>
      %swap3A_338 = vector.shape_cast %mul3A_329 : vector<16xf32> to vector<1x16xf32>
      tpu.vector_store %arg10[%swap3A_334, %swap3A_335], %swap3A_338 {strides = array<i32>} : memref<128x128xf32, #tpu.memory_space<vmem>>, vector<1x16xf32>,
      %mul3A_339 = arith.constant 2 : i32
      %mul3A_340 = arith.muli %mul3A_339, %scan3A_240 : i32
      %add3A_341 = arith.constant 0 : i32
      %add3A_342 = arith.addi %mul3A_340, %add3A_341 : i32
      %get3A_343 = arith.index_cast %add3A_342 : i32 to index
      %get3A_344 = arith.constant 80 : index
      %get3A_345 = tpu.vector_load %arg10[%get3A_343, %get3A_344] {strides = array<i32>} : memref<128x128xf32, #tpu.memory_space<vmem>>, vector<1x16xf32>,
      %get3A_346 = vector.shape_cast %get3A_345 : vector<1x16xf32> to vector<16xf32>
      %mul3A_347 = arith.constant 11.3137083 : f32
      %mul3A_348 = vector.broadcast %mul3A_347 : f32 to vector<16xf32>
      %mul3A_349 = arith.mulf %get3A_346, %mul3A_348 : vector<16xf32>
      %mul3A_350 = arith.constant 2 : i32
      %mul3A_351 = arith.muli %mul3A_350, %scan3A_240 : i32
      %add3A_352 = arith.constant 0 : i32
      %add3A_353 = arith.addi %mul3A_351, %add3A_352 : i32
      %swap3A_354 = arith.index_cast %add3A_353 : i32 to index
      %swap3A_355 = arith.constant 80 : index
      %swap3A_356 = tpu.vector_load %arg10[%swap3A_354, %swap3A_355] {strides = array<i32>} : memref<128x128xf32, #tpu.memory_space<vmem>>, vector<1x16xf32>,
      %swap3A_357 = vector.shape_cast %swap3A_356 : vector<1x16xf32> to vector<16xf32>
      %swap3A_358 = vector.shape_cast %mul3A_349 : vector<16xf32> to vector<1x16xf32>
      tpu.vector_store %arg10[%swap3A_354, %swap3A_355], %swap3A_358 {strides = array<i32>} : memref<128x128xf32, #tpu.memory_space<vmem>>, vector<1x16xf32>,
      %mul3A_359 = arith.constant 2 : i32
      %mul3A_360 = arith.muli %mul3A_359, %scan3A_240 : i32
      %add3A_361 = arith.constant 0 : i32
      %add3A_362 = arith.addi %mul3A_360, %add3A_361 : i32
      %get3A_363 = arith.index_cast %add3A_362 : i32 to index
      %get3A_364 = arith.constant 96 : index
      %get3A_365 = tpu.vector_load %arg10[%get3A_363, %get3A_364] {strides = array<i32>} : memref<128x128xf32, #tpu.memory_space<vmem>>, vector<1x16xf32>,
      %get3A_366 = vector.shape_cast %get3A_365 : vector<1x16xf32> to vector<16xf32>
      %mul3A_367 = arith.constant 11.3137083 : f32
      %mul3A_368 = vector.broadcast %mul3A_367 : f32 to vector<16xf32>
      %mul3A_369 = arith.mulf %get3A_366, %mul3A_368 : vector<16xf32>
      %mul3A_370 = arith.constant 2 : i32
      %mul3A_371 = arith.muli %mul3A_370, %scan3A_240 : i32
      %add3A_372 = arith.constant 0 : i32
      %add3A_373 = arith.addi %mul3A_371, %add3A_372 : i32
      %swap3A_374 = arith.index_cast %add3A_373 : i32 to index
      %swap3A_375 = arith.constant 96 : index
      %swap3A_376 = tpu.vector_load %arg10[%swap3A_374, %swap3A_375] {strides = array<i32>} : memref<128x128xf32, #tpu.memory_space<vmem>>, vector<1x16xf32>,
      %swap3A_377 = vector.shape_cast %swap3A_376 : vector<1x16xf32> to vector<16xf32>
      %swap3A_378 = vector.shape_cast %mul3A_369 : vector<16xf32> to vector<1x16xf32>
      tpu.vector_store %arg10[%swap3A_374, %swap3A_375], %swap3A_378 {strides = array<i32>} : memref<128x128xf32, #tpu.memory_space<vmem>>, vector<1x16xf32>,
      %mul3A_379 = arith.constant 2 : i32
      %mul3A_380 = arith.muli %mul3A_379, %scan3A_240 : i32
      %add3A_381 = arith.constant 0 : i32
      %add3A_382 = arith.addi %mul3A_380, %add3A_381 : i32
      %get3A_383 = arith.index_cast %add3A_382 : i32 to index
      %get3A_384 = arith.constant 112 : index
      %get3A_385 = tpu.vector_load %arg10[%get3A_383, %get3A_384] {strides = array<i32>} : memref<128x128xf32, #tpu.memory_space<vmem>>, vector<1x16xf32>,
      %get3A_386 = vector.shape_cast %get3A_385 : vector<1x16xf32> to vector<16xf32>
      %mul3A_387 = arith.constant 11.3137083 : f32
      %mul3A_388 = vector.broadcast %mul3A_387 : f32 to vector<16xf32>
      %mul3A_389 = arith.mulf %get3A_386, %mul3A_388 : vector<16xf32>
      %mul3A_390 = arith.constant 2 : i32
      %mul3A_391 = arith.muli %mul3A_390, %scan3A_240 : i32
      %add3A_392 = arith.constant 0 : i32
      %add3A_393 = arith.addi %mul3A_391, %add3A_392 : i32
      %swap3A_394 = arith.index_cast %add3A_393 : i32 to index
      %swap3A_395 = arith.constant 112 : index
      %swap3A_396 = tpu.vector_load %arg10[%swap3A_394, %swap3A_395] {strides = array<i32>} : memref<128x128xf32, #tpu.memory_space<vmem>>, vector<1x16xf32>,
      %swap3A_397 = vector.shape_cast %swap3A_396 : vector<1x16xf32> to vector<16xf32>
      %swap3A_398 = vector.shape_cast %mul3A_389 : vector<16xf32> to vector<1x16xf32>
      tpu.vector_store %arg10[%swap3A_394, %swap3A_395], %swap3A_398 {strides = array<i32>} : memref<128x128xf32, #tpu.memory_space<vmem>>, vector<1x16xf32>,
      %mul3A_399 = arith.constant 2 : i32
      %mul3A_400 = arith.muli %mul3A_399, %scan3A_240 : i32
      %add3A_401 = arith.constant 1 : i32
      %add3A_402 = arith.addi %mul3A_400, %add3A_401 : i32
      %get3A_403 = arith.index_cast %add3A_402 : i32 to index
      %get3A_404 = arith.constant 0 : index
      %get3A_405 = tpu.vector_load %arg10[%get3A_403, %get3A_404] {strides = array<i32>} : memref<128x128xf32, #tpu.memory_space<vmem>>, vector<1x16xf32>,
      %get3A_406 = vector.shape_cast %get3A_405 : vector<1x16xf32> to vector<16xf32>
      %mul3A_407 = arith.constant 11.3137083 : f32
      %mul3A_408 = vector.broadcast %mul3A_407 : f32 to vector<16xf32>
      %mul3A_409 = arith.mulf %get3A_406, %mul3A_408 : vector<16xf32>
      %mul3A_410 = arith.constant 2 : i32
      %mul3A_411 = arith.muli %mul3A_410, %scan3A_240 : i32
      %add3A_412 = arith.constant 1 : i32
      %add3A_413 = arith.addi %mul3A_411, %add3A_412 : i32
      %swap3A_414 = arith.index_cast %add3A_413 : i32 to index
      %swap3A_415 = arith.constant 0 : index
      %swap3A_416 = tpu.vector_load %arg10[%swap3A_414, %swap3A_415] {strides = array<i32>} : memref<128x128xf32, #tpu.memory_space<vmem>>, vector<1x16xf32>,
      %swap3A_417 = vector.shape_cast %swap3A_416 : vector<1x16xf32> to vector<16xf32>
      %swap3A_418 = vector.shape_cast %mul3A_409 : vector<16xf32> to vector<1x16xf32>
      tpu.vector_store %arg10[%swap3A_414, %swap3A_415], %swap3A_418 {strides = array<i32>} : memref<128x128xf32, #tpu.memory_space<vmem>>, vector<1x16xf32>,
      %mul3A_419 = arith.constant 2 : i32
      %mul3A_420 = arith.muli %mul3A_419, %scan3A_240 : i32
      %add3A_421 = arith.constant 1 : i32
      %add3A_422 = arith.addi %mul3A_420, %add3A_421 : i32
      %get3A_423 = arith.index_cast %add3A_422 : i32 to index
      %get3A_424 = arith.constant 16 : index
      %get3A_425 = tpu.vector_load %arg10[%get3A_423, %get3A_424] {strides = array<i32>} : memref<128x128xf32, #tpu.memory_space<vmem>>, vector<1x16xf32>,
      %get3A_426 = vector.shape_cast %get3A_425 : vector<1x16xf32> to vector<16xf32>
      %mul3A_427 = arith.constant 11.3137083 : f32
      %mul3A_428 = vector.broadcast %mul3A_427 : f32 to vector<16xf32>
      %mul3A_429 = arith.mulf %get3A_426, %mul3A_428 : vector<16xf32>
      %mul3A_430 = arith.constant 2 : i32
      %mul3A_431 = arith.muli %mul3A_430, %scan3A_240 : i32
      %add3A_432 = arith.constant 1 : i32
      %add3A_433 = arith.addi %mul3A_431, %add3A_432 : i32
      %swap3A_434 = arith.index_cast %add3A_433 : i32 to index
      %swap3A_435 = arith.constant 16 : index
      %swap3A_436 = tpu.vector_load %arg10[%swap3A_434, %swap3A_435] {strides = array<i32>} : memref<128x128xf32, #tpu.memory_space<vmem>>, vector<1x16xf32>,
      %swap3A_437 = vector.shape_cast %swap3A_436 : vector<1x16xf32> to vector<16xf32>
      %swap3A_438 = vector.shape_cast %mul3A_429 : vector<16xf32> to vector<1x16xf32>
      tpu.vector_store %arg10[%swap3A_434, %swap3A_435], %swap3A_438 {strides = array<i32>} : memref<128x128xf32, #tpu.memory_space<vmem>>, vector<1x16xf32>,
      %mul3A_439 = arith.constant 2 : i32
      %mul3A_440 = arith.muli %mul3A_439, %scan3A_240 : i32
      %add3A_441 = arith.constant 1 : i32
      %add3A_442 = arith.addi %mul3A_440, %add3A_441 : i32
      %get3A_443 = arith.index_cast %add3A_442 : i32 to index
      %get3A_444 = arith.constant 32 : index
      %get3A_445 = tpu.vector_load %arg10[%get3A_443, %get3A_444] {strides = array<i32>} : memref<128x128xf32, #tpu.memory_space<vmem>>, vector<1x16xf32>,
      %get3A_446 = vector.shape_cast %get3A_445 : vector<1x16xf32> to vector<16xf32>
      %mul3A_447 = arith.constant 11.3137083 : f32
      %mul3A_448 = vector.broadcast %mul3A_447 : f32 to vector<16xf32>
      %mul3A_449 = arith.mulf %get3A_446, %mul3A_448 : vector<16xf32>
      %mul3A_450 = arith.constant 2 : i32
      %mul3A_451 = arith.muli %mul3A_450, %scan3A_240 : i32
      %add3A_452 = arith.constant 1 : i32
      %add3A_453 = arith.addi %mul3A_451, %add3A_452 : i32
      %swap3A_454 = arith.index_cast %add3A_453 : i32 to index
      %swap3A_455 = arith.constant 32 : index
      %swap3A_456 = tpu.vector_load %arg10[%swap3A_454, %swap3A_455] {strides = array<i32>} : memref<128x128xf32, #tpu.memory_space<vmem>>, vector<1x16xf32>,
      %swap3A_457 = vector.shape_cast %swap3A_456 : vector<1x16xf32> to vector<16xf32>
      %swap3A_458 = vector.shape_cast %mul3A_449 : vector<16xf32> to vector<1x16xf32>
      tpu.vector_store %arg10[%swap3A_454, %swap3A_455], %swap3A_458 {strides = array<i32>} : memref<128x128xf32, #tpu.memory_space<vmem>>, vector<1x16xf32>,
      %mul3A_459 = arith.constant 2 : i32
      %mul3A_460 = arith.muli %mul3A_459, %scan3A_240 : i32
      %add3A_461 = arith.constant 1 : i32
      %add3A_462 = arith.addi %mul3A_460, %add3A_461 : i32
      %get3A_463 = arith.index_cast %add3A_462 : i32 to index
      %get3A_464 = arith.constant 48 : index
      %get3A_465 = tpu.vector_load %arg10[%get3A_463, %get3A_464] {strides = array<i32>} : memref<128x128xf32, #tpu.memory_space<vmem>>, vector<1x16xf32>,
      %get3A_466 = vector.shape_cast %get3A_465 : vector<1x16xf32> to vector<16xf32>
      %mul3A_467 = arith.constant 11.3137083 : f32
      %mul3A_468 = vector.broadcast %mul3A_467 : f32 to vector<16xf32>
      %mul3A_469 = arith.mulf %get3A_466, %mul3A_468 : vector<16xf32>
      %mul3A_470 = arith.constant 2 : i32
      %mul3A_471 = arith.muli %mul3A_470, %scan3A_240 : i32
      %add3A_472 = arith.constant 1 : i32
      %add3A_473 = arith.addi %mul3A_471, %add3A_472 : i32
      %swap3A_474 = arith.index_cast %add3A_473 : i32 to index
      %swap3A_475 = arith.constant 48 : index
      %swap3A_476 = tpu.vector_load %arg10[%swap3A_474, %swap3A_475] {strides = array<i32>} : memref<128x128xf32, #tpu.memory_space<vmem>>, vector<1x16xf32>,
      %swap3A_477 = vector.shape_cast %swap3A_476 : vector<1x16xf32> to vector<16xf32>
      %swap3A_478 = vector.shape_cast %mul3A_469 : vector<16xf32> to vector<1x16xf32>
      tpu.vector_store %arg10[%swap3A_474, %swap3A_475], %swap3A_478 {strides = array<i32>} : memref<128x128xf32, #tpu.memory_space<vmem>>, vector<1x16xf32>,
      %mul3A_479 = arith.constant 2 : i32
      %mul3A_480 = arith.muli %mul3A_479, %scan3A_240 : i32
      %add3A_481 = arith.constant 1 : i32
      %add3A_482 = arith.addi %mul3A_480, %add3A_481 : i32
      %get3A_483 = arith.index_cast %add3A_482 : i32 to index
      %get3A_484 = arith.constant 64 : index
      %get3A_485 = tpu.vector_load %arg10[%get3A_483, %get3A_484] {strides = array<i32>} : memref<128x128xf32, #tpu.memory_space<vmem>>, vector<1x16xf32>,
      %get3A_486 = vector.shape_cast %get3A_485 : vector<1x16xf32> to vector<16xf32>
      %mul3A_487 = arith.constant 11.3137083 : f32
      %mul3A_488 = vector.broadcast %mul3A_487 : f32 to vector<16xf32>
      %mul3A_489 = arith.mulf %get3A_486, %mul3A_488 : vector<16xf32>
      %mul3A_490 = arith.constant 2 : i32
      %mul3A_491 = arith.muli %mul3A_490, %scan3A_240 : i32
      %add3A_492 = arith.constant 1 : i32
      %add3A_493 = arith.addi %mul3A_491, %add3A_492 : i32
      %swap3A_494 = arith.index_cast %add3A_493 : i32 to index
      %swap3A_495 = arith.constant 64 : index
      %swap3A_496 = tpu.vector_load %arg10[%swap3A_494, %swap3A_495] {strides = array<i32>} : memref<128x128xf32, #tpu.memory_space<vmem>>, vector<1x16xf32>,
      %swap3A_497 = vector.shape_cast %swap3A_496 : vector<1x16xf32> to vector<16xf32>
      %swap3A_498 = vector.shape_cast %mul3A_489 : vector<16xf32> to vector<1x16xf32>
      tpu.vector_store %arg10[%swap3A_494, %swap3A_495], %swap3A_498 {strides = array<i32>} : memref<128x128xf32, #tpu.memory_space<vmem>>, vector<1x16xf32>,
      %mul3A_499 = arith.constant 2 : i32
      %mul3A_500 = arith.muli %mul3A_499, %scan3A_240 : i32
      %add3A_501 = arith.constant 1 : i32
      %add3A_502 = arith.addi %mul3A_500, %add3A_501 : i32
      %get3A_503 = arith.index_cast %add3A_502 : i32 to index
      %get3A_504 = arith.constant 80 : index
      %get3A_505 = tpu.vector_load %arg10[%get3A_503, %get3A_504] {strides = array<i32>} : memref<128x128xf32, #tpu.memory_space<vmem>>, vector<1x16xf32>,
      %get3A_506 = vector.shape_cast %get3A_505 : vector<1x16xf32> to vector<16xf32>
      %mul3A_507 = arith.constant 11.3137083 : f32
      %mul3A_508 = vector.broadcast %mul3A_507 : f32 to vector<16xf32>
      %mul3A_509 = arith.mulf %get3A_506, %mul3A_508 : vector<16xf32>
      %mul3A_510 = arith.constant 2 : i32
      %mul3A_511 = arith.muli %mul3A_510, %scan3A_240 : i32
      %add3A_512 = arith.constant 1 : i32
      %add3A_513 = arith.addi %mul3A_511, %add3A_512 : i32
      %swap3A_514 = arith.index_cast %add3A_513 : i32 to index
      %swap3A_515 = arith.constant 80 : index
      %swap3A_516 = tpu.vector_load %arg10[%swap3A_514, %swap3A_515] {strides = array<i32>} : memref<128x128xf32, #tpu.memory_space<vmem>>, vector<1x16xf32>,
      %swap3A_517 = vector.shape_cast %swap3A_516 : vector<1x16xf32> to vector<16xf32>
      %swap3A_518 = vector.shape_cast %mul3A_509 : vector<16xf32> to vector<1x16xf32>
      tpu.vector_store %arg10[%swap3A_514, %swap3A_515], %swap3A_518 {strides = array<i32>} : memref<128x128xf32, #tpu.memory_space<vmem>>, vector<1x16xf32>,
      %mul3A_519 = arith.constant 2 : i32
      %mul3A_520 = arith.muli %mul3A_519, %scan3A_240 : i32
      %add3A_521 = arith.constant 1 : i32
      %add3A_522 = arith.addi %mul3A_520, %add3A_521 : i32
      %get3A_523 = arith.index_cast %add3A_522 : i32 to index
      %get3A_524 = arith.constant 96 : index
      %get3A_525 = tpu.vector_load %arg10[%get3A_523, %get3A_524] {strides = array<i32>} : memref<128x128xf32, #tpu.memory_space<vmem>>, vector<1x16xf32>,
      %get3A_526 = vector.shape_cast %get3A_525 : vector<1x16xf32> to vector<16xf32>
      %mul3A_527 = arith.constant 11.3137083 : f32
      %mul3A_528 = vector.broadcast %mul3A_527 : f32 to vector<16xf32>
      %mul3A_529 = arith.mulf %get3A_526, %mul3A_528 : vector<16xf32>
      %mul3A_530 = arith.constant 2 : i32
      %mul3A_531 = arith.muli %mul3A_530, %scan3A_240 : i32
      %add3A_532 = arith.constant 1 : i32
      %add3A_533 = arith.addi %mul3A_531, %add3A_532 : i32
      %swap3A_534 = arith.index_cast %add3A_533 : i32 to index
      %swap3A_535 = arith.constant 96 : index
      %swap3A_536 = tpu.vector_load %arg10[%swap3A_534, %swap3A_535] {strides = array<i32>} : memref<128x128xf32, #tpu.memory_space<vmem>>, vector<1x16xf32>,
      %swap3A_537 = vector.shape_cast %swap3A_536 : vector<1x16xf32> to vector<16xf32>
      %swap3A_538 = vector.shape_cast %mul3A_529 : vector<16xf32> to vector<1x16xf32>
      tpu.vector_store %arg10[%swap3A_534, %swap3A_535], %swap3A_538 {strides = array<i32>} : memref<128x128xf32, #tpu.memory_space<vmem>>, vector<1x16xf32>,
      %mul3A_539 = arith.constant 2 : i32
      %mul3A_540 = arith.muli %mul3A_539, %scan3A_240 : i32
      %add3A_541 = arith.constant 1 : i32
      %add3A_542 = arith.addi %mul3A_540, %add3A_541 : i32
      %get3A_543 = arith.index_cast %add3A_542 : i32 to index
      %get3A_544 = arith.constant 112 : index
      %get3A_545 = tpu.vector_load %arg10[%get3A_543, %get3A_544] {strides = array<i32>} : memref<128x128xf32, #tpu.memory_space<vmem>>, vector<1x16xf32>,
      %get3A_546 = vector.shape_cast %get3A_545 : vector<1x16xf32> to vector<16xf32>
      %mul3A_547 = arith.constant 11.3137083 : f32
      %mul3A_548 = vector.broadcast %mul3A_547 : f32 to vector<16xf32>
      %mul3A_549 = arith.mulf %get3A_546, %mul3A_548 : vector<16xf32>
      %mul3A_550 = arith.constant 2 : i32
      %mul3A_551 = arith.muli %mul3A_550, %scan3A_240 : i32
      %add3A_552 = arith.constant 1 : i32
      %add3A_553 = arith.addi %mul3A_551, %add3A_552 : i32
      %swap3A_554 = arith.index_cast %add3A_553 : i32 to index
      %swap3A_555 = arith.constant 112 : index
      %swap3A_556 = tpu.vector_load %arg10[%swap3A_554, %swap3A_555] {strides = array<i32>} : memref<128x128xf32, #tpu.memory_space<vmem>>, vector<1x16xf32>,
      %swap3A_557 = vector.shape_cast %swap3A_556 : vector<1x16xf32> to vector<16xf32>
      %swap3A_558 = vector.shape_cast %mul3A_549 : vector<16xf32> to vector<1x16xf32>
      tpu.vector_store %arg10[%swap3A_554, %swap3A_555], %swap3A_558 {strides = array<i32>} : memref<128x128xf32, #tpu.memory_space<vmem>>, vector<1x16xf32>,
    }
    %scan3A_154 = arith.constant 64 : i32
    %add3A_155 = arith.constant 512 : i32
    %add3A_156 = arith.addi %mul3A_2, %add3A_155 : i32
    %dma_start3A_157 = arith.constant 0 : i32
    %dma_start3A_158 = tpu.memref_slice %arg4[%add3A_156, %dma_start3A_157] : memref<32768x128xf32, #tpu.memory_space<hbm>> -> memref<128x128xf32, #tpu.memory_space<hbm>>
    %dma_start3A_159 = arith.constant 0 : i32
    %dma_start3A_160 = tpu.memref_slice %arg4[%add3A_156, %dma_start3A_159] : memref<32768x128xf32, #tpu.memory_space<hbm>> -> memref<128x128xf32, #tpu.memory_space<hbm>>
    tpu.enqueue_dma source(%arg10 : memref<128x128xf32, #tpu.memory_space<vmem>>) target(%dma_start3A_160 : memref<128x128xf32, #tpu.memory_space<hbm>>) target_semaphore(%arg24 : memref<!tpu.dma_semaphore, #tpu.memory_space<semaphore_mem>>)
    %dma_wait3A_161 = arith.constant 640 : i32
    %dma_wait3A_162 = tpu.memref_slice %arg5[%dma_wait3A_161] : memref<1024xi32, #tpu.memory_space<vmem>> -> memref<128xi32, #tpu.memory_space<vmem>>
    %dma_wait3A_163 = arith.constant 0 : i32
    %dma_wait3A_164 = arith.constant 0 : i32
    %dma_wait3A_165 = tpu.memref_slice %arg3[%dma_wait3A_163, %dma_wait3A_164] : memref<1000000x128xf32, #tpu.memory_space<hbm>> -> memref<1000000x128xf32, #tpu.memory_space<hbm>>
    tpu.wait_indirect_dma semaphore(%arg18 : memref<!tpu.dma_semaphore, #tpu.memory_space<semaphore_mem>>) src(%dma_wait3A_165 : memref<1000000x128xf32, #tpu.memory_space<hbm>>) dst(%arg11 : memref<128x128xf32, #tpu.memory_space<vmem>>)
    %scan3A_166 = arith.constant 0 : i32
    %scan3A_167 = arith.constant 0 : i32
    %scan3A_168 = arith.constant 64 : i32
    %scan3A_169 = arith.addi %scan3A_167, %scan3A_168 : i32
    %scan3A_170 = arith.constant 1 : i32
    scf.for %scan3A_240 = %scan3A_167 to %scan3A_169 step %scan3A_170  : i32 {
      %mul3A_241 = arith.constant 2 : i32
      %mul3A_242 = arith.muli %mul3A_241, %scan3A_240 : i32
      %add3A_243 = arith.constant 0 : i32
      %add3A_244 = arith.addi %mul3A_242, %add3A_243 : i32
      %get3A = arith.index_cast %add3A_244 : i32 to index
      %get3A_245 = arith.constant 0 : index
      %get3A_246 = tpu.vector_load %arg11[%get3A, %get3A_245] {strides = array<i32>} : memref<128x128xf32, #tpu.memory_space<vmem>>, vector<1x16xf32>,
      %get3A_247 = vector.shape_cast %get3A_246 : vector<1x16xf32> to vector<16xf32>
      %mul3A_248 = arith.constant 11.3137083 : f32
      %mul3A_249 = vector.broadcast %mul3A_248 : f32 to vector<16xf32>
      %mul3A_250 = arith.mulf %get3A_247, %mul3A_249 : vector<16xf32>
      %mul3A_251 = arith.constant 2 : i32
      %mul3A_252 = arith.muli %mul3A_251, %scan3A_240 : i32
      %add3A_253 = arith.constant 0 : i32
      %add3A_254 = arith.addi %mul3A_252, %add3A_253 : i32
      %swap3A = arith.index_cast %add3A_254 : i32 to index
      %swap3A_255 = arith.constant 0 : index
      %swap3A_256 = tpu.vector_load %arg11[%swap3A, %swap3A_255] {strides = array<i32>} : memref<128x128xf32, #tpu.memory_space<vmem>>, vector<1x16xf32>,
      %swap3A_257 = vector.shape_cast %swap3A_256 : vector<1x16xf32> to vector<16xf32>
      %swap3A_258 = vector.shape_cast %mul3A_250 : vector<16xf32> to vector<1x16xf32>
      tpu.vector_store %arg11[%swap3A, %swap3A_255], %swap3A_258 {strides = array<i32>} : memref<128x128xf32, #tpu.memory_space<vmem>>, vector<1x16xf32>,
      %mul3A_259 = arith.constant 2 : i32
      %mul3A_260 = arith.muli %mul3A_259, %scan3A_240 : i32
      %add3A_261 = arith.constant 0 : i32
      %add3A_262 = arith.addi %mul3A_260, %add3A_261 : i32
      %get3A_263 = arith.index_cast %add3A_262 : i32 to index
      %get3A_264 = arith.constant 16 : index
      %get3A_265 = tpu.vector_load %arg11[%get3A_263, %get3A_264] {strides = array<i32>} : memref<128x128xf32, #tpu.memory_space<vmem>>, vector<1x16xf32>,
      %get3A_266 = vector.shape_cast %get3A_265 : vector<1x16xf32> to vector<16xf32>
      %mul3A_267 = arith.constant 11.3137083 : f32
      %mul3A_268 = vector.broadcast %mul3A_267 : f32 to vector<16xf32>
      %mul3A_269 = arith.mulf %get3A_266, %mul3A_268 : vector<16xf32>
      %mul3A_270 = arith.constant 2 : i32
      %mul3A_271 = arith.muli %mul3A_270, %scan3A_240 : i32
      %add3A_272 = arith.constant 0 : i32
      %add3A_273 = arith.addi %mul3A_271, %add3A_272 : i32
      %swap3A_274 = arith.index_cast %add3A_273 : i32 to index
      %swap3A_275 = arith.constant 16 : index
      %swap3A_276 = tpu.vector_load %arg11[%swap3A_274, %swap3A_275] {strides = array<i32>} : memref<128x128xf32, #tpu.memory_space<vmem>>, vector<1x16xf32>,
      %swap3A_277 = vector.shape_cast %swap3A_276 : vector<1x16xf32> to vector<16xf32>
      %swap3A_278 = vector.shape_cast %mul3A_269 : vector<16xf32> to vector<1x16xf32>
      tpu.vector_store %arg11[%swap3A_274, %swap3A_275], %swap3A_278 {strides = array<i32>} : memref<128x128xf32, #tpu.memory_space<vmem>>, vector<1x16xf32>,
      %mul3A_279 = arith.constant 2 : i32
      %mul3A_280 = arith.muli %mul3A_279, %scan3A_240 : i32
      %add3A_281 = arith.constant 0 : i32
      %add3A_282 = arith.addi %mul3A_280, %add3A_281 : i32
      %get3A_283 = arith.index_cast %add3A_282 : i32 to index
      %get3A_284 = arith.constant 32 : index
      %get3A_285 = tpu.vector_load %arg11[%get3A_283, %get3A_284] {strides = array<i32>} : memref<128x128xf32, #tpu.memory_space<vmem>>, vector<1x16xf32>,
      %get3A_286 = vector.shape_cast %get3A_285 : vector<1x16xf32> to vector<16xf32>
      %mul3A_287 = arith.constant 11.3137083 : f32
      %mul3A_288 = vector.broadcast %mul3A_287 : f32 to vector<16xf32>
      %mul3A_289 = arith.mulf %get3A_286, %mul3A_288 : vector<16xf32>
      %mul3A_290 = arith.constant 2 : i32
      %mul3A_291 = arith.muli %mul3A_290, %scan3A_240 : i32
      %add3A_292 = arith.constant 0 : i32
      %add3A_293 = arith.addi %mul3A_291, %add3A_292 : i32
      %swap3A_294 = arith.index_cast %add3A_293 : i32 to index
      %swap3A_295 = arith.constant 32 : index
      %swap3A_296 = tpu.vector_load %arg11[%swap3A_294, %swap3A_295] {strides = array<i32>} : memref<128x128xf32, #tpu.memory_space<vmem>>, vector<1x16xf32>,
      %swap3A_297 = vector.shape_cast %swap3A_296 : vector<1x16xf32> to vector<16xf32>
      %swap3A_298 = vector.shape_cast %mul3A_289 : vector<16xf32> to vector<1x16xf32>
      tpu.vector_store %arg11[%swap3A_294, %swap3A_295], %swap3A_298 {strides = array<i32>} : memref<128x128xf32, #tpu.memory_space<vmem>>, vector<1x16xf32>,
      %mul3A_299 = arith.constant 2 : i32
      %mul3A_300 = arith.muli %mul3A_299, %scan3A_240 : i32
      %add3A_301 = arith.constant 0 : i32
      %add3A_302 = arith.addi %mul3A_300, %add3A_301 : i32
      %get3A_303 = arith.index_cast %add3A_302 : i32 to index
      %get3A_304 = arith.constant 48 : index
      %get3A_305 = tpu.vector_load %arg11[%get3A_303, %get3A_304] {strides = array<i32>} : memref<128x128xf32, #tpu.memory_space<vmem>>, vector<1x16xf32>,
      %get3A_306 = vector.shape_cast %get3A_305 : vector<1x16xf32> to vector<16xf32>
      %mul3A_307 = arith.constant 11.3137083 : f32
      %mul3A_308 = vector.broadcast %mul3A_307 : f32 to vector<16xf32>
      %mul3A_309 = arith.mulf %get3A_306, %mul3A_308 : vector<16xf32>
      %mul3A_310 = arith.constant 2 : i32
      %mul3A_311 = arith.muli %mul3A_310, %scan3A_240 : i32
      %add3A_312 = arith.constant 0 : i32
      %add3A_313 = arith.addi %mul3A_311, %add3A_312 : i32
      %swap3A_314 = arith.index_cast %add3A_313 : i32 to index
      %swap3A_315 = arith.constant 48 : index
      %swap3A_316 = tpu.vector_load %arg11[%swap3A_314, %swap3A_315] {strides = array<i32>} : memref<128x128xf32, #tpu.memory_space<vmem>>, vector<1x16xf32>,
      %swap3A_317 = vector.shape_cast %swap3A_316 : vector<1x16xf32> to vector<16xf32>
      %swap3A_318 = vector.shape_cast %mul3A_309 : vector<16xf32> to vector<1x16xf32>
      tpu.vector_store %arg11[%swap3A_314, %swap3A_315], %swap3A_318 {strides = array<i32>} : memref<128x128xf32, #tpu.memory_space<vmem>>, vector<1x16xf32>,
      %mul3A_319 = arith.constant 2 : i32
      %mul3A_320 = arith.muli %mul3A_319, %scan3A_240 : i32
      %add3A_321 = arith.constant 0 : i32
      %add3A_322 = arith.addi %mul3A_320, %add3A_321 : i32
      %get3A_323 = arith.index_cast %add3A_322 : i32 to index
      %get3A_324 = arith.constant 64 : index
      %get3A_325 = tpu.vector_load %arg11[%get3A_323, %get3A_324] {strides = array<i32>} : memref<128x128xf32, #tpu.memory_space<vmem>>, vector<1x16xf32>,
      %get3A_326 = vector.shape_cast %get3A_325 : vector<1x16xf32> to vector<16xf32>
      %mul3A_327 = arith.constant 11.3137083 : f32
      %mul3A_328 = vector.broadcast %mul3A_327 : f32 to vector<16xf32>
      %mul3A_329 = arith.mulf %get3A_326, %mul3A_328 : vector<16xf32>
      %mul3A_330 = arith.constant 2 : i32
      %mul3A_331 = arith.muli %mul3A_330, %scan3A_240 : i32
      %add3A_332 = arith.constant 0 : i32
      %add3A_333 = arith.addi %mul3A_331, %add3A_332 : i32
      %swap3A_334 = arith.index_cast %add3A_333 : i32 to index
      %swap3A_335 = arith.constant 64 : index
      %swap3A_336 = tpu.vector_load %arg11[%swap3A_334, %swap3A_335] {strides = array<i32>} : memref<128x128xf32, #tpu.memory_space<vmem>>, vector<1x16xf32>,
      %swap3A_337 = vector.shape_cast %swap3A_336 : vector<1x16xf32> to vector<16xf32>
      %swap3A_338 = vector.shape_cast %mul3A_329 : vector<16xf32> to vector<1x16xf32>
      tpu.vector_store %arg11[%swap3A_334, %swap3A_335], %swap3A_338 {strides = array<i32>} : memref<128x128xf32, #tpu.memory_space<vmem>>, vector<1x16xf32>,
      %mul3A_339 = arith.constant 2 : i32
      %mul3A_340 = arith.muli %mul3A_339, %scan3A_240 : i32
      %add3A_341 = arith.constant 0 : i32
      %add3A_342 = arith.addi %mul3A_340, %add3A_341 : i32
      %get3A_343 = arith.index_cast %add3A_342 : i32 to index
      %get3A_344 = arith.constant 80 : index
      %get3A_345 = tpu.vector_load %arg11[%get3A_343, %get3A_344] {strides = array<i32>} : memref<128x128xf32, #tpu.memory_space<vmem>>, vector<1x16xf32>,
      %get3A_346 = vector.shape_cast %get3A_345 : vector<1x16xf32> to vector<16xf32>
      %mul3A_347 = arith.constant 11.3137083 : f32
      %mul3A_348 = vector.broadcast %mul3A_347 : f32 to vector<16xf32>
      %mul3A_349 = arith.mulf %get3A_346, %mul3A_348 : vector<16xf32>
      %mul3A_350 = arith.constant 2 : i32
      %mul3A_351 = arith.muli %mul3A_350, %scan3A_240 : i32
      %add3A_352 = arith.constant 0 : i32
      %add3A_353 = arith.addi %mul3A_351, %add3A_352 : i32
      %swap3A_354 = arith.index_cast %add3A_353 : i32 to index
      %swap3A_355 = arith.constant 80 : index
      %swap3A_356 = tpu.vector_load %arg11[%swap3A_354, %swap3A_355] {strides = array<i32>} : memref<128x128xf32, #tpu.memory_space<vmem>>, vector<1x16xf32>,
      %swap3A_357 = vector.shape_cast %swap3A_356 : vector<1x16xf32> to vector<16xf32>
      %swap3A_358 = vector.shape_cast %mul3A_349 : vector<16xf32> to vector<1x16xf32>
      tpu.vector_store %arg11[%swap3A_354, %swap3A_355], %swap3A_358 {strides = array<i32>} : memref<128x128xf32, #tpu.memory_space<vmem>>, vector<1x16xf32>,
      %mul3A_359 = arith.constant 2 : i32
      %mul3A_360 = arith.muli %mul3A_359, %scan3A_240 : i32
      %add3A_361 = arith.constant 0 : i32
      %add3A_362 = arith.addi %mul3A_360, %add3A_361 : i32
      %get3A_363 = arith.index_cast %add3A_362 : i32 to index
      %get3A_364 = arith.constant 96 : index
      %get3A_365 = tpu.vector_load %arg11[%get3A_363, %get3A_364] {strides = array<i32>} : memref<128x128xf32, #tpu.memory_space<vmem>>, vector<1x16xf32>,
      %get3A_366 = vector.shape_cast %get3A_365 : vector<1x16xf32> to vector<16xf32>
      %mul3A_367 = arith.constant 11.3137083 : f32
      %mul3A_368 = vector.broadcast %mul3A_367 : f32 to vector<16xf32>
      %mul3A_369 = arith.mulf %get3A_366, %mul3A_368 : vector<16xf32>
      %mul3A_370 = arith.constant 2 : i32
      %mul3A_371 = arith.muli %mul3A_370, %scan3A_240 : i32
      %add3A_372 = arith.constant 0 : i32
      %add3A_373 = arith.addi %mul3A_371, %add3A_372 : i32
      %swap3A_374 = arith.index_cast %add3A_373 : i32 to index
      %swap3A_375 = arith.constant 96 : index
      %swap3A_376 = tpu.vector_load %arg11[%swap3A_374, %swap3A_375] {strides = array<i32>} : memref<128x128xf32, #tpu.memory_space<vmem>>, vector<1x16xf32>,
      %swap3A_377 = vector.shape_cast %swap3A_376 : vector<1x16xf32> to vector<16xf32>
      %swap3A_378 = vector.shape_cast %mul3A_369 : vector<16xf32> to vector<1x16xf32>
      tpu.vector_store %arg11[%swap3A_374, %swap3A_375], %swap3A_378 {strides = array<i32>} : memref<128x128xf32, #tpu.memory_space<vmem>>, vector<1x16xf32>,
      %mul3A_379 = arith.constant 2 : i32
      %mul3A_380 = arith.muli %mul3A_379, %scan3A_240 : i32
      %add3A_381 = arith.constant 0 : i32
      %add3A_382 = arith.addi %mul3A_380, %add3A_381 : i32
      %get3A_383 = arith.index_cast %add3A_382 : i32 to index
      %get3A_384 = arith.constant 112 : index
      %get3A_385 = tpu.vector_load %arg11[%get3A_383, %get3A_384] {strides = array<i32>} : memref<128x128xf32, #tpu.memory_space<vmem>>, vector<1x16xf32>,
      %get3A_386 = vector.shape_cast %get3A_385 : vector<1x16xf32> to vector<16xf32>
      %mul3A_387 = arith.constant 11.3137083 : f32
      %mul3A_388 = vector.broadcast %mul3A_387 : f32 to vector<16xf32>
      %mul3A_389 = arith.mulf %get3A_386, %mul3A_388 : vector<16xf32>
      %mul3A_390 = arith.constant 2 : i32
      %mul3A_391 = arith.muli %mul3A_390, %scan3A_240 : i32
      %add3A_392 = arith.constant 0 : i32
      %add3A_393 = arith.addi %mul3A_391, %add3A_392 : i32
      %swap3A_394 = arith.index_cast %add3A_393 : i32 to index
      %swap3A_395 = arith.constant 112 : index
      %swap3A_396 = tpu.vector_load %arg11[%swap3A_394, %swap3A_395] {strides = array<i32>} : memref<128x128xf32, #tpu.memory_space<vmem>>, vector<1x16xf32>,
      %swap3A_397 = vector.shape_cast %swap3A_396 : vector<1x16xf32> to vector<16xf32>
      %swap3A_398 = vector.shape_cast %mul3A_389 : vector<16xf32> to vector<1x16xf32>
      tpu.vector_store %arg11[%swap3A_394, %swap3A_395], %swap3A_398 {strides = array<i32>} : memref<128x128xf32, #tpu.memory_space<vmem>>, vector<1x16xf32>,
      %mul3A_399 = arith.constant 2 : i32
      %mul3A_400 = arith.muli %mul3A_399, %scan3A_240 : i32
      %add3A_401 = arith.constant 1 : i32
      %add3A_402 = arith.addi %mul3A_400, %add3A_401 : i32
      %get3A_403 = arith.index_cast %add3A_402 : i32 to index
      %get3A_404 = arith.constant 0 : index
      %get3A_405 = tpu.vector_load %arg11[%get3A_403, %get3A_404] {strides = array<i32>} : memref<128x128xf32, #tpu.memory_space<vmem>>, vector<1x16xf32>,
      %get3A_406 = vector.shape_cast %get3A_405 : vector<1x16xf32> to vector<16xf32>
      %mul3A_407 = arith.constant 11.3137083 : f32
      %mul3A_408 = vector.broadcast %mul3A_407 : f32 to vector<16xf32>
      %mul3A_409 = arith.mulf %get3A_406, %mul3A_408 : vector<16xf32>
      %mul3A_410 = arith.constant 2 : i32
      %mul3A_411 = arith.muli %mul3A_410, %scan3A_240 : i32
      %add3A_412 = arith.constant 1 : i32
      %add3A_413 = arith.addi %mul3A_411, %add3A_412 : i32
      %swap3A_414 = arith.index_cast %add3A_413 : i32 to index
      %swap3A_415 = arith.constant 0 : index
      %swap3A_416 = tpu.vector_load %arg11[%swap3A_414, %swap3A_415] {strides = array<i32>} : memref<128x128xf32, #tpu.memory_space<vmem>>, vector<1x16xf32>,
      %swap3A_417 = vector.shape_cast %swap3A_416 : vector<1x16xf32> to vector<16xf32>
      %swap3A_418 = vector.shape_cast %mul3A_409 : vector<16xf32> to vector<1x16xf32>
      tpu.vector_store %arg11[%swap3A_414, %swap3A_415], %swap3A_418 {strides = array<i32>} : memref<128x128xf32, #tpu.memory_space<vmem>>, vector<1x16xf32>,
      %mul3A_419 = arith.constant 2 : i32
      %mul3A_420 = arith.muli %mul3A_419, %scan3A_240 : i32
      %add3A_421 = arith.constant 1 : i32
      %add3A_422 = arith.addi %mul3A_420, %add3A_421 : i32
      %get3A_423 = arith.index_cast %add3A_422 : i32 to index
      %get3A_424 = arith.constant 16 : index
      %get3A_425 = tpu.vector_load %arg11[%get3A_423, %get3A_424] {strides = array<i32>} : memref<128x128xf32, #tpu.memory_space<vmem>>, vector<1x16xf32>,
      %get3A_426 = vector.shape_cast %get3A_425 : vector<1x16xf32> to vector<16xf32>
      %mul3A_427 = arith.constant 11.3137083 : f32
      %mul3A_428 = vector.broadcast %mul3A_427 : f32 to vector<16xf32>
      %mul3A_429 = arith.mulf %get3A_426, %mul3A_428 : vector<16xf32>
      %mul3A_430 = arith.constant 2 : i32
      %mul3A_431 = arith.muli %mul3A_430, %scan3A_240 : i32
      %add3A_432 = arith.constant 1 : i32
      %add3A_433 = arith.addi %mul3A_431, %add3A_432 : i32
      %swap3A_434 = arith.index_cast %add3A_433 : i32 to index
      %swap3A_435 = arith.constant 16 : index
      %swap3A_436 = tpu.vector_load %arg11[%swap3A_434, %swap3A_435] {strides = array<i32>} : memref<128x128xf32, #tpu.memory_space<vmem>>, vector<1x16xf32>,
      %swap3A_437 = vector.shape_cast %swap3A_436 : vector<1x16xf32> to vector<16xf32>
      %swap3A_438 = vector.shape_cast %mul3A_429 : vector<16xf32> to vector<1x16xf32>
      tpu.vector_store %arg11[%swap3A_434, %swap3A_435], %swap3A_438 {strides = array<i32>} : memref<128x128xf32, #tpu.memory_space<vmem>>, vector<1x16xf32>,
      %mul3A_439 = arith.constant 2 : i32
      %mul3A_440 = arith.muli %mul3A_439, %scan3A_240 : i32
      %add3A_441 = arith.constant 1 : i32
      %add3A_442 = arith.addi %mul3A_440, %add3A_441 : i32
      %get3A_443 = arith.index_cast %add3A_442 : i32 to index
      %get3A_444 = arith.constant 32 : index
      %get3A_445 = tpu.vector_load %arg11[%get3A_443, %get3A_444] {strides = array<i32>} : memref<128x128xf32, #tpu.memory_space<vmem>>, vector<1x16xf32>,
      %get3A_446 = vector.shape_cast %get3A_445 : vector<1x16xf32> to vector<16xf32>
      %mul3A_447 = arith.constant 11.3137083 : f32
      %mul3A_448 = vector.broadcast %mul3A_447 : f32 to vector<16xf32>
      %mul3A_449 = arith.mulf %get3A_446, %mul3A_448 : vector<16xf32>
      %mul3A_450 = arith.constant 2 : i32
      %mul3A_451 = arith.muli %mul3A_450, %scan3A_240 : i32
      %add3A_452 = arith.constant 1 : i32
      %add3A_453 = arith.addi %mul3A_451, %add3A_452 : i32
      %swap3A_454 = arith.index_cast %add3A_453 : i32 to index
      %swap3A_455 = arith.constant 32 : index
      %swap3A_456 = tpu.vector_load %arg11[%swap3A_454, %swap3A_455] {strides = array<i32>} : memref<128x128xf32, #tpu.memory_space<vmem>>, vector<1x16xf32>,
      %swap3A_457 = vector.shape_cast %swap3A_456 : vector<1x16xf32> to vector<16xf32>
      %swap3A_458 = vector.shape_cast %mul3A_449 : vector<16xf32> to vector<1x16xf32>
      tpu.vector_store %arg11[%swap3A_454, %swap3A_455], %swap3A_458 {strides = array<i32>} : memref<128x128xf32, #tpu.memory_space<vmem>>, vector<1x16xf32>,
      %mul3A_459 = arith.constant 2 : i32
      %mul3A_460 = arith.muli %mul3A_459, %scan3A_240 : i32
      %add3A_461 = arith.constant 1 : i32
      %add3A_462 = arith.addi %mul3A_460, %add3A_461 : i32
      %get3A_463 = arith.index_cast %add3A_462 : i32 to index
      %get3A_464 = arith.constant 48 : index
      %get3A_465 = tpu.vector_load %arg11[%get3A_463, %get3A_464] {strides = array<i32>} : memref<128x128xf32, #tpu.memory_space<vmem>>, vector<1x16xf32>,
      %get3A_466 = vector.shape_cast %get3A_465 : vector<1x16xf32> to vector<16xf32>
      %mul3A_467 = arith.constant 11.3137083 : f32
      %mul3A_468 = vector.broadcast %mul3A_467 : f32 to vector<16xf32>
      %mul3A_469 = arith.mulf %get3A_466, %mul3A_468 : vector<16xf32>
      %mul3A_470 = arith.constant 2 : i32
      %mul3A_471 = arith.muli %mul3A_470, %scan3A_240 : i32
      %add3A_472 = arith.constant 1 : i32
      %add3A_473 = arith.addi %mul3A_471, %add3A_472 : i32
      %swap3A_474 = arith.index_cast %add3A_473 : i32 to index
      %swap3A_475 = arith.constant 48 : index
      %swap3A_476 = tpu.vector_load %arg11[%swap3A_474, %swap3A_475] {strides = array<i32>} : memref<128x128xf32, #tpu.memory_space<vmem>>, vector<1x16xf32>,
      %swap3A_477 = vector.shape_cast %swap3A_476 : vector<1x16xf32> to vector<16xf32>
      %swap3A_478 = vector.shape_cast %mul3A_469 : vector<16xf32> to vector<1x16xf32>
      tpu.vector_store %arg11[%swap3A_474, %swap3A_475], %swap3A_478 {strides = array<i32>} : memref<128x128xf32, #tpu.memory_space<vmem>>, vector<1x16xf32>,
      %mul3A_479 = arith.constant 2 : i32
      %mul3A_480 = arith.muli %mul3A_479, %scan3A_240 : i32
      %add3A_481 = arith.constant 1 : i32
      %add3A_482 = arith.addi %mul3A_480, %add3A_481 : i32
      %get3A_483 = arith.index_cast %add3A_482 : i32 to index
      %get3A_484 = arith.constant 64 : index
      %get3A_485 = tpu.vector_load %arg11[%get3A_483, %get3A_484] {strides = array<i32>} : memref<128x128xf32, #tpu.memory_space<vmem>>, vector<1x16xf32>,
      %get3A_486 = vector.shape_cast %get3A_485 : vector<1x16xf32> to vector<16xf32>
      %mul3A_487 = arith.constant 11.3137083 : f32
      %mul3A_488 = vector.broadcast %mul3A_487 : f32 to vector<16xf32>
      %mul3A_489 = arith.mulf %get3A_486, %mul3A_488 : vector<16xf32>
      %mul3A_490 = arith.constant 2 : i32
      %mul3A_491 = arith.muli %mul3A_490, %scan3A_240 : i32
      %add3A_492 = arith.constant 1 : i32
      %add3A_493 = arith.addi %mul3A_491, %add3A_492 : i32
      %swap3A_494 = arith.index_cast %add3A_493 : i32 to index
      %swap3A_495 = arith.constant 64 : index
      %swap3A_496 = tpu.vector_load %arg11[%swap3A_494, %swap3A_495] {strides = array<i32>} : memref<128x128xf32, #tpu.memory_space<vmem>>, vector<1x16xf32>,
      %swap3A_497 = vector.shape_cast %swap3A_496 : vector<1x16xf32> to vector<16xf32>
      %swap3A_498 = vector.shape_cast %mul3A_489 : vector<16xf32> to vector<1x16xf32>
      tpu.vector_store %arg11[%swap3A_494, %swap3A_495], %swap3A_498 {strides = array<i32>} : memref<128x128xf32, #tpu.memory_space<vmem>>, vector<1x16xf32>,
      %mul3A_499 = arith.constant 2 : i32
      %mul3A_500 = arith.muli %mul3A_499, %scan3A_240 : i32
      %add3A_501 = arith.constant 1 : i32
      %add3A_502 = arith.addi %mul3A_500, %add3A_501 : i32
      %get3A_503 = arith.index_cast %add3A_502 : i32 to index
      %get3A_504 = arith.constant 80 : index
      %get3A_505 = tpu.vector_load %arg11[%get3A_503, %get3A_504] {strides = array<i32>} : memref<128x128xf32, #tpu.memory_space<vmem>>, vector<1x16xf32>,
      %get3A_506 = vector.shape_cast %get3A_505 : vector<1x16xf32> to vector<16xf32>
      %mul3A_507 = arith.constant 11.3137083 : f32
      %mul3A_508 = vector.broadcast %mul3A_507 : f32 to vector<16xf32>
      %mul3A_509 = arith.mulf %get3A_506, %mul3A_508 : vector<16xf32>
      %mul3A_510 = arith.constant 2 : i32
      %mul3A_511 = arith.muli %mul3A_510, %scan3A_240 : i32
      %add3A_512 = arith.constant 1 : i32
      %add3A_513 = arith.addi %mul3A_511, %add3A_512 : i32
      %swap3A_514 = arith.index_cast %add3A_513 : i32 to index
      %swap3A_515 = arith.constant 80 : index
      %swap3A_516 = tpu.vector_load %arg11[%swap3A_514, %swap3A_515] {strides = array<i32>} : memref<128x128xf32, #tpu.memory_space<vmem>>, vector<1x16xf32>,
      %swap3A_517 = vector.shape_cast %swap3A_516 : vector<1x16xf32> to vector<16xf32>
      %swap3A_518 = vector.shape_cast %mul3A_509 : vector<16xf32> to vector<1x16xf32>
      tpu.vector_store %arg11[%swap3A_514, %swap3A_515], %swap3A_518 {strides = array<i32>} : memref<128x128xf32, #tpu.memory_space<vmem>>, vector<1x16xf32>,
      %mul3A_519 = arith.constant 2 : i32
      %mul3A_520 = arith.muli %mul3A_519, %scan3A_240 : i32
      %add3A_521 = arith.constant 1 : i32
      %add3A_522 = arith.addi %mul3A_520, %add3A_521 : i32
      %get3A_523 = arith.index_cast %add3A_522 : i32 to index
      %get3A_524 = arith.constant 96 : index
      %get3A_525 = tpu.vector_load %arg11[%get3A_523, %get3A_524] {strides = array<i32>} : memref<128x128xf32, #tpu.memory_space<vmem>>, vector<1x16xf32>,
      %get3A_526 = vector.shape_cast %get3A_525 : vector<1x16xf32> to vector<16xf32>
      %mul3A_527 = arith.constant 11.3137083 : f32
      %mul3A_528 = vector.broadcast %mul3A_527 : f32 to vector<16xf32>
      %mul3A_529 = arith.mulf %get3A_526, %mul3A_528 : vector<16xf32>
      %mul3A_530 = arith.constant 2 : i32
      %mul3A_531 = arith.muli %mul3A_530, %scan3A_240 : i32
      %add3A_532 = arith.constant 1 : i32
      %add3A_533 = arith.addi %mul3A_531, %add3A_532 : i32
      %swap3A_534 = arith.index_cast %add3A_533 : i32 to index
      %swap3A_535 = arith.constant 96 : index
      %swap3A_536 = tpu.vector_load %arg11[%swap3A_534, %swap3A_535] {strides = array<i32>} : memref<128x128xf32, #tpu.memory_space<vmem>>, vector<1x16xf32>,
      %swap3A_537 = vector.shape_cast %swap3A_536 : vector<1x16xf32> to vector<16xf32>
      %swap3A_538 = vector.shape_cast %mul3A_529 : vector<16xf32> to vector<1x16xf32>
      tpu.vector_store %arg11[%swap3A_534, %swap3A_535], %swap3A_538 {strides = array<i32>} : memref<128x128xf32, #tpu.memory_space<vmem>>, vector<1x16xf32>,
      %mul3A_539 = arith.constant 2 : i32
      %mul3A_540 = arith.muli %mul3A_539, %scan3A_240 : i32
      %add3A_541 = arith.constant 1 : i32
      %add3A_542 = arith.addi %mul3A_540, %add3A_541 : i32
      %get3A_543 = arith.index_cast %add3A_542 : i32 to index
      %get3A_544 = arith.constant 112 : index
      %get3A_545 = tpu.vector_load %arg11[%get3A_543, %get3A_544] {strides = array<i32>} : memref<128x128xf32, #tpu.memory_space<vmem>>, vector<1x16xf32>,
      %get3A_546 = vector.shape_cast %get3A_545 : vector<1x16xf32> to vector<16xf32>
      %mul3A_547 = arith.constant 11.3137083 : f32
      %mul3A_548 = vector.broadcast %mul3A_547 : f32 to vector<16xf32>
      %mul3A_549 = arith.mulf %get3A_546, %mul3A_548 : vector<16xf32>
      %mul3A_550 = arith.constant 2 : i32
      %mul3A_551 = arith.muli %mul3A_550, %scan3A_240 : i32
      %add3A_552 = arith.constant 1 : i32
      %add3A_553 = arith.addi %mul3A_551, %add3A_552 : i32
      %swap3A_554 = arith.index_cast %add3A_553 : i32 to index
      %swap3A_555 = arith.constant 112 : index
      %swap3A_556 = tpu.vector_load %arg11[%swap3A_554, %swap3A_555] {strides = array<i32>} : memref<128x128xf32, #tpu.memory_space<vmem>>, vector<1x16xf32>,
      %swap3A_557 = vector.shape_cast %swap3A_556 : vector<1x16xf32> to vector<16xf32>
      %swap3A_558 = vector.shape_cast %mul3A_549 : vector<16xf32> to vector<1x16xf32>
      tpu.vector_store %arg11[%swap3A_554, %swap3A_555], %swap3A_558 {strides = array<i32>} : memref<128x128xf32, #tpu.memory_space<vmem>>, vector<1x16xf32>,
    }
    %scan3A_171 = arith.constant 64 : i32
    %add3A_172 = arith.constant 640 : i32
    %add3A_173 = arith.addi %mul3A_2, %add3A_172 : i32
    %dma_start3A_174 = arith.constant 0 : i32
    %dma_start3A_175 = tpu.memref_slice %arg4[%add3A_173, %dma_start3A_174] : memref<32768x128xf32, #tpu.memory_space<hbm>> -> memref<128x128xf32, #tpu.memory_space<hbm>>
    %dma_start3A_176 = arith.constant 0 : i32
    %dma_start3A_177 = tpu.memref_slice %arg4[%add3A_173, %dma_start3A_176] : memref<32768x128xf32, #tpu.memory_space<hbm>> -> memref<128x128xf32, #tpu.memory_space<hbm>>
    tpu.enqueue_dma source(%arg11 : memref<128x128xf32, #tpu.memory_space<vmem>>) target(%dma_start3A_177 : memref<128x128xf32, #tpu.memory_space<hbm>>) target_semaphore(%arg25 : memref<!tpu.dma_semaphore, #tpu.memory_space<semaphore_mem>>)
    %dma_wait3A_178 = arith.constant 768 : i32
    %dma_wait3A_179 = tpu.memref_slice %arg5[%dma_wait3A_178] : memref<1024xi32, #tpu.memory_space<vmem>> -> memref<128xi32, #tpu.memory_space<vmem>>
    %dma_wait3A_180 = arith.constant 0 : i32
    %dma_wait3A_181 = arith.constant 0 : i32
    %dma_wait3A_182 = tpu.memref_slice %arg3[%dma_wait3A_180, %dma_wait3A_181] : memref<1000000x128xf32, #tpu.memory_space<hbm>> -> memref<1000000x128xf32, #tpu.memory_space<hbm>>
    tpu.wait_indirect_dma semaphore(%arg19 : memref<!tpu.dma_semaphore, #tpu.memory_space<semaphore_mem>>) src(%dma_wait3A_182 : memref<1000000x128xf32, #tpu.memory_space<hbm>>) dst(%arg12 : memref<128x128xf32, #tpu.memory_space<vmem>>)
    %scan3A_183 = arith.constant 0 : i32
    %scan3A_184 = arith.constant 0 : i32
    %scan3A_185 = arith.constant 64 : i32
    %scan3A_186 = arith.addi %scan3A_184, %scan3A_185 : i32
    %scan3A_187 = arith.constant 1 : i32
    scf.for %scan3A_240 = %scan3A_184 to %scan3A_186 step %scan3A_187  : i32 {
      %mul3A_241 = arith.constant 2 : i32
      %mul3A_242 = arith.muli %mul3A_241, %scan3A_240 : i32
      %add3A_243 = arith.constant 0 : i32
      %add3A_244 = arith.addi %mul3A_242, %add3A_243 : i32
      %get3A = arith.index_cast %add3A_244 : i32 to index
      %get3A_245 = arith.constant 0 : index
      %get3A_246 = tpu.vector_load %arg12[%get3A, %get3A_245] {strides = array<i32>} : memref<128x128xf32, #tpu.memory_space<vmem>>, vector<1x16xf32>,
      %get3A_247 = vector.shape_cast %get3A_246 : vector<1x16xf32> to vector<16xf32>
      %mul3A_248 = arith.constant 11.3137083 : f32
      %mul3A_249 = vector.broadcast %mul3A_248 : f32 to vector<16xf32>
      %mul3A_250 = arith.mulf %get3A_247, %mul3A_249 : vector<16xf32>
      %mul3A_251 = arith.constant 2 : i32
      %mul3A_252 = arith.muli %mul3A_251, %scan3A_240 : i32
      %add3A_253 = arith.constant 0 : i32
      %add3A_254 = arith.addi %mul3A_252, %add3A_253 : i32
      %swap3A = arith.index_cast %add3A_254 : i32 to index
      %swap3A_255 = arith.constant 0 : index
      %swap3A_256 = tpu.vector_load %arg12[%swap3A, %swap3A_255] {strides = array<i32>} : memref<128x128xf32, #tpu.memory_space<vmem>>, vector<1x16xf32>,
      %swap3A_257 = vector.shape_cast %swap3A_256 : vector<1x16xf32> to vector<16xf32>
      %swap3A_258 = vector.shape_cast %mul3A_250 : vector<16xf32> to vector<1x16xf32>
      tpu.vector_store %arg12[%swap3A, %swap3A_255], %swap3A_258 {strides = array<i32>} : memref<128x128xf32, #tpu.memory_space<vmem>>, vector<1x16xf32>,
      %mul3A_259 = arith.constant 2 : i32
      %mul3A_260 = arith.muli %mul3A_259, %scan3A_240 : i32
      %add3A_261 = arith.constant 0 : i32
      %add3A_262 = arith.addi %mul3A_260, %add3A_261 : i32
      %get3A_263 = arith.index_cast %add3A_262 : i32 to index
      %get3A_264 = arith.constant 16 : index
      %get3A_265 = tpu.vector_load %arg12[%get3A_263, %get3A_264] {strides = array<i32>} : memref<128x128xf32, #tpu.memory_space<vmem>>, vector<1x16xf32>,
      %get3A_266 = vector.shape_cast %get3A_265 : vector<1x16xf32> to vector<16xf32>
      %mul3A_267 = arith.constant 11.3137083 : f32
      %mul3A_268 = vector.broadcast %mul3A_267 : f32 to vector<16xf32>
      %mul3A_269 = arith.mulf %get3A_266, %mul3A_268 : vector<16xf32>
      %mul3A_270 = arith.constant 2 : i32
      %mul3A_271 = arith.muli %mul3A_270, %scan3A_240 : i32
      %add3A_272 = arith.constant 0 : i32
      %add3A_273 = arith.addi %mul3A_271, %add3A_272 : i32
      %swap3A_274 = arith.index_cast %add3A_273 : i32 to index
      %swap3A_275 = arith.constant 16 : index
      %swap3A_276 = tpu.vector_load %arg12[%swap3A_274, %swap3A_275] {strides = array<i32>} : memref<128x128xf32, #tpu.memory_space<vmem>>, vector<1x16xf32>,
      %swap3A_277 = vector.shape_cast %swap3A_276 : vector<1x16xf32> to vector<16xf32>
      %swap3A_278 = vector.shape_cast %mul3A_269 : vector<16xf32> to vector<1x16xf32>
      tpu.vector_store %arg12[%swap3A_274, %swap3A_275], %swap3A_278 {strides = array<i32>} : memref<128x128xf32, #tpu.memory_space<vmem>>, vector<1x16xf32>,
      %mul3A_279 = arith.constant 2 : i32
      %mul3A_280 = arith.muli %mul3A_279, %scan3A_240 : i32
      %add3A_281 = arith.constant 0 : i32
      %add3A_282 = arith.addi %mul3A_280, %add3A_281 : i32
      %get3A_283 = arith.index_cast %add3A_282 : i32 to index
      %get3A_284 = arith.constant 32 : index
      %get3A_285 = tpu.vector_load %arg12[%get3A_283, %get3A_284] {strides = array<i32>} : memref<128x128xf32, #tpu.memory_space<vmem>>, vector<1x16xf32>,
      %get3A_286 = vector.shape_cast %get3A_285 : vector<1x16xf32> to vector<16xf32>
      %mul3A_287 = arith.constant 11.3137083 : f32
      %mul3A_288 = vector.broadcast %mul3A_287 : f32 to vector<16xf32>
      %mul3A_289 = arith.mulf %get3A_286, %mul3A_288 : vector<16xf32>
      %mul3A_290 = arith.constant 2 : i32
      %mul3A_291 = arith.muli %mul3A_290, %scan3A_240 : i32
      %add3A_292 = arith.constant 0 : i32
      %add3A_293 = arith.addi %mul3A_291, %add3A_292 : i32
      %swap3A_294 = arith.index_cast %add3A_293 : i32 to index
      %swap3A_295 = arith.constant 32 : index
      %swap3A_296 = tpu.vector_load %arg12[%swap3A_294, %swap3A_295] {strides = array<i32>} : memref<128x128xf32, #tpu.memory_space<vmem>>, vector<1x16xf32>,
      %swap3A_297 = vector.shape_cast %swap3A_296 : vector<1x16xf32> to vector<16xf32>
      %swap3A_298 = vector.shape_cast %mul3A_289 : vector<16xf32> to vector<1x16xf32>
      tpu.vector_store %arg12[%swap3A_294, %swap3A_295], %swap3A_298 {strides = array<i32>} : memref<128x128xf32, #tpu.memory_space<vmem>>, vector<1x16xf32>,
      %mul3A_299 = arith.constant 2 : i32
      %mul3A_300 = arith.muli %mul3A_299, %scan3A_240 : i32
      %add3A_301 = arith.constant 0 : i32
      %add3A_302 = arith.addi %mul3A_300, %add3A_301 : i32
      %get3A_303 = arith.index_cast %add3A_302 : i32 to index
      %get3A_304 = arith.constant 48 : index
      %get3A_305 = tpu.vector_load %arg12[%get3A_303, %get3A_304] {strides = array<i32>} : memref<128x128xf32, #tpu.memory_space<vmem>>, vector<1x16xf32>,
      %get3A_306 = vector.shape_cast %get3A_305 : vector<1x16xf32> to vector<16xf32>
      %mul3A_307 = arith.constant 11.3137083 : f32
      %mul3A_308 = vector.broadcast %mul3A_307 : f32 to vector<16xf32>
      %mul3A_309 = arith.mulf %get3A_306, %mul3A_308 : vector<16xf32>
      %mul3A_310 = arith.constant 2 : i32
      %mul3A_311 = arith.muli %mul3A_310, %scan3A_240 : i32
      %add3A_312 = arith.constant 0 : i32
      %add3A_313 = arith.addi %mul3A_311, %add3A_312 : i32
      %swap3A_314 = arith.index_cast %add3A_313 : i32 to index
      %swap3A_315 = arith.constant 48 : index
      %swap3A_316 = tpu.vector_load %arg12[%swap3A_314, %swap3A_315] {strides = array<i32>} : memref<128x128xf32, #tpu.memory_space<vmem>>, vector<1x16xf32>,
      %swap3A_317 = vector.shape_cast %swap3A_316 : vector<1x16xf32> to vector<16xf32>
      %swap3A_318 = vector.shape_cast %mul3A_309 : vector<16xf32> to vector<1x16xf32>
      tpu.vector_store %arg12[%swap3A_314, %swap3A_315], %swap3A_318 {strides = array<i32>} : memref<128x128xf32, #tpu.memory_space<vmem>>, vector<1x16xf32>,
      %mul3A_319 = arith.constant 2 : i32
      %mul3A_320 = arith.muli %mul3A_319, %scan3A_240 : i32
      %add3A_321 = arith.constant 0 : i32
      %add3A_322 = arith.addi %mul3A_320, %add3A_321 : i32
      %get3A_323 = arith.index_cast %add3A_322 : i32 to index
      %get3A_324 = arith.constant 64 : index
      %get3A_325 = tpu.vector_load %arg12[%get3A_323, %get3A_324] {strides = array<i32>} : memref<128x128xf32, #tpu.memory_space<vmem>>, vector<1x16xf32>,
      %get3A_326 = vector.shape_cast %get3A_325 : vector<1x16xf32> to vector<16xf32>
      %mul3A_327 = arith.constant 11.3137083 : f32
      %mul3A_328 = vector.broadcast %mul3A_327 : f32 to vector<16xf32>
      %mul3A_329 = arith.mulf %get3A_326, %mul3A_328 : vector<16xf32>
      %mul3A_330 = arith.constant 2 : i32
      %mul3A_331 = arith.muli %mul3A_330, %scan3A_240 : i32
      %add3A_332 = arith.constant 0 : i32
      %add3A_333 = arith.addi %mul3A_331, %add3A_332 : i32
      %swap3A_334 = arith.index_cast %add3A_333 : i32 to index
      %swap3A_335 = arith.constant 64 : index
      %swap3A_336 = tpu.vector_load %arg12[%swap3A_334, %swap3A_335] {strides = array<i32>} : memref<128x128xf32, #tpu.memory_space<vmem>>, vector<1x16xf32>,
      %swap3A_337 = vector.shape_cast %swap3A_336 : vector<1x16xf32> to vector<16xf32>
      %swap3A_338 = vector.shape_cast %mul3A_329 : vector<16xf32> to vector<1x16xf32>
      tpu.vector_store %arg12[%swap3A_334, %swap3A_335], %swap3A_338 {strides = array<i32>} : memref<128x128xf32, #tpu.memory_space<vmem>>, vector<1x16xf32>,
      %mul3A_339 = arith.constant 2 : i32
      %mul3A_340 = arith.muli %mul3A_339, %scan3A_240 : i32
      %add3A_341 = arith.constant 0 : i32
      %add3A_342 = arith.addi %mul3A_340, %add3A_341 : i32
      %get3A_343 = arith.index_cast %add3A_342 : i32 to index
      %get3A_344 = arith.constant 80 : index
      %get3A_345 = tpu.vector_load %arg12[%get3A_343, %get3A_344] {strides = array<i32>} : memref<128x128xf32, #tpu.memory_space<vmem>>, vector<1x16xf32>,
      %get3A_346 = vector.shape_cast %get3A_345 : vector<1x16xf32> to vector<16xf32>
      %mul3A_347 = arith.constant 11.3137083 : f32
      %mul3A_348 = vector.broadcast %mul3A_347 : f32 to vector<16xf32>
      %mul3A_349 = arith.mulf %get3A_346, %mul3A_348 : vector<16xf32>
      %mul3A_350 = arith.constant 2 : i32
      %mul3A_351 = arith.muli %mul3A_350, %scan3A_240 : i32
      %add3A_352 = arith.constant 0 : i32
      %add3A_353 = arith.addi %mul3A_351, %add3A_352 : i32
      %swap3A_354 = arith.index_cast %add3A_353 : i32 to index
      %swap3A_355 = arith.constant 80 : index
      %swap3A_356 = tpu.vector_load %arg12[%swap3A_354, %swap3A_355] {strides = array<i32>} : memref<128x128xf32, #tpu.memory_space<vmem>>, vector<1x16xf32>,
      %swap3A_357 = vector.shape_cast %swap3A_356 : vector<1x16xf32> to vector<16xf32>
      %swap3A_358 = vector.shape_cast %mul3A_349 : vector<16xf32> to vector<1x16xf32>
      tpu.vector_store %arg12[%swap3A_354, %swap3A_355], %swap3A_358 {strides = array<i32>} : memref<128x128xf32, #tpu.memory_space<vmem>>, vector<1x16xf32>,
      %mul3A_359 = arith.constant 2 : i32
      %mul3A_360 = arith.muli %mul3A_359, %scan3A_240 : i32
      %add3A_361 = arith.constant 0 : i32
      %add3A_362 = arith.addi %mul3A_360, %add3A_361 : i32
      %get3A_363 = arith.index_cast %add3A_362 : i32 to index
      %get3A_364 = arith.constant 96 : index
      %get3A_365 = tpu.vector_load %arg12[%get3A_363, %get3A_364] {strides = array<i32>} : memref<128x128xf32, #tpu.memory_space<vmem>>, vector<1x16xf32>,
      %get3A_366 = vector.shape_cast %get3A_365 : vector<1x16xf32> to vector<16xf32>
      %mul3A_367 = arith.constant 11.3137083 : f32
      %mul3A_368 = vector.broadcast %mul3A_367 : f32 to vector<16xf32>
      %mul3A_369 = arith.mulf %get3A_366, %mul3A_368 : vector<16xf32>
      %mul3A_370 = arith.constant 2 : i32
      %mul3A_371 = arith.muli %mul3A_370, %scan3A_240 : i32
      %add3A_372 = arith.constant 0 : i32
      %add3A_373 = arith.addi %mul3A_371, %add3A_372 : i32
      %swap3A_374 = arith.index_cast %add3A_373 : i32 to index
      %swap3A_375 = arith.constant 96 : index
      %swap3A_376 = tpu.vector_load %arg12[%swap3A_374, %swap3A_375] {strides = array<i32>} : memref<128x128xf32, #tpu.memory_space<vmem>>, vector<1x16xf32>,
      %swap3A_377 = vector.shape_cast %swap3A_376 : vector<1x16xf32> to vector<16xf32>
      %swap3A_378 = vector.shape_cast %mul3A_369 : vector<16xf32> to vector<1x16xf32>
      tpu.vector_store %arg12[%swap3A_374, %swap3A_375], %swap3A_378 {strides = array<i32>} : memref<128x128xf32, #tpu.memory_space<vmem>>, vector<1x16xf32>,
      %mul3A_379 = arith.constant 2 : i32
      %mul3A_380 = arith.muli %mul3A_379, %scan3A_240 : i32
      %add3A_381 = arith.constant 0 : i32
      %add3A_382 = arith.addi %mul3A_380, %add3A_381 : i32
      %get3A_383 = arith.index_cast %add3A_382 : i32 to index
      %get3A_384 = arith.constant 112 : index
      %get3A_385 = tpu.vector_load %arg12[%get3A_383, %get3A_384] {strides = array<i32>} : memref<128x128xf32, #tpu.memory_space<vmem>>, vector<1x16xf32>,
      %get3A_386 = vector.shape_cast %get3A_385 : vector<1x16xf32> to vector<16xf32>
      %mul3A_387 = arith.constant 11.3137083 : f32
      %mul3A_388 = vector.broadcast %mul3A_387 : f32 to vector<16xf32>
      %mul3A_389 = arith.mulf %get3A_386, %mul3A_388 : vector<16xf32>
      %mul3A_390 = arith.constant 2 : i32
      %mul3A_391 = arith.muli %mul3A_390, %scan3A_240 : i32
      %add3A_392 = arith.constant 0 : i32
      %add3A_393 = arith.addi %mul3A_391, %add3A_392 : i32
      %swap3A_394 = arith.index_cast %add3A_393 : i32 to index
      %swap3A_395 = arith.constant 112 : index
      %swap3A_396 = tpu.vector_load %arg12[%swap3A_394, %swap3A_395] {strides = array<i32>} : memref<128x128xf32, #tpu.memory_space<vmem>>, vector<1x16xf32>,
      %swap3A_397 = vector.shape_cast %swap3A_396 : vector<1x16xf32> to vector<16xf32>
      %swap3A_398 = vector.shape_cast %mul3A_389 : vector<16xf32> to vector<1x16xf32>
      tpu.vector_store %arg12[%swap3A_394, %swap3A_395], %swap3A_398 {strides = array<i32>} : memref<128x128xf32, #tpu.memory_space<vmem>>, vector<1x16xf32>,
      %mul3A_399 = arith.constant 2 : i32
      %mul3A_400 = arith.muli %mul3A_399, %scan3A_240 : i32
      %add3A_401 = arith.constant 1 : i32
      %add3A_402 = arith.addi %mul3A_400, %add3A_401 : i32
      %get3A_403 = arith.index_cast %add3A_402 : i32 to index
      %get3A_404 = arith.constant 0 : index
      %get3A_405 = tpu.vector_load %arg12[%get3A_403, %get3A_404] {strides = array<i32>} : memref<128x128xf32, #tpu.memory_space<vmem>>, vector<1x16xf32>,
      %get3A_406 = vector.shape_cast %get3A_405 : vector<1x16xf32> to vector<16xf32>
      %mul3A_407 = arith.constant 11.3137083 : f32
      %mul3A_408 = vector.broadcast %mul3A_407 : f32 to vector<16xf32>
      %mul3A_409 = arith.mulf %get3A_406, %mul3A_408 : vector<16xf32>
      %mul3A_410 = arith.constant 2 : i32
      %mul3A_411 = arith.muli %mul3A_410, %scan3A_240 : i32
      %add3A_412 = arith.constant 1 : i32
      %add3A_413 = arith.addi %mul3A_411, %add3A_412 : i32
      %swap3A_414 = arith.index_cast %add3A_413 : i32 to index
      %swap3A_415 = arith.constant 0 : index
      %swap3A_416 = tpu.vector_load %arg12[%swap3A_414, %swap3A_415] {strides = array<i32>} : memref<128x128xf32, #tpu.memory_space<vmem>>, vector<1x16xf32>,
      %swap3A_417 = vector.shape_cast %swap3A_416 : vector<1x16xf32> to vector<16xf32>
      %swap3A_418 = vector.shape_cast %mul3A_409 : vector<16xf32> to vector<1x16xf32>
      tpu.vector_store %arg12[%swap3A_414, %swap3A_415], %swap3A_418 {strides = array<i32>} : memref<128x128xf32, #tpu.memory_space<vmem>>, vector<1x16xf32>,
      %mul3A_419 = arith.constant 2 : i32
      %mul3A_420 = arith.muli %mul3A_419, %scan3A_240 : i32
      %add3A_421 = arith.constant 1 : i32
      %add3A_422 = arith.addi %mul3A_420, %add3A_421 : i32
      %get3A_423 = arith.index_cast %add3A_422 : i32 to index
      %get3A_424 = arith.constant 16 : index
      %get3A_425 = tpu.vector_load %arg12[%get3A_423, %get3A_424] {strides = array<i32>} : memref<128x128xf32, #tpu.memory_space<vmem>>, vector<1x16xf32>,
      %get3A_426 = vector.shape_cast %get3A_425 : vector<1x16xf32> to vector<16xf32>
      %mul3A_427 = arith.constant 11.3137083 : f32
      %mul3A_428 = vector.broadcast %mul3A_427 : f32 to vector<16xf32>
      %mul3A_429 = arith.mulf %get3A_426, %mul3A_428 : vector<16xf32>
      %mul3A_430 = arith.constant 2 : i32
      %mul3A_431 = arith.muli %mul3A_430, %scan3A_240 : i32
      %add3A_432 = arith.constant 1 : i32
      %add3A_433 = arith.addi %mul3A_431, %add3A_432 : i32
      %swap3A_434 = arith.index_cast %add3A_433 : i32 to index
      %swap3A_435 = arith.constant 16 : index
      %swap3A_436 = tpu.vector_load %arg12[%swap3A_434, %swap3A_435] {strides = array<i32>} : memref<128x128xf32, #tpu.memory_space<vmem>>, vector<1x16xf32>,
      %swap3A_437 = vector.shape_cast %swap3A_436 : vector<1x16xf32> to vector<16xf32>
      %swap3A_438 = vector.shape_cast %mul3A_429 : vector<16xf32> to vector<1x16xf32>
      tpu.vector_store %arg12[%swap3A_434, %swap3A_435], %swap3A_438 {strides = array<i32>} : memref<128x128xf32, #tpu.memory_space<vmem>>, vector<1x16xf32>,
      %mul3A_439 = arith.constant 2 : i32
      %mul3A_440 = arith.muli %mul3A_439, %scan3A_240 : i32
      %add3A_441 = arith.constant 1 : i32
      %add3A_442 = arith.addi %mul3A_440, %add3A_441 : i32
      %get3A_443 = arith.index_cast %add3A_442 : i32 to index
      %get3A_444 = arith.constant 32 : index
      %get3A_445 = tpu.vector_load %arg12[%get3A_443, %get3A_444] {strides = array<i32>} : memref<128x128xf32, #tpu.memory_space<vmem>>, vector<1x16xf32>,
      %get3A_446 = vector.shape_cast %get3A_445 : vector<1x16xf32> to vector<16xf32>
      %mul3A_447 = arith.constant 11.3137083 : f32
      %mul3A_448 = vector.broadcast %mul3A_447 : f32 to vector<16xf32>
      %mul3A_449 = arith.mulf %get3A_446, %mul3A_448 : vector<16xf32>
      %mul3A_450 = arith.constant 2 : i32
      %mul3A_451 = arith.muli %mul3A_450, %scan3A_240 : i32
      %add3A_452 = arith.constant 1 : i32
      %add3A_453 = arith.addi %mul3A_451, %add3A_452 : i32
      %swap3A_454 = arith.index_cast %add3A_453 : i32 to index
      %swap3A_455 = arith.constant 32 : index
      %swap3A_456 = tpu.vector_load %arg12[%swap3A_454, %swap3A_455] {strides = array<i32>} : memref<128x128xf32, #tpu.memory_space<vmem>>, vector<1x16xf32>,
      %swap3A_457 = vector.shape_cast %swap3A_456 : vector<1x16xf32> to vector<16xf32>
      %swap3A_458 = vector.shape_cast %mul3A_449 : vector<16xf32> to vector<1x16xf32>
      tpu.vector_store %arg12[%swap3A_454, %swap3A_455], %swap3A_458 {strides = array<i32>} : memref<128x128xf32, #tpu.memory_space<vmem>>, vector<1x16xf32>,
      %mul3A_459 = arith.constant 2 : i32
      %mul3A_460 = arith.muli %mul3A_459, %scan3A_240 : i32
      %add3A_461 = arith.constant 1 : i32
      %add3A_462 = arith.addi %mul3A_460, %add3A_461 : i32
      %get3A_463 = arith.index_cast %add3A_462 : i32 to index
      %get3A_464 = arith.constant 48 : index
      %get3A_465 = tpu.vector_load %arg12[%get3A_463, %get3A_464] {strides = array<i32>} : memref<128x128xf32, #tpu.memory_space<vmem>>, vector<1x16xf32>,
      %get3A_466 = vector.shape_cast %get3A_465 : vector<1x16xf32> to vector<16xf32>
      %mul3A_467 = arith.constant 11.3137083 : f32
      %mul3A_468 = vector.broadcast %mul3A_467 : f32 to vector<16xf32>
      %mul3A_469 = arith.mulf %get3A_466, %mul3A_468 : vector<16xf32>
      %mul3A_470 = arith.constant 2 : i32
      %mul3A_471 = arith.muli %mul3A_470, %scan3A_240 : i32
      %add3A_472 = arith.constant 1 : i32
      %add3A_473 = arith.addi %mul3A_471, %add3A_472 : i32
      %swap3A_474 = arith.index_cast %add3A_473 : i32 to index
      %swap3A_475 = arith.constant 48 : index
      %swap3A_476 = tpu.vector_load %arg12[%swap3A_474, %swap3A_475] {strides = array<i32>} : memref<128x128xf32, #tpu.memory_space<vmem>>, vector<1x16xf32>,
      %swap3A_477 = vector.shape_cast %swap3A_476 : vector<1x16xf32> to vector<16xf32>
      %swap3A_478 = vector.shape_cast %mul3A_469 : vector<16xf32> to vector<1x16xf32>
      tpu.vector_store %arg12[%swap3A_474, %swap3A_475], %swap3A_478 {strides = array<i32>} : memref<128x128xf32, #tpu.memory_space<vmem>>, vector<1x16xf32>,
      %mul3A_479 = arith.constant 2 : i32
      %mul3A_480 = arith.muli %mul3A_479, %scan3A_240 : i32
      %add3A_481 = arith.constant 1 : i32
      %add3A_482 = arith.addi %mul3A_480, %add3A_481 : i32
      %get3A_483 = arith.index_cast %add3A_482 : i32 to index
      %get3A_484 = arith.constant 64 : index
      %get3A_485 = tpu.vector_load %arg12[%get3A_483, %get3A_484] {strides = array<i32>} : memref<128x128xf32, #tpu.memory_space<vmem>>, vector<1x16xf32>,
      %get3A_486 = vector.shape_cast %get3A_485 : vector<1x16xf32> to vector<16xf32>
      %mul3A_487 = arith.constant 11.3137083 : f32
      %mul3A_488 = vector.broadcast %mul3A_487 : f32 to vector<16xf32>
      %mul3A_489 = arith.mulf %get3A_486, %mul3A_488 : vector<16xf32>
      %mul3A_490 = arith.constant 2 : i32
      %mul3A_491 = arith.muli %mul3A_490, %scan3A_240 : i32
      %add3A_492 = arith.constant 1 : i32
      %add3A_493 = arith.addi %mul3A_491, %add3A_492 : i32
      %swap3A_494 = arith.index_cast %add3A_493 : i32 to index
      %swap3A_495 = arith.constant 64 : index
      %swap3A_496 = tpu.vector_load %arg12[%swap3A_494, %swap3A_495] {strides = array<i32>} : memref<128x128xf32, #tpu.memory_space<vmem>>, vector<1x16xf32>,
      %swap3A_497 = vector.shape_cast %swap3A_496 : vector<1x16xf32> to vector<16xf32>
      %swap3A_498 = vector.shape_cast %mul3A_489 : vector<16xf32> to vector<1x16xf32>
      tpu.vector_store %arg12[%swap3A_494, %swap3A_495], %swap3A_498 {strides = array<i32>} : memref<128x128xf32, #tpu.memory_space<vmem>>, vector<1x16xf32>,
      %mul3A_499 = arith.constant 2 : i32
      %mul3A_500 = arith.muli %mul3A_499, %scan3A_240 : i32
      %add3A_501 = arith.constant 1 : i32
      %add3A_502 = arith.addi %mul3A_500, %add3A_501 : i32
      %get3A_503 = arith.index_cast %add3A_502 : i32 to index
      %get3A_504 = arith.constant 80 : index
      %get3A_505 = tpu.vector_load %arg12[%get3A_503, %get3A_504] {strides = array<i32>} : memref<128x128xf32, #tpu.memory_space<vmem>>, vector<1x16xf32>,
      %get3A_506 = vector.shape_cast %get3A_505 : vector<1x16xf32> to vector<16xf32>
      %mul3A_507 = arith.constant 11.3137083 : f32
      %mul3A_508 = vector.broadcast %mul3A_507 : f32 to vector<16xf32>
      %mul3A_509 = arith.mulf %get3A_506, %mul3A_508 : vector<16xf32>
      %mul3A_510 = arith.constant 2 : i32
      %mul3A_511 = arith.muli %mul3A_510, %scan3A_240 : i32
      %add3A_512 = arith.constant 1 : i32
      %add3A_513 = arith.addi %mul3A_511, %add3A_512 : i32
      %swap3A_514 = arith.index_cast %add3A_513 : i32 to index
      %swap3A_515 = arith.constant 80 : index
      %swap3A_516 = tpu.vector_load %arg12[%swap3A_514, %swap3A_515] {strides = array<i32>} : memref<128x128xf32, #tpu.memory_space<vmem>>, vector<1x16xf32>,
      %swap3A_517 = vector.shape_cast %swap3A_516 : vector<1x16xf32> to vector<16xf32>
      %swap3A_518 = vector.shape_cast %mul3A_509 : vector<16xf32> to vector<1x16xf32>
      tpu.vector_store %arg12[%swap3A_514, %swap3A_515], %swap3A_518 {strides = array<i32>} : memref<128x128xf32, #tpu.memory_space<vmem>>, vector<1x16xf32>,
      %mul3A_519 = arith.constant 2 : i32
      %mul3A_520 = arith.muli %mul3A_519, %scan3A_240 : i32
      %add3A_521 = arith.constant 1 : i32
      %add3A_522 = arith.addi %mul3A_520, %add3A_521 : i32
      %get3A_523 = arith.index_cast %add3A_522 : i32 to index
      %get3A_524 = arith.constant 96 : index
      %get3A_525 = tpu.vector_load %arg12[%get3A_523, %get3A_524] {strides = array<i32>} : memref<128x128xf32, #tpu.memory_space<vmem>>, vector<1x16xf32>,
      %get3A_526 = vector.shape_cast %get3A_525 : vector<1x16xf32> to vector<16xf32>
      %mul3A_527 = arith.constant 11.3137083 : f32
      %mul3A_528 = vector.broadcast %mul3A_527 : f32 to vector<16xf32>
      %mul3A_529 = arith.mulf %get3A_526, %mul3A_528 : vector<16xf32>
      %mul3A_530 = arith.constant 2 : i32
      %mul3A_531 = arith.muli %mul3A_530, %scan3A_240 : i32
      %add3A_532 = arith.constant 1 : i32
      %add3A_533 = arith.addi %mul3A_531, %add3A_532 : i32
      %swap3A_534 = arith.index_cast %add3A_533 : i32 to index
      %swap3A_535 = arith.constant 96 : index
      %swap3A_536 = tpu.vector_load %arg12[%swap3A_534, %swap3A_535] {strides = array<i32>} : memref<128x128xf32, #tpu.memory_space<vmem>>, vector<1x16xf32>,
      %swap3A_537 = vector.shape_cast %swap3A_536 : vector<1x16xf32> to vector<16xf32>
      %swap3A_538 = vector.shape_cast %mul3A_529 : vector<16xf32> to vector<1x16xf32>
      tpu.vector_store %arg12[%swap3A_534, %swap3A_535], %swap3A_538 {strides = array<i32>} : memref<128x128xf32, #tpu.memory_space<vmem>>, vector<1x16xf32>,
      %mul3A_539 = arith.constant 2 : i32
      %mul3A_540 = arith.muli %mul3A_539, %scan3A_240 : i32
      %add3A_541 = arith.constant 1 : i32
      %add3A_542 = arith.addi %mul3A_540, %add3A_541 : i32
      %get3A_543 = arith.index_cast %add3A_542 : i32 to index
      %get3A_544 = arith.constant 112 : index
      %get3A_545 = tpu.vector_load %arg12[%get3A_543, %get3A_544] {strides = array<i32>} : memref<128x128xf32, #tpu.memory_space<vmem>>, vector<1x16xf32>,
      %get3A_546 = vector.shape_cast %get3A_545 : vector<1x16xf32> to vector<16xf32>
      %mul3A_547 = arith.constant 11.3137083 : f32
      %mul3A_548 = vector.broadcast %mul3A_547 : f32 to vector<16xf32>
      %mul3A_549 = arith.mulf %get3A_546, %mul3A_548 : vector<16xf32>
      %mul3A_550 = arith.constant 2 : i32
      %mul3A_551 = arith.muli %mul3A_550, %scan3A_240 : i32
      %add3A_552 = arith.constant 1 : i32
      %add3A_553 = arith.addi %mul3A_551, %add3A_552 : i32
      %swap3A_554 = arith.index_cast %add3A_553 : i32 to index
      %swap3A_555 = arith.constant 112 : index
      %swap3A_556 = tpu.vector_load %arg12[%swap3A_554, %swap3A_555] {strides = array<i32>} : memref<128x128xf32, #tpu.memory_space<vmem>>, vector<1x16xf32>,
      %swap3A_557 = vector.shape_cast %swap3A_556 : vector<1x16xf32> to vector<16xf32>
      %swap3A_558 = vector.shape_cast %mul3A_549 : vector<16xf32> to vector<1x16xf32>
      tpu.vector_store %arg12[%swap3A_554, %swap3A_555], %swap3A_558 {strides = array<i32>} : memref<128x128xf32, #tpu.memory_space<vmem>>, vector<1x16xf32>,
    }
    %scan3A_188 = arith.constant 64 : i32
    %add3A_189 = arith.constant 768 : i32
    %add3A_190 = arith.addi %mul3A_2, %add3A_189 : i32
    %dma_start3A_191 = arith.constant 0 : i32
    %dma_start3A_192 = tpu.memref_slice %arg4[%add3A_190, %dma_start3A_191] : memref<32768x128xf32, #tpu.memory_space<hbm>> -> memref<128x128xf32, #tpu.memory_space<hbm>>
    %dma_start3A_193 = arith.constant 0 : i32
    %dma_start3A_194 = tpu.memref_slice %arg4[%add3A_190, %dma_start3A_193] : memref<32768x128xf32, #tpu.memory_space<hbm>> -> memref<128x128xf32, #tpu.memory_space<hbm>>
    tpu.enqueue_dma source(%arg12 : memref<128x128xf32, #tpu.memory_space<vmem>>) target(%dma_start3A_194 : memref<128x128xf32, #tpu.memory_space<hbm>>) target_semaphore(%arg26 : memref<!tpu.dma_semaphore, #tpu.memory_space<semaphore_mem>>)
    %dma_wait3A_195 = arith.constant 896 : i32
    %dma_wait3A_196 = tpu.memref_slice %arg5[%dma_wait3A_195] : memref<1024xi32, #tpu.memory_space<vmem>> -> memref<128xi32, #tpu.memory_space<vmem>>
    %dma_wait3A_197 = arith.constant 0 : i32
    %dma_wait3A_198 = arith.constant 0 : i32
    %dma_wait3A_199 = tpu.memref_slice %arg3[%dma_wait3A_197, %dma_wait3A_198] : memref<1000000x128xf32, #tpu.memory_space<hbm>> -> memref<1000000x128xf32, #tpu.memory_space<hbm>>
    tpu.wait_indirect_dma semaphore(%arg13 : memref<!tpu.dma_semaphore, #tpu.memory_space<semaphore_mem>>) src(%dma_wait3A_199 : memref<1000000x128xf32, #tpu.memory_space<hbm>>) dst(%arg6 : memref<128x128xf32, #tpu.memory_space<vmem>>)
    %scan3A_200 = arith.constant 0 : i32
    %scan3A_201 = arith.constant 0 : i32
    %scan3A_202 = arith.constant 64 : i32
    %scan3A_203 = arith.addi %scan3A_201, %scan3A_202 : i32
    %scan3A_204 = arith.constant 1 : i32
    scf.for %scan3A_240 = %scan3A_201 to %scan3A_203 step %scan3A_204  : i32 {
      %mul3A_241 = arith.constant 2 : i32
      %mul3A_242 = arith.muli %mul3A_241, %scan3A_240 : i32
      %add3A_243 = arith.constant 0 : i32
      %add3A_244 = arith.addi %mul3A_242, %add3A_243 : i32
      %get3A = arith.index_cast %add3A_244 : i32 to index
      %get3A_245 = arith.constant 0 : index
      %get3A_246 = tpu.vector_load %arg6[%get3A, %get3A_245] {strides = array<i32>} : memref<128x128xf32, #tpu.memory_space<vmem>>, vector<1x16xf32>,
      %get3A_247 = vector.shape_cast %get3A_246 : vector<1x16xf32> to vector<16xf32>
      %mul3A_248 = arith.constant 11.3137083 : f32
      %mul3A_249 = vector.broadcast %mul3A_248 : f32 to vector<16xf32>
      %mul3A_250 = arith.mulf %get3A_247, %mul3A_249 : vector<16xf32>
      %mul3A_251 = arith.constant 2 : i32
      %mul3A_252 = arith.muli %mul3A_251, %scan3A_240 : i32
      %add3A_253 = arith.constant 0 : i32
      %add3A_254 = arith.addi %mul3A_252, %add3A_253 : i32
      %swap3A = arith.index_cast %add3A_254 : i32 to index
      %swap3A_255 = arith.constant 0 : index
      %swap3A_256 = tpu.vector_load %arg6[%swap3A, %swap3A_255] {strides = array<i32>} : memref<128x128xf32, #tpu.memory_space<vmem>>, vector<1x16xf32>,
      %swap3A_257 = vector.shape_cast %swap3A_256 : vector<1x16xf32> to vector<16xf32>
      %swap3A_258 = vector.shape_cast %mul3A_250 : vector<16xf32> to vector<1x16xf32>
      tpu.vector_store %arg6[%swap3A, %swap3A_255], %swap3A_258 {strides = array<i32>} : memref<128x128xf32, #tpu.memory_space<vmem>>, vector<1x16xf32>,
      %mul3A_259 = arith.constant 2 : i32
      %mul3A_260 = arith.muli %mul3A_259, %scan3A_240 : i32
      %add3A_261 = arith.constant 0 : i32
      %add3A_262 = arith.addi %mul3A_260, %add3A_261 : i32
      %get3A_263 = arith.index_cast %add3A_262 : i32 to index
      %get3A_264 = arith.constant 16 : index
      %get3A_265 = tpu.vector_load %arg6[%get3A_263, %get3A_264] {strides = array<i32>} : memref<128x128xf32, #tpu.memory_space<vmem>>, vector<1x16xf32>,
      %get3A_266 = vector.shape_cast %get3A_265 : vector<1x16xf32> to vector<16xf32>
      %mul3A_267 = arith.constant 11.3137083 : f32
      %mul3A_268 = vector.broadcast %mul3A_267 : f32 to vector<16xf32>
      %mul3A_269 = arith.mulf %get3A_266, %mul3A_268 : vector<16xf32>
      %mul3A_270 = arith.constant 2 : i32
      %mul3A_271 = arith.muli %mul3A_270, %scan3A_240 : i32
      %add3A_272 = arith.constant 0 : i32
      %add3A_273 = arith.addi %mul3A_271, %add3A_272 : i32
      %swap3A_274 = arith.index_cast %add3A_273 : i32 to index
      %swap3A_275 = arith.constant 16 : index
      %swap3A_276 = tpu.vector_load %arg6[%swap3A_274, %swap3A_275] {strides = array<i32>} : memref<128x128xf32, #tpu.memory_space<vmem>>, vector<1x16xf32>,
      %swap3A_277 = vector.shape_cast %swap3A_276 : vector<1x16xf32> to vector<16xf32>
      %swap3A_278 = vector.shape_cast %mul3A_269 : vector<16xf32> to vector<1x16xf32>
      tpu.vector_store %arg6[%swap3A_274, %swap3A_275], %swap3A_278 {strides = array<i32>} : memref<128x128xf32, #tpu.memory_space<vmem>>, vector<1x16xf32>,
      %mul3A_279 = arith.constant 2 : i32
      %mul3A_280 = arith.muli %mul3A_279, %scan3A_240 : i32
      %add3A_281 = arith.constant 0 : i32
      %add3A_282 = arith.addi %mul3A_280, %add3A_281 : i32
      %get3A_283 = arith.index_cast %add3A_282 : i32 to index
      %get3A_284 = arith.constant 32 : index
      %get3A_285 = tpu.vector_load %arg6[%get3A_283, %get3A_284] {strides = array<i32>} : memref<128x128xf32, #tpu.memory_space<vmem>>, vector<1x16xf32>,
      %get3A_286 = vector.shape_cast %get3A_285 : vector<1x16xf32> to vector<16xf32>
      %mul3A_287 = arith.constant 11.3137083 : f32
      %mul3A_288 = vector.broadcast %mul3A_287 : f32 to vector<16xf32>
      %mul3A_289 = arith.mulf %get3A_286, %mul3A_288 : vector<16xf32>
      %mul3A_290 = arith.constant 2 : i32
      %mul3A_291 = arith.muli %mul3A_290, %scan3A_240 : i32
      %add3A_292 = arith.constant 0 : i32
      %add3A_293 = arith.addi %mul3A_291, %add3A_292 : i32
      %swap3A_294 = arith.index_cast %add3A_293 : i32 to index
      %swap3A_295 = arith.constant 32 : index
      %swap3A_296 = tpu.vector_load %arg6[%swap3A_294, %swap3A_295] {strides = array<i32>} : memref<128x128xf32, #tpu.memory_space<vmem>>, vector<1x16xf32>,
      %swap3A_297 = vector.shape_cast %swap3A_296 : vector<1x16xf32> to vector<16xf32>
      %swap3A_298 = vector.shape_cast %mul3A_289 : vector<16xf32> to vector<1x16xf32>
      tpu.vector_store %arg6[%swap3A_294, %swap3A_295], %swap3A_298 {strides = array<i32>} : memref<128x128xf32, #tpu.memory_space<vmem>>, vector<1x16xf32>,
      %mul3A_299 = arith.constant 2 : i32
      %mul3A_300 = arith.muli %mul3A_299, %scan3A_240 : i32
      %add3A_301 = arith.constant 0 : i32
      %add3A_302 = arith.addi %mul3A_300, %add3A_301 : i32
      %get3A_303 = arith.index_cast %add3A_302 : i32 to index
      %get3A_304 = arith.constant 48 : index
      %get3A_305 = tpu.vector_load %arg6[%get3A_303, %get3A_304] {strides = array<i32>} : memref<128x128xf32, #tpu.memory_space<vmem>>, vector<1x16xf32>,
      %get3A_306 = vector.shape_cast %get3A_305 : vector<1x16xf32> to vector<16xf32>
      %mul3A_307 = arith.constant 11.3137083 : f32
      %mul3A_308 = vector.broadcast %mul3A_307 : f32 to vector<16xf32>
      %mul3A_309 = arith.mulf %get3A_306, %mul3A_308 : vector<16xf32>
      %mul3A_310 = arith.constant 2 : i32
      %mul3A_311 = arith.muli %mul3A_310, %scan3A_240 : i32
      %add3A_312 = arith.constant 0 : i32
      %add3A_313 = arith.addi %mul3A_311, %add3A_312 : i32
      %swap3A_314 = arith.index_cast %add3A_313 : i32 to index
      %swap3A_315 = arith.constant 48 : index
      %swap3A_316 = tpu.vector_load %arg6[%swap3A_314, %swap3A_315] {strides = array<i32>} : memref<128x128xf32, #tpu.memory_space<vmem>>, vector<1x16xf32>,
      %swap3A_317 = vector.shape_cast %swap3A_316 : vector<1x16xf32> to vector<16xf32>
      %swap3A_318 = vector.shape_cast %mul3A_309 : vector<16xf32> to vector<1x16xf32>
      tpu.vector_store %arg6[%swap3A_314, %swap3A_315], %swap3A_318 {strides = array<i32>} : memref<128x128xf32, #tpu.memory_space<vmem>>, vector<1x16xf32>,
      %mul3A_319 = arith.constant 2 : i32
      %mul3A_320 = arith.muli %mul3A_319, %scan3A_240 : i32
      %add3A_321 = arith.constant 0 : i32
      %add3A_322 = arith.addi %mul3A_320, %add3A_321 : i32
      %get3A_323 = arith.index_cast %add3A_322 : i32 to index
      %get3A_324 = arith.constant 64 : index
      %get3A_325 = tpu.vector_load %arg6[%get3A_323, %get3A_324] {strides = array<i32>} : memref<128x128xf32, #tpu.memory_space<vmem>>, vector<1x16xf32>,
      %get3A_326 = vector.shape_cast %get3A_325 : vector<1x16xf32> to vector<16xf32>
      %mul3A_327 = arith.constant 11.3137083 : f32
      %mul3A_328 = vector.broadcast %mul3A_327 : f32 to vector<16xf32>
      %mul3A_329 = arith.mulf %get3A_326, %mul3A_328 : vector<16xf32>
      %mul3A_330 = arith.constant 2 : i32
      %mul3A_331 = arith.muli %mul3A_330, %scan3A_240 : i32
      %add3A_332 = arith.constant 0 : i32
      %add3A_333 = arith.addi %mul3A_331, %add3A_332 : i32
      %swap3A_334 = arith.index_cast %add3A_333 : i32 to index
      %swap3A_335 = arith.constant 64 : index
      %swap3A_336 = tpu.vector_load %arg6[%swap3A_334, %swap3A_335] {strides = array<i32>} : memref<128x128xf32, #tpu.memory_space<vmem>>, vector<1x16xf32>,
      %swap3A_337 = vector.shape_cast %swap3A_336 : vector<1x16xf32> to vector<16xf32>
      %swap3A_338 = vector.shape_cast %mul3A_329 : vector<16xf32> to vector<1x16xf32>
      tpu.vector_store %arg6[%swap3A_334, %swap3A_335], %swap3A_338 {strides = array<i32>} : memref<128x128xf32, #tpu.memory_space<vmem>>, vector<1x16xf32>,
      %mul3A_339 = arith.constant 2 : i32
      %mul3A_340 = arith.muli %mul3A_339, %scan3A_240 : i32
      %add3A_341 = arith.constant 0 : i32
      %add3A_342 = arith.addi %mul3A_340, %add3A_341 : i32
      %get3A_343 = arith.index_cast %add3A_342 : i32 to index
      %get3A_344 = arith.constant 80 : index
      %get3A_345 = tpu.vector_load %arg6[%get3A_343, %get3A_344] {strides = array<i32>} : memref<128x128xf32, #tpu.memory_space<vmem>>, vector<1x16xf32>,
      %get3A_346 = vector.shape_cast %get3A_345 : vector<1x16xf32> to vector<16xf32>
      %mul3A_347 = arith.constant 11.3137083 : f32
      %mul3A_348 = vector.broadcast %mul3A_347 : f32 to vector<16xf32>
      %mul3A_349 = arith.mulf %get3A_346, %mul3A_348 : vector<16xf32>
      %mul3A_350 = arith.constant 2 : i32
      %mul3A_351 = arith.muli %mul3A_350, %scan3A_240 : i32
      %add3A_352 = arith.constant 0 : i32
      %add3A_353 = arith.addi %mul3A_351, %add3A_352 : i32
      %swap3A_354 = arith.index_cast %add3A_353 : i32 to index
      %swap3A_355 = arith.constant 80 : index
      %swap3A_356 = tpu.vector_load %arg6[%swap3A_354, %swap3A_355] {strides = array<i32>} : memref<128x128xf32, #tpu.memory_space<vmem>>, vector<1x16xf32>,
      %swap3A_357 = vector.shape_cast %swap3A_356 : vector<1x16xf32> to vector<16xf32>
      %swap3A_358 = vector.shape_cast %mul3A_349 : vector<16xf32> to vector<1x16xf32>
      tpu.vector_store %arg6[%swap3A_354, %swap3A_355], %swap3A_358 {strides = array<i32>} : memref<128x128xf32, #tpu.memory_space<vmem>>, vector<1x16xf32>,
      %mul3A_359 = arith.constant 2 : i32
      %mul3A_360 = arith.muli %mul3A_359, %scan3A_240 : i32
      %add3A_361 = arith.constant 0 : i32
      %add3A_362 = arith.addi %mul3A_360, %add3A_361 : i32
      %get3A_363 = arith.index_cast %add3A_362 : i32 to index
      %get3A_364 = arith.constant 96 : index
      %get3A_365 = tpu.vector_load %arg6[%get3A_363, %get3A_364] {strides = array<i32>} : memref<128x128xf32, #tpu.memory_space<vmem>>, vector<1x16xf32>,
      %get3A_366 = vector.shape_cast %get3A_365 : vector<1x16xf32> to vector<16xf32>
      %mul3A_367 = arith.constant 11.3137083 : f32
      %mul3A_368 = vector.broadcast %mul3A_367 : f32 to vector<16xf32>
      %mul3A_369 = arith.mulf %get3A_366, %mul3A_368 : vector<16xf32>
      %mul3A_370 = arith.constant 2 : i32
      %mul3A_371 = arith.muli %mul3A_370, %scan3A_240 : i32
      %add3A_372 = arith.constant 0 : i32
      %add3A_373 = arith.addi %mul3A_371, %add3A_372 : i32
      %swap3A_374 = arith.index_cast %add3A_373 : i32 to index
      %swap3A_375 = arith.constant 96 : index
      %swap3A_376 = tpu.vector_load %arg6[%swap3A_374, %swap3A_375] {strides = array<i32>} : memref<128x128xf32, #tpu.memory_space<vmem>>, vector<1x16xf32>,
      %swap3A_377 = vector.shape_cast %swap3A_376 : vector<1x16xf32> to vector<16xf32>
      %swap3A_378 = vector.shape_cast %mul3A_369 : vector<16xf32> to vector<1x16xf32>
      tpu.vector_store %arg6[%swap3A_374, %swap3A_375], %swap3A_378 {strides = array<i32>} : memref<128x128xf32, #tpu.memory_space<vmem>>, vector<1x16xf32>,
      %mul3A_379 = arith.constant 2 : i32
      %mul3A_380 = arith.muli %mul3A_379, %scan3A_240 : i32
      %add3A_381 = arith.constant 0 : i32
      %add3A_382 = arith.addi %mul3A_380, %add3A_381 : i32
      %get3A_383 = arith.index_cast %add3A_382 : i32 to index
      %get3A_384 = arith.constant 112 : index
      %get3A_385 = tpu.vector_load %arg6[%get3A_383, %get3A_384] {strides = array<i32>} : memref<128x128xf32, #tpu.memory_space<vmem>>, vector<1x16xf32>,
      %get3A_386 = vector.shape_cast %get3A_385 : vector<1x16xf32> to vector<16xf32>
      %mul3A_387 = arith.constant 11.3137083 : f32
      %mul3A_388 = vector.broadcast %mul3A_387 : f32 to vector<16xf32>
      %mul3A_389 = arith.mulf %get3A_386, %mul3A_388 : vector<16xf32>
      %mul3A_390 = arith.constant 2 : i32
      %mul3A_391 = arith.muli %mul3A_390, %scan3A_240 : i32
      %add3A_392 = arith.constant 0 : i32
      %add3A_393 = arith.addi %mul3A_391, %add3A_392 : i32
      %swap3A_394 = arith.index_cast %add3A_393 : i32 to index
      %swap3A_395 = arith.constant 112 : index
      %swap3A_396 = tpu.vector_load %arg6[%swap3A_394, %swap3A_395] {strides = array<i32>} : memref<128x128xf32, #tpu.memory_space<vmem>>, vector<1x16xf32>,
      %swap3A_397 = vector.shape_cast %swap3A_396 : vector<1x16xf32> to vector<16xf32>
      %swap3A_398 = vector.shape_cast %mul3A_389 : vector<16xf32> to vector<1x16xf32>
      tpu.vector_store %arg6[%swap3A_394, %swap3A_395], %swap3A_398 {strides = array<i32>} : memref<128x128xf32, #tpu.memory_space<vmem>>, vector<1x16xf32>,
      %mul3A_399 = arith.constant 2 : i32
      %mul3A_400 = arith.muli %mul3A_399, %scan3A_240 : i32
      %add3A_401 = arith.constant 1 : i32
      %add3A_402 = arith.addi %mul3A_400, %add3A_401 : i32
      %get3A_403 = arith.index_cast %add3A_402 : i32 to index
      %get3A_404 = arith.constant 0 : index
      %get3A_405 = tpu.vector_load %arg6[%get3A_403, %get3A_404] {strides = array<i32>} : memref<128x128xf32, #tpu.memory_space<vmem>>, vector<1x16xf32>,
      %get3A_406 = vector.shape_cast %get3A_405 : vector<1x16xf32> to vector<16xf32>
      %mul3A_407 = arith.constant 11.3137083 : f32
      %mul3A_408 = vector.broadcast %mul3A_407 : f32 to vector<16xf32>
      %mul3A_409 = arith.mulf %get3A_406, %mul3A_408 : vector<16xf32>
      %mul3A_410 = arith.constant 2 : i32
      %mul3A_411 = arith.muli %mul3A_410, %scan3A_240 : i32
      %add3A_412 = arith.constant 1 : i32
      %add3A_413 = arith.addi %mul3A_411, %add3A_412 : i32
      %swap3A_414 = arith.index_cast %add3A_413 : i32 to index
      %swap3A_415 = arith.constant 0 : index
      %swap3A_416 = tpu.vector_load %arg6[%swap3A_414, %swap3A_415] {strides = array<i32>} : memref<128x128xf32, #tpu.memory_space<vmem>>, vector<1x16xf32>,
      %swap3A_417 = vector.shape_cast %swap3A_416 : vector<1x16xf32> to vector<16xf32>
      %swap3A_418 = vector.shape_cast %mul3A_409 : vector<16xf32> to vector<1x16xf32>
      tpu.vector_store %arg6[%swap3A_414, %swap3A_415], %swap3A_418 {strides = array<i32>} : memref<128x128xf32, #tpu.memory_space<vmem>>, vector<1x16xf32>,
      %mul3A_419 = arith.constant 2 : i32
      %mul3A_420 = arith.muli %mul3A_419, %scan3A_240 : i32
      %add3A_421 = arith.constant 1 : i32
      %add3A_422 = arith.addi %mul3A_420, %add3A_421 : i32
      %get3A_423 = arith.index_cast %add3A_422 : i32 to index
      %get3A_424 = arith.constant 16 : index
      %get3A_425 = tpu.vector_load %arg6[%get3A_423, %get3A_424] {strides = array<i32>} : memref<128x128xf32, #tpu.memory_space<vmem>>, vector<1x16xf32>,
      %get3A_426 = vector.shape_cast %get3A_425 : vector<1x16xf32> to vector<16xf32>
      %mul3A_427 = arith.constant 11.3137083 : f32
      %mul3A_428 = vector.broadcast %mul3A_427 : f32 to vector<16xf32>
      %mul3A_429 = arith.mulf %get3A_426, %mul3A_428 : vector<16xf32>
      %mul3A_430 = arith.constant 2 : i32
      %mul3A_431 = arith.muli %mul3A_430, %scan3A_240 : i32
      %add3A_432 = arith.constant 1 : i32
      %add3A_433 = arith.addi %mul3A_431, %add3A_432 : i32
      %swap3A_434 = arith.index_cast %add3A_433 : i32 to index
      %swap3A_435 = arith.constant 16 : index
      %swap3A_436 = tpu.vector_load %arg6[%swap3A_434, %swap3A_435] {strides = array<i32>} : memref<128x128xf32, #tpu.memory_space<vmem>>, vector<1x16xf32>,
      %swap3A_437 = vector.shape_cast %swap3A_436 : vector<1x16xf32> to vector<16xf32>
      %swap3A_438 = vector.shape_cast %mul3A_429 : vector<16xf32> to vector<1x16xf32>
      tpu.vector_store %arg6[%swap3A_434, %swap3A_435], %swap3A_438 {strides = array<i32>} : memref<128x128xf32, #tpu.memory_space<vmem>>, vector<1x16xf32>,
      %mul3A_439 = arith.constant 2 : i32
      %mul3A_440 = arith.muli %mul3A_439, %scan3A_240 : i32
      %add3A_441 = arith.constant 1 : i32
      %add3A_442 = arith.addi %mul3A_440, %add3A_441 : i32
      %get3A_443 = arith.index_cast %add3A_442 : i32 to index
      %get3A_444 = arith.constant 32 : index
      %get3A_445 = tpu.vector_load %arg6[%get3A_443, %get3A_444] {strides = array<i32>} : memref<128x128xf32, #tpu.memory_space<vmem>>, vector<1x16xf32>,
      %get3A_446 = vector.shape_cast %get3A_445 : vector<1x16xf32> to vector<16xf32>
      %mul3A_447 = arith.constant 11.3137083 : f32
      %mul3A_448 = vector.broadcast %mul3A_447 : f32 to vector<16xf32>
      %mul3A_449 = arith.mulf %get3A_446, %mul3A_448 : vector<16xf32>
      %mul3A_450 = arith.constant 2 : i32
      %mul3A_451 = arith.muli %mul3A_450, %scan3A_240 : i32
      %add3A_452 = arith.constant 1 : i32
      %add3A_453 = arith.addi %mul3A_451, %add3A_452 : i32
      %swap3A_454 = arith.index_cast %add3A_453 : i32 to index
      %swap3A_455 = arith.constant 32 : index
      %swap3A_456 = tpu.vector_load %arg6[%swap3A_454, %swap3A_455] {strides = array<i32>} : memref<128x128xf32, #tpu.memory_space<vmem>>, vector<1x16xf32>,
      %swap3A_457 = vector.shape_cast %swap3A_456 : vector<1x16xf32> to vector<16xf32>
      %swap3A_458 = vector.shape_cast %mul3A_449 : vector<16xf32> to vector<1x16xf32>
      tpu.vector_store %arg6[%swap3A_454, %swap3A_455], %swap3A_458 {strides = array<i32>} : memref<128x128xf32, #tpu.memory_space<vmem>>, vector<1x16xf32>,
      %mul3A_459 = arith.constant 2 : i32
      %mul3A_460 = arith.muli %mul3A_459, %scan3A_240 : i32
      %add3A_461 = arith.constant 1 : i32
      %add3A_462 = arith.addi %mul3A_460, %add3A_461 : i32
      %get3A_463 = arith.index_cast %add3A_462 : i32 to index
      %get3A_464 = arith.constant 48 : index
      %get3A_465 = tpu.vector_load %arg6[%get3A_463, %get3A_464] {strides = array<i32>} : memref<128x128xf32, #tpu.memory_space<vmem>>, vector<1x16xf32>,
      %get3A_466 = vector.shape_cast %get3A_465 : vector<1x16xf32> to vector<16xf32>
      %mul3A_467 = arith.constant 11.3137083 : f32
      %mul3A_468 = vector.broadcast %mul3A_467 : f32 to vector<16xf32>
      %mul3A_469 = arith.mulf %get3A_466, %mul3A_468 : vector<16xf32>
      %mul3A_470 = arith.constant 2 : i32
      %mul3A_471 = arith.muli %mul3A_470, %scan3A_240 : i32
      %add3A_472 = arith.constant 1 : i32
      %add3A_473 = arith.addi %mul3A_471, %add3A_472 : i32
      %swap3A_474 = arith.index_cast %add3A_473 : i32 to index
      %swap3A_475 = arith.constant 48 : index
      %swap3A_476 = tpu.vector_load %arg6[%swap3A_474, %swap3A_475] {strides = array<i32>} : memref<128x128xf32, #tpu.memory_space<vmem>>, vector<1x16xf32>,
      %swap3A_477 = vector.shape_cast %swap3A_476 : vector<1x16xf32> to vector<16xf32>
      %swap3A_478 = vector.shape_cast %mul3A_469 : vector<16xf32> to vector<1x16xf32>
      tpu.vector_store %arg6[%swap3A_474, %swap3A_475], %swap3A_478 {strides = array<i32>} : memref<128x128xf32, #tpu.memory_space<vmem>>, vector<1x16xf32>,
      %mul3A_479 = arith.constant 2 : i32
      %mul3A_480 = arith.muli %mul3A_479, %scan3A_240 : i32
      %add3A_481 = arith.constant 1 : i32
      %add3A_482 = arith.addi %mul3A_480, %add3A_481 : i32
      %get3A_483 = arith.index_cast %add3A_482 : i32 to index
      %get3A_484 = arith.constant 64 : index
      %get3A_485 = tpu.vector_load %arg6[%get3A_483, %get3A_484] {strides = array<i32>} : memref<128x128xf32, #tpu.memory_space<vmem>>, vector<1x16xf32>,
      %get3A_486 = vector.shape_cast %get3A_485 : vector<1x16xf32> to vector<16xf32>
      %mul3A_487 = arith.constant 11.3137083 : f32
      %mul3A_488 = vector.broadcast %mul3A_487 : f32 to vector<16xf32>
      %mul3A_489 = arith.mulf %get3A_486, %mul3A_488 : vector<16xf32>
      %mul3A_490 = arith.constant 2 : i32
      %mul3A_491 = arith.muli %mul3A_490, %scan3A_240 : i32
      %add3A_492 = arith.constant 1 : i32
      %add3A_493 = arith.addi %mul3A_491, %add3A_492 : i32
      %swap3A_494 = arith.index_cast %add3A_493 : i32 to index
      %swap3A_495 = arith.constant 64 : index
      %swap3A_496 = tpu.vector_load %arg6[%swap3A_494, %swap3A_495] {strides = array<i32>} : memref<128x128xf32, #tpu.memory_space<vmem>>, vector<1x16xf32>,
      %swap3A_497 = vector.shape_cast %swap3A_496 : vector<1x16xf32> to vector<16xf32>
      %swap3A_498 = vector.shape_cast %mul3A_489 : vector<16xf32> to vector<1x16xf32>
      tpu.vector_store %arg6[%swap3A_494, %swap3A_495], %swap3A_498 {strides = array<i32>} : memref<128x128xf32, #tpu.memory_space<vmem>>, vector<1x16xf32>,
      %mul3A_499 = arith.constant 2 : i32
      %mul3A_500 = arith.muli %mul3A_499, %scan3A_240 : i32
      %add3A_501 = arith.constant 1 : i32
      %add3A_502 = arith.addi %mul3A_500, %add3A_501 : i32
      %get3A_503 = arith.index_cast %add3A_502 : i32 to index
      %get3A_504 = arith.constant 80 : index
      %get3A_505 = tpu.vector_load %arg6[%get3A_503, %get3A_504] {strides = array<i32>} : memref<128x128xf32, #tpu.memory_space<vmem>>, vector<1x16xf32>,
      %get3A_506 = vector.shape_cast %get3A_505 : vector<1x16xf32> to vector<16xf32>
      %mul3A_507 = arith.constant 11.3137083 : f32
      %mul3A_508 = vector.broadcast %mul3A_507 : f32 to vector<16xf32>
      %mul3A_509 = arith.mulf %get3A_506, %mul3A_508 : vector<16xf32>
      %mul3A_510 = arith.constant 2 : i32
      %mul3A_511 = arith.muli %mul3A_510, %scan3A_240 : i32
      %add3A_512 = arith.constant 1 : i32
      %add3A_513 = arith.addi %mul3A_511, %add3A_512 : i32
      %swap3A_514 = arith.index_cast %add3A_513 : i32 to index
      %swap3A_515 = arith.constant 80 : index
      %swap3A_516 = tpu.vector_load %arg6[%swap3A_514, %swap3A_515] {strides = array<i32>} : memref<128x128xf32, #tpu.memory_space<vmem>>, vector<1x16xf32>,
      %swap3A_517 = vector.shape_cast %swap3A_516 : vector<1x16xf32> to vector<16xf32>
      %swap3A_518 = vector.shape_cast %mul3A_509 : vector<16xf32> to vector<1x16xf32>
      tpu.vector_store %arg6[%swap3A_514, %swap3A_515], %swap3A_518 {strides = array<i32>} : memref<128x128xf32, #tpu.memory_space<vmem>>, vector<1x16xf32>,
      %mul3A_519 = arith.constant 2 : i32
      %mul3A_520 = arith.muli %mul3A_519, %scan3A_240 : i32
      %add3A_521 = arith.constant 1 : i32
      %add3A_522 = arith.addi %mul3A_520, %add3A_521 : i32
      %get3A_523 = arith.index_cast %add3A_522 : i32 to index
      %get3A_524 = arith.constant 96 : index
      %get3A_525 = tpu.vector_load %arg6[%get3A_523, %get3A_524] {strides = array<i32>} : memref<128x128xf32, #tpu.memory_space<vmem>>, vector<1x16xf32>,
      %get3A_526 = vector.shape_cast %get3A_525 : vector<1x16xf32> to vector<16xf32>
      %mul3A_527 = arith.constant 11.3137083 : f32
      %mul3A_528 = vector.broadcast %mul3A_527 : f32 to vector<16xf32>
      %mul3A_529 = arith.mulf %get3A_526, %mul3A_528 : vector<16xf32>
      %mul3A_530 = arith.constant 2 : i32
      %mul3A_531 = arith.muli %mul3A_530, %scan3A_240 : i32
      %add3A_532 = arith.constant 1 : i32
      %add3A_533 = arith.addi %mul3A_531, %add3A_532 : i32
      %swap3A_534 = arith.index_cast %add3A_533 : i32 to index
      %swap3A_535 = arith.constant 96 : index
      %swap3A_536 = tpu.vector_load %arg6[%swap3A_534, %swap3A_535] {strides = array<i32>} : memref<128x128xf32, #tpu.memory_space<vmem>>, vector<1x16xf32>,
      %swap3A_537 = vector.shape_cast %swap3A_536 : vector<1x16xf32> to vector<16xf32>
      %swap3A_538 = vector.shape_cast %mul3A_529 : vector<16xf32> to vector<1x16xf32>
      tpu.vector_store %arg6[%swap3A_534, %swap3A_535], %swap3A_538 {strides = array<i32>} : memref<128x128xf32, #tpu.memory_space<vmem>>, vector<1x16xf32>,
      %mul3A_539 = arith.constant 2 : i32
      %mul3A_540 = arith.muli %mul3A_539, %scan3A_240 : i32
      %add3A_541 = arith.constant 1 : i32
      %add3A_542 = arith.addi %mul3A_540, %add3A_541 : i32
      %get3A_543 = arith.index_cast %add3A_542 : i32 to index
      %get3A_544 = arith.constant 112 : index
      %get3A_545 = tpu.vector_load %arg6[%get3A_543, %get3A_544] {strides = array<i32>} : memref<128x128xf32, #tpu.memory_space<vmem>>, vector<1x16xf32>,
      %get3A_546 = vector.shape_cast %get3A_545 : vector<1x16xf32> to vector<16xf32>
      %mul3A_547 = arith.constant 11.3137083 : f32
      %mul3A_548 = vector.broadcast %mul3A_547 : f32 to vector<16xf32>
      %mul3A_549 = arith.mulf %get3A_546, %mul3A_548 : vector<16xf32>
      %mul3A_550 = arith.constant 2 : i32
      %mul3A_551 = arith.muli %mul3A_550, %scan3A_240 : i32
      %add3A_552 = arith.constant 1 : i32
      %add3A_553 = arith.addi %mul3A_551, %add3A_552 : i32
      %swap3A_554 = arith.index_cast %add3A_553 : i32 to index
      %swap3A_555 = arith.constant 112 : index
      %swap3A_556 = tpu.vector_load %arg6[%swap3A_554, %swap3A_555] {strides = array<i32>} : memref<128x128xf32, #tpu.memory_space<vmem>>, vector<1x16xf32>,
      %swap3A_557 = vector.shape_cast %swap3A_556 : vector<1x16xf32> to vector<16xf32>
      %swap3A_558 = vector.shape_cast %mul3A_549 : vector<16xf32> to vector<1x16xf32>
      tpu.vector_store %arg6[%swap3A_554, %swap3A_555], %swap3A_558 {strides = array<i32>} : memref<128x128xf32, #tpu.memory_space<vmem>>, vector<1x16xf32>,
    }
    %scan3A_205 = arith.constant 64 : i32
    %add3A_206 = arith.constant 896 : i32
    %add3A_207 = arith.addi %mul3A_2, %add3A_206 : i32
    %dma_start3A_208 = arith.constant 0 : i32
    %dma_start3A_209 = tpu.memref_slice %arg4[%add3A_207, %dma_start3A_208] : memref<32768x128xf32, #tpu.memory_space<hbm>> -> memref<128x128xf32, #tpu.memory_space<hbm>>
    %dma_start3A_210 = arith.constant 0 : i32
    %dma_start3A_211 = tpu.memref_slice %arg4[%add3A_207, %dma_start3A_210] : memref<32768x128xf32, #tpu.memory_space<hbm>> -> memref<128x128xf32, #tpu.memory_space<hbm>>
    tpu.enqueue_dma source(%arg6 : memref<128x128xf32, #tpu.memory_space<vmem>>) target(%dma_start3A_211 : memref<128x128xf32, #tpu.memory_space<hbm>>) target_semaphore(%arg20 : memref<!tpu.dma_semaphore, #tpu.memory_space<semaphore_mem>>)
    %dma_wait3A_212 = arith.constant 0 : i32
    %dma_wait3A_213 = tpu.memref_slice %arg4[%add3A_105, %dma_wait3A_212] : memref<32768x128xf32, #tpu.memory_space<hbm>> -> memref<128x128xf32, #tpu.memory_space<hbm>>
    %dma_wait3A_214 = arith.constant 0 : i32
    %dma_wait3A_215 = tpu.memref_slice %arg4[%add3A_105, %dma_wait3A_214] : memref<32768x128xf32, #tpu.memory_space<hbm>> -> memref<128x128xf32, #tpu.memory_space<hbm>>
    tpu.wait_dma2 semaphore(%arg21 : memref<!tpu.dma_semaphore, #tpu.memory_space<semaphore_mem>>) src(%arg7 : memref<128x128xf32, #tpu.memory_space<vmem>>) dst(%dma_wait3A_215 : memref<128x128xf32, #tpu.memory_space<hbm>>)
    %dma_wait3A_216 = arith.constant 0 : i32
    %dma_wait3A_217 = tpu.memref_slice %arg4[%add3A_122, %dma_wait3A_216] : memref<32768x128xf32, #tpu.memory_space<hbm>> -> memref<128x128xf32, #tpu.memory_space<hbm>>
    %dma_wait3A_218 = arith.constant 0 : i32
    %dma_wait3A_219 = tpu.memref_slice %arg4[%add3A_122, %dma_wait3A_218] : memref<32768x128xf32, #tpu.memory_space<hbm>> -> memref<128x128xf32, #tpu.memory_space<hbm>>
    tpu.wait_dma2 semaphore(%arg22 : memref<!tpu.dma_semaphore, #tpu.memory_space<semaphore_mem>>) src(%arg8 : memref<128x128xf32, #tpu.memory_space<vmem>>) dst(%dma_wait3A_219 : memref<128x128xf32, #tpu.memory_space<hbm>>)
    %dma_wait3A_220 = arith.constant 0 : i32
    %dma_wait3A_221 = tpu.memref_slice %arg4[%add3A_139, %dma_wait3A_220] : memref<32768x128xf32, #tpu.memory_space<hbm>> -> memref<128x128xf32, #tpu.memory_space<hbm>>
    %dma_wait3A_222 = arith.constant 0 : i32
    %dma_wait3A_223 = tpu.memref_slice %arg4[%add3A_139, %dma_wait3A_222] : memref<32768x128xf32, #tpu.memory_space<hbm>> -> memref<128x128xf32, #tpu.memory_space<hbm>>
    tpu.wait_dma2 semaphore(%arg23 : memref<!tpu.dma_semaphore, #tpu.memory_space<semaphore_mem>>) src(%arg9 : memref<128x128xf32, #tpu.memory_space<vmem>>) dst(%dma_wait3A_223 : memref<128x128xf32, #tpu.memory_space<hbm>>)
    %dma_wait3A_224 = arith.constant 0 : i32
    %dma_wait3A_225 = tpu.memref_slice %arg4[%add3A_156, %dma_wait3A_224] : memref<32768x128xf32, #tpu.memory_space<hbm>> -> memref<128x128xf32, #tpu.memory_space<hbm>>
    %dma_wait3A_226 = arith.constant 0 : i32
    %dma_wait3A_227 = tpu.memref_slice %arg4[%add3A_156, %dma_wait3A_226] : memref<32768x128xf32, #tpu.memory_space<hbm>> -> memref<128x128xf32, #tpu.memory_space<hbm>>
    tpu.wait_dma2 semaphore(%arg24 : memref<!tpu.dma_semaphore, #tpu.memory_space<semaphore_mem>>) src(%arg10 : memref<128x128xf32, #tpu.memory_space<vmem>>) dst(%dma_wait3A_227 : memref<128x128xf32, #tpu.memory_space<hbm>>)
    %dma_wait3A_228 = arith.constant 0 : i32
    %dma_wait3A_229 = tpu.memref_slice %arg4[%add3A_173, %dma_wait3A_228] : memref<32768x128xf32, #tpu.memory_space<hbm>> -> memref<128x128xf32, #tpu.memory_space<hbm>>
    %dma_wait3A_230 = arith.constant 0 : i32
    %dma_wait3A_231 = tpu.memref_slice %arg4[%add3A_173, %dma_wait3A_230] : memref<32768x128xf32, #tpu.memory_space<hbm>> -> memref<128x128xf32, #tpu.memory_space<hbm>>
    tpu.wait_dma2 semaphore(%arg25 : memref<!tpu.dma_semaphore, #tpu.memory_space<semaphore_mem>>) src(%arg11 : memref<128x128xf32, #tpu.memory_space<vmem>>) dst(%dma_wait3A_231 : memref<128x128xf32, #tpu.memory_space<hbm>>)
    %dma_wait3A_232 = arith.constant 0 : i32
    %dma_wait3A_233 = tpu.memref_slice %arg4[%add3A_190, %dma_wait3A_232] : memref<32768x128xf32, #tpu.memory_space<hbm>> -> memref<128x128xf32, #tpu.memory_space<hbm>>
    %dma_wait3A_234 = arith.constant 0 : i32
    %dma_wait3A_235 = tpu.memref_slice %arg4[%add3A_190, %dma_wait3A_234] : memref<32768x128xf32, #tpu.memory_space<hbm>> -> memref<128x128xf32, #tpu.memory_space<hbm>>
    tpu.wait_dma2 semaphore(%arg26 : memref<!tpu.dma_semaphore, #tpu.memory_space<semaphore_mem>>) src(%arg12 : memref<128x128xf32, #tpu.memory_space<vmem>>) dst(%dma_wait3A_235 : memref<128x128xf32, #tpu.memory_space<hbm>>)
    %dma_wait3A_236 = arith.constant 0 : i32
    %dma_wait3A_237 = tpu.memref_slice %arg4[%add3A_207, %dma_wait3A_236] : memref<32768x128xf32, #tpu.memory_space<hbm>> -> memref<128x128xf32, #tpu.memory_space<hbm>>
    %dma_wait3A_238 = arith.constant 0 : i32
    %dma_wait3A_239 = tpu.memref_slice %arg4[%add3A_207, %dma_wait3A_238] : memref<32768x128xf32, #tpu.memory_space<hbm>> -> memref<128x128xf32, #tpu.memory_space<hbm>>
    tpu.wait_dma2 semaphore(%arg20 : memref<!tpu.dma_semaphore, #tpu.memory_space<semaphore_mem>>) src(%arg6 : memref<128x128xf32, #tpu.memory_space<vmem>>) dst(%dma_wait3A_239 : memref<128x128xf32, #tpu.memory_space<hbm>>)
    return
  }
}

</mosaic_0001>

<sc_bundles>
// kernel: kernel.3.cloned.1.call-start
scs
__scs_entry_jumppad:
0x0: {  	(pc) =	sbr.rel $0x88, $3  }
0x1: {  	(tag) =	ssettag $0x0;
	lr =	simm.s32 $0x1  }
0x2: {  	[smem:$0x3F9F] =	sst lr;
	_ =	strace $0xD0000000  }
0x3: {  	_ = 	snop  }
0x4: {  	_ = 	snop  }
0x5: {  	_ = 	snop  }
0x6: {  	_ = 	snop  }
0x7: {  	_ = 	snop  }
__scs_overlays_trampoline_lowered:
0x8: {  	[smem:$0x3FAE] =	sst s0  }
0x9: {  	[smem:$0x3FAF] =	sst s1  }
0xa: {  	[smem:$0x3FB0] =	sst s2  }
0xb: {  	[smem:$0x3FB1] =	sst s3  }
0xc: {  	[smem:$0x3FB2] =	sst s4  }
0xd: {  	[smem:$0x3FB3] =	sst s5  }
0xe: {  	[smem:$0x3FB4] =	sst s6  }
0xf: {  	[smem:$0x3FB5] =	sst s7  }
0x10: {  	[smem:$0x3FB6] =	sst s8  }
0x11: {  	[smem:$0x3FB7] =	sst s9;
	s0 =	simm.s32 @!p0 $0x0  }
0x12: {  	s1 =	sld [smem:$0x3F9D];
	s0 =	simm.s32 @p0 $0x1  }
0x13: {  	[smem:$0x3FB8] =	sst s0;
	s0 =	simm.s32 @!p1 $0x0  }
0x14: {  	s2 =	sld [smem:$0x3F9C];
	s0 =	simm.s32 @p1 $0x1  }
0x15: {  	[smem:$0x3FB9] =	sst s0;
	s0 =	simm.s32 @!p2 $0x0  }
0x16: {  	s3 =	sld [smem:$0x3FDB];
	s0 =	simm.s32 @p2 $0x1  }
0x17: {  	s4 =	simm.s32 $0x1BF5;
	[smem:$0x3FBB] =	sst s0  }
0x18: {  	s0 =	sld [smem:$0x3F9E];
	_ =	swait.ge [sflag:s4], $0x0  }
0x19: {  	s7 =	sld [smem:$0x3F9F]  }
0x1a: {  	s8 =	sadd.s32 $0xFFFFE003, lr  }
0x1b: {  	s9 =	sadd.s32 $0xFFFFFEF7, lr;
	s5 =	simm.s32 $0xFFFFFFFF;
	p2 =	slt.u32 s8, $0xFFFFF086  }
0x1c: {  	p1 =	slt.u32 s9, $0xF7A;
	s5 =	simm.s32 @!p2 $0x0  }
0x1d: {  	s5 =	simm.s32 @p1 $0x1;
	p0 =	seq.s32 s7, s2  }
0x1e: {  	s7 =	smul.u32 @!p0 $0xF7A, s2;
	p2 =	seq.s32 @!p0 s5, $0x0  }
0x1f: {  	s9 =	smul.u32 $0xF7A, s1;
	s8 =	simm.s32 @!p0 $0x1BF5;
	p2 =	por !p2, p0  }
0x20: {  	[sflag:s8] =	ssyncset.s32 @!p0 $0xFFFFF086;
	s6 =	sadd.s32 @!p0 s3, s7;
	s7 =	simm.s32 @!p0 $0x108  }
0x21: {  	s3 =	sadd.s32 s3, s9;
	s6 =	sadd.s32 @!p0 $0x88, s6;
	s7 =	simm.s32 @p2 $0x1082  }
0x22: {  	[simem:s7], [sflag:s8] =	dma.local @!p0 [hbm:s6], $0xF7A  }
0x23: {  	s9 =	sor.u32 $0xD0000000, s2;
	s6 =	simm.s32 $0x108;
	_ =	swait.ge @!p0 [sflag:s8], $0x0  }
0x24: {  	s3 =	sadd.s32 $0x88, s3;
	s6 =	simm.s32 @!p1 $0x1082;
	[sflag:s4] =	ssyncset.s32 $0xFFFFF086  }
0x25: {  	[simem:s6], [sflag:s4] =	dma.local [hbm:s3], $0xF7A  }
0x26: {  	[smem:$0x3F9F] =	sst s1;
	(tag) =	ssettag s2;
	_ =	strace s9  }
0x27: {  	s1 =	sld [smem:$0x3FAF]  }
0x28: {  	s2 =	sld [smem:$0x3FB0]  }
0x29: {  	s4 =	sld [smem:$0x3FB2]  }
0x2a: {  	p0 =	seq.s32 s5, $0x0;
	s5 =	sld [smem:$0x3FB3]  }
0x2b: {  	s6 =	sld [smem:$0x3FB4]  }
0x2c: {  	s7 =	sld [smem:$0x3FB5]  }
0x2d: {  	s3 =	simm.s32 $0x108;
	s8 =	sld [smem:$0x3FB6]  }
0x2e: {  	s3 =	simm.s32 @!p0 $0x1082;
	s9 =	sld [smem:$0x3FB7]  }
0x2f: {  	lr =	sadd.s32 s0, s3;
	s0 =	sld [smem:$0x3FAE]  }
0x30: {  	s3 =	sld [smem:$0x3FB1]  }
0x31: {  	[smem:$0x3FBA] =	sst s10  }
0x32: {  	s10 =	sld [smem:$0x3FB8];
	_ =	sdelay $0x3  }
0x33: {  	p0 =	seq.s32 s10, $0x1;
	s10 =	sld [smem:$0x3FBA];
	_ =	sdelay $0x3  }
0x34: {  	[smem:$0x3FBA] =	sst s10  }
0x35: {  	s10 =	sld [smem:$0x3FB9];
	_ =	sdelay $0x3  }
0x36: {  	p1 =	seq.s32 s10, $0x1;
	s10 =	sld [smem:$0x3FBA];
	_ =	sdelay $0x3  }
0x37: {  	[smem:$0x3FBA] =	sst s10  }
0x38: {  	s10 =	sld [smem:$0x3FBB]  }
0x39: {  	_ = 	snop;
	(pc) =	sbr.ind lr, $3  }
0x3a: {  	_ = 	snop  }
0x3b: {  	_ = 	snop  }
0x3c: {  	p2 =	seq.s32 s10, $0x1;
	s10 =	sld [smem:$0x3FBA]  }
0x3d: {  	_ =	shalt  }
0x3e: {  	_ =	shalt  }
0x3f: {  	_ =	shalt  }
0x40: {  	_ =	shalt  }
0x41: {  	_ =	shalt  }
0x42: {  	_ =	shalt  }
0x43: {  	_ =	shalt  }
0x44: {  	_ =	shalt  }
0x45: {  	_ =	shalt  }
0x46: {  	_ =	shalt  }
0x47: {  	_ =	shalt  }
0x48: {  	_ =	shalt  }
0x49: {  	_ =	shalt  }
0x4a: {  	_ =	shalt  }
0x4b: {  	_ =	shalt  }
0x4c: {  	_ =	shalt  }
0x4d: {  	_ =	shalt  }
0x4e: {  	_ =	shalt  }
0x4f: {  	_ =	shalt  }
0x50: {  	_ =	shalt  }
0x51: {  	_ =	shalt  }
0x52: {  	_ =	shalt  }
0x53: {  	_ =	shalt  }
0x54: {  	_ =	shalt  }
0x55: {  	_ =	shalt  }
0x56: {  	_ =	shalt  }
0x57: {  	_ =	shalt  }
0x58: {  	_ =	shalt  }
0x59: {  	_ =	shalt  }
0x5a: {  	_ =	shalt  }
0x5b: {  	_ =	shalt  }
0x5c: {  	_ =	shalt  }
0x5d: {  	_ =	shalt  }
0x5e: {  	_ =	shalt  }
0x5f: {  	_ =	shalt  }
0x60: {  	_ =	shalt  }
0x61: {  	_ =	shalt  }
0x62: {  	_ =	shalt  }
0x63: {  	_ =	shalt  }
0x64: {  	_ =	shalt  }
0x65: {  	_ =	shalt  }
0x66: {  	_ =	shalt  }
0x67: {  	_ =	shalt  }
0x68: {  	_ =	shalt  }
0x69: {  	_ =	shalt  }
0x6a: {  	_ =	shalt  }
0x6b: {  	_ =	shalt  }
0x6c: {  	_ =	shalt  }
0x6d: {  	_ =	shalt  }
0x6e: {  	_ =	shalt  }
0x6f: {  	_ =	shalt  }
0x70: {  	_ =	shalt  }
0x71: {  	_ =	shalt  }
0x72: {  	_ =	shalt  }
0x73: {  	_ =	shalt  }
0x74: {  	_ =	shalt  }
0x75: {  	_ =	shalt  }
0x76: {  	_ =	shalt  }
0x77: {  	_ =	shalt  }
0x78: {  	_ =	shalt  }
0x79: {  	_ =	shalt  }
0x7a: {  	_ =	shalt  }
0x7b: {  	_ =	shalt  }
0x7c: {  	_ =	shalt  }
0x7d: {  	_ =	shalt  }
0x7e: {  	_ =	shalt  }
0x7f: {  	_ =	shalt  }
0x80: {  	_ =	shalt  }
0x81: {  	_ =	shalt  }
0x82: {  	_ =	shalt  }
0x83: {  	_ =	shalt  }
0x84: {  	_ =	shalt  }
0x85: {  	_ =	shalt  }
0x86: {  	_ =	shalt  }
0x87: {  	_ =	shalt  }
.Lfunc_end0:
.L_simem_size_0:
called_computation_lowered:
.L_overlay_start_0:
0x88: {  	s2 =	sld [smem:$0x3FD9]  }
0x89: {  	s3 =	sld [smem:$0x3FFE];
	_ =	sdelay $0x1  }
0x8a: {  	s1 =	srdreg.scid  }
0x8b: {  	s0 =	sand.u32 $0x1, s1  }
0x8c: {  	s18 =	sshll.u32 s0, $0xA;
	s2 =	sadd.s32 s3, s2  }
0x8d: {  	s2 =	sadd.s32 s2, s18  }
0x8e: {  	[smem:$0x3FC6] =	sst s2  }
0x8f: {  	_ = 	snop  }
0x90: {  	s2 =	sld [smem:$0x3FC9]  }
0x91: {  	s19 =	sld [smem:$0x3FC8]  }
0x92: {  	s4 =	sld [smem:$0x3FD0];
	(tm) =	ssettm $0x1  }
0x93: {  	s5 =	sld [smem:$0x3FFB];
	_ =	sdelay $0x3  }
0x94: {  	_ =	strace s5  }
0x95: {  	s5 =	sld [smem:$0x3FFC];
	_ =	sdelay $0x3  }
0x96: {  	_ =	strace s5  }
0x97: {  	s5 =	sld [smem:$0x3FFD];
	_ =	sdelay $0x3  }
0x98: {  	_ =	strace s5  }
0x99: {  	_ =	strace $0x8FFFFFFF  }
0x9a: {  	s20 =	sld [smem:$0x3FDB];
	_ =	sdelay $0x1  }
0x9b: {  	s6 =	simm.s32 $_scs_section_size  }
0x9c: {  	s7 =	simm.s32 $_size__tile_overlayer_lowered;
	s8 =	simm.s32 $_tile_overlayer_lowered  }
0x9d: {  	s23 =	simm.s32 $0x1BFF;
	s22 =	sshll.u32 s8, $0x1;
	s5 =	sadd.s32 s6, s20  }
0x9e: {  	s9 =	simm.s32 $0x0;
	s21 =	sshll.u32 s7, $0x1;
	s7 =	sadd.s32 s22, s5  }
0x9f: {  	[timem:s9], [sflag:s23] =	dma.local [hbm:s7], s21  }
0xa0: {  	_ =	swait.ge [sflag:s23], s21  }
0xa1: {  	s6 =	ssub.s32 $0x0, s21;
	[sflag:s23] =	ssyncset.done $0x0  }
0xa2: {  	[sflag:s23] =	ssyncadd.s32 s6;
	_ =	sdelay $0x1  }
0xa3: {  	s24 =	simm.s32 $0x1B8B  }
0xa4: {  	_ =	swait.ge [sflag:s24], $0x1  }
0xa5: {  	[sflag:s24] =	ssyncset.done $0x0  }
0xa6: {  	s25 =	simm.s32 $0x1B8E;
	[sflag:s24] =	ssyncadd.s32 $0xFFFFFFFF  }
0xa7: {  	s26 =	simm.s32 $execute0_lowered;
	[smem:$0x3FD2] =	sst s25  }
0xa8: {  	s6 =	sshll.u32 s26, $0x1;
	_ =	strace $0x80000046;
	[dreg:$0x1] =	wrdreg $0xFFFFFFFF  }
0xa9: {  	s28 =	simm.s32 $_size_execute0_lowered;
	s5 =	sadd.s32 s5, s6;
	[dreg:$0x0] =	wrdreg $0x0  }
0xaa: {  	s6 =	sshll.u32 s28, $0x1;
	[dreg:$0x2] =	wrdreg s5  }
0xab: {  	[dreg:$0x3] =	wrdreg s6  }
0xac: {  	[dreg:$0x4] =	wrdreg $0xC0  }
0xad: {  	_ =	task [dreg:s9], $0x5FFFF  }
0xae: {  	[dreg:$0x1] =	wrdreg $0xFFFFFFFF  }
0xaf: {  	[dreg:$0x0] =	wrdreg $0x60  }
0xb0: {  	[dreg:$0x2] =	wrdreg s2  }
0xb1: {  	[dreg:$0x3] =	wrdreg s19  }
0xb2: {  	[dreg:$0x4] =	wrdreg s4  }
0xb3: {  	[dreg:$0x5] =	wrdreg $0x9  }
0xb4: {  	_ =	task.clear_ibuf [dreg:s9], $0x6FFFF;
	_ =	strace $0x90000046  }
0xb5: {  	s29 =	simm.s32 $0x9;
	_ =	strace $0x80000048  }
0xb6: {  	_ =	swait.ge [sflag:s29], $0x1  }
0xb7: {  	[sflag:s29] =	ssyncadd.s32 $0xFFFFFFFF  }
0xb8: {  	_ =	strace $0x90000048  }
0xb9: {  	_ =	sfence  }
0xba: {  	s30 =	sld [smem:$0x0];
	_ =	sdelay $0x2  }
0xbb: {  	s31 =	sshll.u32 s1, $0xD;
	s1 =	sshrl.u32 s1, $0x2  }
0xbc: {  	s3 =	sand.u32 $0x4000, s31;
	s1 =	sadd.s32 s1, s30  }
0xbd: {  	s0 =	sor.u32 s3, s0;
	s1 =	sshll.u32 s1, $0x11  }
0xbe: {  	s0 =	sor.u32 s1, s0  }
0xbf: {  	s0 =	sadd.s32 $0x8F2B, s0  }
0xc0: {  	[sflag:s0] =	ssyncadd.remote.s32 $0x1  }
0xc1: {  	_ =	sfence.sel $0xFFFF  }
0xc2: {  	[dreg:$0x0] =	wrdreg $0xFFFFFFFF;
	(pc) =	sbr.abs _section_cstart, $3  }
0xc3: {  	[dreg:$0x1] =	wrdreg $0xFFFFFFFF  }
0xc4: {  	_ =	task.clear_ibuf [dreg:s9], $0x2FFFF;
	_ =	strace $0x9FFFFFFF  }
0xc5: {  	(tm) =	ssettm $0x7FFFFFFF  }
tec
execute0_lowered:
.L_overlay_start_1:
0x0: {  	(tag) =	ssettag $0x1  }
0x1: {  	s0 =	rddreg [dreg:$0x0]  }
0x2: {  	s1 =	rddreg [dreg:$0x1]  }
0x3: {  	s2 =	rddreg [dreg:$0x2]  }
0x4: {  	s4 =	srdreg.scid;
	s3 =	simm.s32 $0x0;
	s8 =	stileid.u32  }
0x5: {  	s14 =	simm.s32 $0x80;
	s16 =	simm.s32 $0xF;
	s17 =	simm.s32 $0x400  }
0x6: {  	s28 =	simm.s32 $0x18400;
	s29 =	simm.s32 $0x1;
	s30 =	simm.s32 $0x8  }
0x7: {  	s19 =	simm.s32 $0x4;
	s21 =	simm.s32 $0x5;
	s31 =	simm.s32 $0x9  }
0x8: {  	s15 =	simm.s32 $0xA;
	s18 =	simm.s32 $0xB;
	s20 =	simm.s32 $0xC  }
0x9: {  	s22 =	simm.s32 $0xE;
	s4 =	sand.u32 $0x1, s4;
	[smem:$0x7FF] =	sst s3  }
0xa: {  	s7 =	sshll.u32 s8, $0x1;
	s23 =	sshll.u32 s8, $0x2;
	s5 =	ssub.s32 $0x2, s4  }
0xb: {  	_ =	strace $0x80000047;
	s4 =	sor.u32 s4, s7;
	s6 =	sshrl.u32 s5, $0x1  }
0xc: {  	s7 =	sshll.u32 s4, $0x9;
	s4 =	sshll.u32 s4, $0xE;
	s5 =	ssub.s32 s5, s6  }
0xd: {  	s6 =	sand.u32 $0x30, s23;
	s7 =	sand.u32 $0xE00, s7;
	s4 =	sadd.s32 s2, s4  }
0xe: {  	s2 =	simm.s32 $0x3;
	s0 =	sadd.s32 s0, s6;
	s24 =	sadd.s32 $0x800, s4  }
0xf: {  	s25 =	sadd.s32 $0x1000, s4;
	s26 =	sadd.s32 $0x1800, s4;
	s9 =	sadd.s32 $0x2000, s4  }
0x10: {  	s10 =	sadd.s32 $0x2800, s4;
	s11 =	sadd.s32 $0x3000, s4;
	s12 =	sadd.s32 $0x3800, s4  }
0x11: {  	s13 =	smax.u32 s5, $0x1;
	s5 =	simm.s32 $0xD;
	[dreg:$0x5] =	wrdreg s24  }
0x12: {  	s6 =	simm.s32 $0x0;
	s0 =	sadd.s32 s7, s0;
	[dreg:$0x6] =	wrdreg s25  }
0x13: {  	[dreg:$0x7] =	wrdreg s26;
	s25 =	simm.s32 $0x14400;
	s24 =	simm.s32 $0x6  }
0x14: {  	s26 =	simm.s32 $0x7;
	[dreg:$0x4] =	wrdreg s0;
	s0 =	simm.s32 $0x2  }
.LBB2_1:
0x15: {  	s7 =	rddreg [dreg:$0x4];
	s8 =	simm.s32 $0x200  }
0x16: {  	[tilespmem:s3], [sflag:$0xF] =	stream.strided.gather [hbm4b:s7+s14], $0x400, s8, s14, $0x38;
	[tilespmem:$0x1C400] =	vst v63  }
0x17: {  	_ =	swait.ge [sflag:s16], $0x400  }
0x18: {  	[sflag:s16] =	ssyncset.done $0x0  }
0x19: {  	[sflag:s16] =	ssyncadd.s32 $0xFFFFFC00  }
0x1a: {  	[tilespmem:s17], [sflag:$0x1] =	stream.indirect.gather [hbm4b:s1+s14], $0x80, s3, s14, $0xb8;
	[tilespmem:$0x1C400] =	vst v63  }
0x1b: {  	s23 =	simm.s32 $0x4400  }
0x1c: {  	[tilespmem:s23], [sflag:$0x2] =	stream.indirect.gather [hbm4b:s1+s14], $0x80, s14, s14, $0xb8;
	[tilespmem:$0x1C400] =	vst v63  }
0x1d: {  	s7 =	simm.s32 $0x100;
	s23 =	simm.s32 $0x8400  }
0x1e: {  	[tilespmem:s23], [sflag:$0x3] =	stream.indirect.gather [hbm4b:s1+s14], $0x80, s7, s14, $0xb8;
	[tilespmem:$0x1C400] =	vst v63  }
0x1f: {  	s7 =	simm.s32 $0x180;
	s23 =	simm.s32 $0xC400  }
0x20: {  	[tilespmem:s23], [sflag:$0x4] =	stream.indirect.gather [hbm4b:s1+s14], $0x80, s7, s14, $0xb8;
	[tilespmem:$0x1C400] =	vst v63  }
0x21: {  	s23 =	simm.s32 $0x10400  }
0x22: {  	[tilespmem:s23], [sflag:$0x5] =	stream.indirect.gather [hbm4b:s1+s14], $0x80, s8, s14, $0xb8;
	[tilespmem:$0x1C400] =	vst v63  }
0x23: {  	s8 =	simm.s32 $0x280  }
0x24: {  	[tilespmem:s25], [sflag:$0x6] =	stream.indirect.gather [hbm4b:s1+s14], $0x80, s8, s14, $0xb8;
	[tilespmem:$0x1C400] =	vst v63  }
0x25: {  	s23 =	simm.s32 $0x300  }
0x26: {  	[tilespmem:s28], [sflag:$0x7] =	stream.indirect.gather [hbm4b:s1+s14], $0x80, s23, s14, $0xb8;
	[tilespmem:$0x1C400] =	vst v63  }
0x27: {  	_ =	swait.ge [sflag:s29], $0x4000  }
0x28: {  	[sflag:s29] =	ssyncset.done $0x0  }
0x29: {  	s23 =	simm.s32 $0x0;
	[sflag:s29] =	ssyncadd.s32 $0xFFFFC000  }
0x2a: {  	v0 =	vld [tilespmem:s23+$0x400]  }
0x2b: {  	v1 =	vld [tilespmem:s23+$0x410]  }
0x2c: {  	v2 =	vld [tilespmem:s23+$0x420]  }
0x2d: {  	v3 =	vld [tilespmem:s23+$0x430]  }
0x2e: {  	v4 =	vld [tilespmem:s23+$0x440]  }
0x2f: {  	v5 =	vld [tilespmem:s23+$0x450];
	v0 =	vmul.f32 $1.131370830e+01, v0  }
0x30: {  	v6 =	vld [tilespmem:s23+$0x460];
	v1 =	vmul.f32 $1.131370830e+01, v1  }
0x31: {  	v7 =	vld [tilespmem:s23+$0x470];
	[tilespmem:s23+$0x400] =	vst v0;
	v0 =	vmul.f32 $1.131370830e+01, v2  }
0x32: {  	v8 =	vld [tilespmem:s23+$0x480];
	[tilespmem:s23+$0x410] =	vst v1;
	v1 =	vmul.f32 $1.131370830e+01, v3  }
0x33: {  	v9 =	vld [tilespmem:s23+$0x490];
	[tilespmem:s23+$0x420] =	vst v0;
	v0 =	vmul.f32 $1.131370830e+01, v4  }
0x34: {  	v2 =	vmul.f32 $1.131370830e+01, v5;
	[tilespmem:s23+$0x430] =	vst v1;
	v1 =	vld [tilespmem:s23+$0x4A0]  }
0x35: {  	v3 =	vmul.f32 $1.131370830e+01, v6;
	[tilespmem:s23+$0x440] =	vst v0;
	v0 =	vld [tilespmem:s23+$0x4B0]  }
0x36: {  	[tilespmem:s23+$0x450] =	vst v2;
	v2 =	vld [tilespmem:s23+$0x4C0];
	v4 =	vmul.f32 $1.131370830e+01, v7  }
0x37: {  	v6 =	vmul.f32 $1.131370830e+01, v8;
	[tilespmem:s23+$0x460] =	vst v3;
	v3 =	vld [tilespmem:s23+$0x4D0]  }
0x38: {  	s7 =	simm.s32 $0x400;
	v5 =	vmul.f32 $1.131370830e+01, v9;
	[tilespmem:s23+$0x470] =	vst v4;
	v4 =	vld [tilespmem:s23+$0x4E0]  }
.LBB2_2:
0x39: {  	s8 =	sshra.s32 s7, $0x2;
	p0 =	sne.s32 s7, $0xFC00;
	[tilespmem:s23+$0x480] =	vst v6;
	v1 =	vmul.f32 $1.131370830e+01, v1;
	v6 =	vld [tilespmem:s23+$0x4F0]  }
0x3a: {  	v7 =	vld [tilespmem:s8+$0x400];
	[tilespmem:s23+$0x490] =	vst v5;
	v0 =	vmul.f32 $1.131370830e+01, v0  }
0x3b: {  	v5 =	vld [tilespmem:s8+$0x410];
	[tilespmem:s23+$0x4A0] =	vst v1;
	v1 =	vmul.f32 $1.131370830e+01, v2  }
0x3c: {  	v2 =	vld [tilespmem:s8+$0x420];
	[tilespmem:s23+$0x4B0] =	vst v0;
	v0 =	vmul.f32 $1.131370830e+01, v3  }
0x3d: {  	v3 =	vld [tilespmem:s8+$0x430];
	[tilespmem:s23+$0x4C0] =	vst v1;
	v1 =	vmul.f32 $1.131370830e+01, v4  }
0x3e: {  	v4 =	vld [tilespmem:s8+$0x440];
	[tilespmem:s23+$0x4D0] =	vst v0;
	v0 =	vmul.f32 $1.131370830e+01, v6  }
0x3f: {  	v6 =	vmul.f32 $1.131370830e+01, v7;
	v7 =	vld [tilespmem:s8+$0x450];
	[tilespmem:s23+$0x4E0] =	vst v1  }
0x40: {  	v1 =	vmul.f32 $1.131370830e+01, v5;
	v5 =	vld [tilespmem:s8+$0x460];
	[tilespmem:s23+$0x4F0] =	vst v0;
	s23 =	smov.u32 s8  }
0x41: {  	[tilespmem:s23+$0x400] =	vst v6;
	v0 =	vmul.f32 $1.131370830e+01, v2;
	v2 =	vld [tilespmem:s23+$0x470]  }
0x42: {  	[tilespmem:s23+$0x410] =	vst v1;
	v1 =	vmul.f32 $1.131370830e+01, v3;
	v3 =	vld [tilespmem:s23+$0x480]  }
0x43: {  	[tilespmem:s23+$0x420] =	vst v0;
	v0 =	vmul.f32 $1.131370830e+01, v4;
	v4 =	vld [tilespmem:s23+$0x490]  }
.Ltmp0:
0x44: {  	[tilespmem:s23+$0x430] =	vst v1;
	v6 =	vmul.f32 $1.131370830e+01, v7;
	v1 =	vld [tilespmem:s23+$0x4A0];
	(pc) =	sbr.rel @p0 .LBB2_2-.Ltmp0, $4  }
0x45: {  	[tilespmem:s23+$0x440] =	vst v0;
	v5 =	vmul.f32 $1.131370830e+01, v5;
	v0 =	vld [tilespmem:s23+$0x4B0]  }
0x46: {  	[tilespmem:s23+$0x450] =	vst v6;
	v7 =	vmul.f32 $1.131370830e+01, v2;
	v2 =	vld [tilespmem:s23+$0x4C0]  }
0x47: {  	[tilespmem:s23+$0x460] =	vst v5;
	v6 =	vmul.f32 $1.131370830e+01, v3;
	v3 =	vld [tilespmem:s23+$0x4D0]  }
0x48: {  	s7 =	sadd.s32 $0x400, s7;
	[tilespmem:s23+$0x470] =	vst v7;
	v5 =	vmul.f32 $1.131370830e+01, v4;
	v4 =	vld [tilespmem:s23+$0x4E0]  }
0x49: {  	[tilespmem:s23+$0x480] =	vst v6;
	v1 =	vmul.f32 $1.131370830e+01, v1;
	v6 =	vld [tilespmem:s23+$0x4F0]  }
0x4a: {  	[tilespmem:s23+$0x490] =	vst v5;
	v0 =	vmul.f32 $1.131370830e+01, v0  }
0x4b: {  	[tilespmem:s23+$0x4A0] =	vst v1;
	v1 =	vmul.f32 $1.131370830e+01, v2  }
0x4c: {  	[tilespmem:s23+$0x4B0] =	vst v0;
	v0 =	vmul.f32 $1.131370830e+01, v3  }
0x4d: {  	[tilespmem:s23+$0x4C0] =	vst v1;
	v1 =	vmul.f32 $1.131370830e+01, v4  }
0x4e: {  	[tilespmem:s23+$0x4D0] =	vst v0;
	v0 =	vmul.f32 $1.131370830e+01, v6  }
0x4f: {  	[tilespmem:s23+$0x4E0] =	vst v1  }
0x50: {  	s7 =	simm.s32 $0x0;
	[tilespmem:s23+$0x4F0] =	vst v0  }
0x51: {  	[hbm4b:s4+s7] =	stream.linear.scatter [tilespmem:s17], [sflag:$0x8], $0x4000, $0x38;
	[tilespmem:$0x1C400] =	vst v63  }
0x52: {  	_ =	swait.ge [sflag:s30], $0x4000  }
0x53: {  	[sflag:s30] =	ssyncset.done $0x0  }
0x54: {  	s23 =	simm.s32 $0x380;
	[sflag:s30] =	ssyncadd.s32 $0xFFFFC000  }
0x55: {  	[tilespmem:s17], [sflag:$0x1] =	stream.indirect.gather [hbm4b:s1+s14], $0x80, s23, s14, $0xb8;
	[tilespmem:$0x1C400] =	vst v63  }
0x56: {  	_ =	swait.ge [sflag:s0], $0x4000  }
0x57: {  	[sflag:s0] =	ssyncset.done $0x0  }
0x58: {  	s23 =	simm.s32 $0x0;
	[sflag:s0] =	ssyncadd.s32 $0xFFFFC000  }
0x59: {  	v0 =	vld [tilespmem:s23+$0x4400]  }
0x5a: {  	v1 =	vld [tilespmem:s23+$0x4410]  }
0x5b: {  	v2 =	vld [tilespmem:s23+$0x4420]  }
0x5c: {  	v3 =	vld [tilespmem:s23+$0x4430]  }
0x5d: {  	v4 =	vld [tilespmem:s23+$0x4440]  }
0x5e: {  	v5 =	vld [tilespmem:s23+$0x4450];
	v0 =	vmul.f32 $1.131370830e+01, v0  }
0x5f: {  	v6 =	vld [tilespmem:s23+$0x4460];
	v1 =	vmul.f32 $1.131370830e+01, v1  }
0x60: {  	v7 =	vld [tilespmem:s23+$0x4470];
	[tilespmem:s23+$0x4400] =	vst v0;
	v0 =	vmul.f32 $1.131370830e+01, v2  }
0x61: {  	v8 =	vld [tilespmem:s23+$0x4480];
	[tilespmem:s23+$0x4410] =	vst v1;
	v1 =	vmul.f32 $1.131370830e+01, v3  }
0x62: {  	v9 =	vld [tilespmem:s23+$0x4490];
	[tilespmem:s23+$0x4420] =	vst v0;
	v0 =	vmul.f32 $1.131370830e+01, v4  }
0x63: {  	v2 =	vmul.f32 $1.131370830e+01, v5;
	[tilespmem:s23+$0x4430] =	vst v1;
	v1 =	vld [tilespmem:s23+$0x44A0]  }
0x64: {  	v3 =	vmul.f32 $1.131370830e+01, v6;
	[tilespmem:s23+$0x4440] =	vst v0;
	v0 =	vld [tilespmem:s23+$0x44B0]  }
0x65: {  	[tilespmem:s23+$0x4450] =	vst v2;
	v2 =	vld [tilespmem:s23+$0x44C0];
	v4 =	vmul.f32 $1.131370830e+01, v7  }
0x66: {  	v6 =	vmul.f32 $1.131370830e+01, v8;
	[tilespmem:s23+$0x4460] =	vst v3;
	v3 =	vld [tilespmem:s23+$0x44D0]  }
0x67: {  	s7 =	simm.s32 $0x400;
	v5 =	vmul.f32 $1.131370830e+01, v9;
	[tilespmem:s23+$0x4470] =	vst v4;
	v4 =	vld [tilespmem:s23+$0x44E0]  }
.LBB2_4:
0x68: {  	s8 =	sshra.s32 s7, $0x2;
	p0 =	sne.s32 s7, $0xFC00;
	[tilespmem:s23+$0x4480] =	vst v6;
	v1 =	vmul.f32 $1.131370830e+01, v1;
	v6 =	vld [tilespmem:s23+$0x44F0]  }
0x69: {  	v7 =	vld [tilespmem:s8+$0x4400];
	[tilespmem:s23+$0x4490] =	vst v5;
	v0 =	vmul.f32 $1.131370830e+01, v0  }
0x6a: {  	v5 =	vld [tilespmem:s8+$0x4410];
	[tilespmem:s23+$0x44A0] =	vst v1;
	v1 =	vmul.f32 $1.131370830e+01, v2  }
0x6b: {  	v2 =	vld [tilespmem:s8+$0x4420];
	[tilespmem:s23+$0x44B0] =	vst v0;
	v0 =	vmul.f32 $1.131370830e+01, v3  }
0x6c: {  	v3 =	vld [tilespmem:s8+$0x4430];
	[tilespmem:s23+$0x44C0] =	vst v1;
	v1 =	vmul.f32 $1.131370830e+01, v4  }
0x6d: {  	v4 =	vld [tilespmem:s8+$0x4440];
	[tilespmem:s23+$0x44D0] =	vst v0;
	v0 =	vmul.f32 $1.131370830e+01, v6  }
0x6e: {  	v6 =	vmul.f32 $1.131370830e+01, v7;
	v7 =	vld [tilespmem:s8+$0x4450];
	[tilespmem:s23+$0x44E0] =	vst v1  }
0x6f: {  	v1 =	vmul.f32 $1.131370830e+01, v5;
	v5 =	vld [tilespmem:s8+$0x4460];
	[tilespmem:s23+$0x44F0] =	vst v0;
	s23 =	smov.u32 s8  }
0x70: {  	[tilespmem:s23+$0x4400] =	vst v6;
	v0 =	vmul.f32 $1.131370830e+01, v2;
	v2 =	vld [tilespmem:s23+$0x4470]  }
0x71: {  	[tilespmem:s23+$0x4410] =	vst v1;
	v1 =	vmul.f32 $1.131370830e+01, v3;
	v3 =	vld [tilespmem:s23+$0x4480]  }
0x72: {  	[tilespmem:s23+$0x4420] =	vst v0;
	v0 =	vmul.f32 $1.131370830e+01, v4;
	v4 =	vld [tilespmem:s23+$0x4490]  }
.Ltmp1:
0x73: {  	[tilespmem:s23+$0x4430] =	vst v1;
	v6 =	vmul.f32 $1.131370830e+01, v7;
	v1 =	vld [tilespmem:s23+$0x44A0];
	(pc) =	sbr.rel @p0 .LBB2_4-.Ltmp1, $4  }
0x74: {  	[tilespmem:s23+$0x4440] =	vst v0;
	v5 =	vmul.f32 $1.131370830e+01, v5;
	v0 =	vld [tilespmem:s23+$0x44B0]  }
0x75: {  	[tilespmem:s23+$0x4450] =	vst v6;
	v7 =	vmul.f32 $1.131370830e+01, v2;
	v2 =	vld [tilespmem:s23+$0x44C0]  }
0x76: {  	[tilespmem:s23+$0x4460] =	vst v5;
	v6 =	vmul.f32 $1.131370830e+01, v3;
	v3 =	vld [tilespmem:s23+$0x44D0]  }
0x77: {  	s7 =	sadd.s32 $0x400, s7;
	[tilespmem:s23+$0x4470] =	vst v7;
	v5 =	vmul.f32 $1.131370830e+01, v4;
	v4 =	vld [tilespmem:s23+$0x44E0]  }
0x78: {  	[tilespmem:s23+$0x4480] =	vst v6;
	v1 =	vmul.f32 $1.131370830e+01, v1;
	v6 =	vld [tilespmem:s23+$0x44F0]  }
0x79: {  	[tilespmem:s23+$0x4490] =	vst v5;
	v0 =	vmul.f32 $1.131370830e+01, v0  }
0x7a: {  	[tilespmem:s23+$0x44A0] =	vst v1;
	v1 =	vmul.f32 $1.131370830e+01, v2  }
0x7b: {  	[tilespmem:s23+$0x44B0] =	vst v0;
	v0 =	vmul.f32 $1.131370830e+01, v3  }
0x7c: {  	[tilespmem:s23+$0x44C0] =	vst v1;
	v1 =	vmul.f32 $1.131370830e+01, v4  }
0x7d: {  	[tilespmem:s23+$0x44D0] =	vst v0;
	v0 =	vmul.f32 $1.131370830e+01, v6  }
0x7e: {  	[tilespmem:s23+$0x44E0] =	vst v1  }
0x7f: {  	s7 =	simm.s32 $0x0;
	s8 =	rddreg [dreg:$0x5];
	[tilespmem:s23+$0x44F0] =	vst v0;
	s23 =	simm.s32 $0x4400  }
0x80: {  	[hbm4b:s8+s7] =	stream.linear.scatter [tilespmem:s23], [sflag:$0x9], $0x4000, $0x38;
	[tilespmem:$0x1C400] =	vst v63  }
0x81: {  	_ =	swait.ge [sflag:s2], $0x4000  }
0x82: {  	[sflag:s2] =	ssyncset.done $0x0  }
0x83: {  	s23 =	simm.s32 $0x0;
	[sflag:s2] =	ssyncadd.s32 $0xFFFFC000  }
0x84: {  	v0 =	vld [tilespmem:s23+$0x8400]  }
0x85: {  	v1 =	vld [tilespmem:s23+$0x8410]  }
0x86: {  	v2 =	vld [tilespmem:s23+$0x8420]  }
0x87: {  	v3 =	vld [tilespmem:s23+$0x8430]  }
0x88: {  	v4 =	vld [tilespmem:s23+$0x8440]  }
0x89: {  	v5 =	vld [tilespmem:s23+$0x8450];
	v0 =	vmul.f32 $1.131370830e+01, v0  }
0x8a: {  	v6 =	vld [tilespmem:s23+$0x8460];
	v1 =	vmul.f32 $1.131370830e+01, v1  }
0x8b: {  	v7 =	vld [tilespmem:s23+$0x8470];
	[tilespmem:s23+$0x8400] =	vst v0;
	v0 =	vmul.f32 $1.131370830e+01, v2  }
0x8c: {  	v8 =	vld [tilespmem:s23+$0x8480];
	[tilespmem:s23+$0x8410] =	vst v1;
	v1 =	vmul.f32 $1.131370830e+01, v3  }
0x8d: {  	v9 =	vld [tilespmem:s23+$0x8490];
	[tilespmem:s23+$0x8420] =	vst v0;
	v0 =	vmul.f32 $1.131370830e+01, v4  }
0x8e: {  	v2 =	vmul.f32 $1.131370830e+01, v5;
	[tilespmem:s23+$0x8430] =	vst v1;
	v1 =	vld [tilespmem:s23+$0x84A0]  }
0x8f: {  	v3 =	vmul.f32 $1.131370830e+01, v6;
	[tilespmem:s23+$0x8440] =	vst v0;
	v0 =	vld [tilespmem:s23+$0x84B0]  }
0x90: {  	[tilespmem:s23+$0x8450] =	vst v2;
	v2 =	vld [tilespmem:s23+$0x84C0];
	v4 =	vmul.f32 $1.131370830e+01, v7  }
0x91: {  	v6 =	vmul.f32 $1.131370830e+01, v8;
	[tilespmem:s23+$0x8460] =	vst v3;
	v3 =	vld [tilespmem:s23+$0x84D0]  }
0x92: {  	s7 =	simm.s32 $0x400;
	v5 =	vmul.f32 $1.131370830e+01, v9;
	[tilespmem:s23+$0x8470] =	vst v4;
	v4 =	vld [tilespmem:s23+$0x84E0]  }
.LBB2_6:
0x93: {  	s8 =	sshra.s32 s7, $0x2;
	p0 =	sne.s32 s7, $0xFC00;
	[tilespmem:s23+$0x8480] =	vst v6;
	v1 =	vmul.f32 $1.131370830e+01, v1;
	v6 =	vld [tilespmem:s23+$0x84F0]  }
0x94: {  	v7 =	vld [tilespmem:s8+$0x8400];
	[tilespmem:s23+$0x8490] =	vst v5;
	v0 =	vmul.f32 $1.131370830e+01, v0  }
0x95: {  	v5 =	vld [tilespmem:s8+$0x8410];
	[tilespmem:s23+$0x84A0] =	vst v1;
	v1 =	vmul.f32 $1.131370830e+01, v2  }
0x96: {  	v2 =	vld [tilespmem:s8+$0x8420];
	[tilespmem:s23+$0x84B0] =	vst v0;
	v0 =	vmul.f32 $1.131370830e+01, v3  }
0x97: {  	v3 =	vld [tilespmem:s8+$0x8430];
	[tilespmem:s23+$0x84C0] =	vst v1;
	v1 =	vmul.f32 $1.131370830e+01, v4  }
0x98: {  	v4 =	vld [tilespmem:s8+$0x8440];
	[tilespmem:s23+$0x84D0] =	vst v0;
	v0 =	vmul.f32 $1.131370830e+01, v6  }
0x99: {  	v6 =	vmul.f32 $1.131370830e+01, v7;
	v7 =	vld [tilespmem:s8+$0x8450];
	[tilespmem:s23+$0x84E0] =	vst v1  }
0x9a: {  	v1 =	vmul.f32 $1.131370830e+01, v5;
	v5 =	vld [tilespmem:s8+$0x8460];
	[tilespmem:s23+$0x84F0] =	vst v0;
	s23 =	smov.u32 s8  }
0x9b: {  	[tilespmem:s23+$0x8400] =	vst v6;
	v0 =	vmul.f32 $1.131370830e+01, v2;
	v2 =	vld [tilespmem:s23+$0x8470]  }
0x9c: {  	[tilespmem:s23+$0x8410] =	vst v1;
	v1 =	vmul.f32 $1.131370830e+01, v3;
	v3 =	vld [tilespmem:s23+$0x8480]  }
0x9d: {  	[tilespmem:s23+$0x8420] =	vst v0;
	v0 =	vmul.f32 $1.131370830e+01, v4;
	v4 =	vld [tilespmem:s23+$0x8490]  }
.Ltmp2:
0x9e: {  	[tilespmem:s23+$0x8430] =	vst v1;
	v6 =	vmul.f32 $1.131370830e+01, v7;
	v1 =	vld [tilespmem:s23+$0x84A0];
	(pc) =	sbr.rel @p0 .LBB2_6-.Ltmp2, $4  }
0x9f: {  	[tilespmem:s23+$0x8440] =	vst v0;
	v5 =	vmul.f32 $1.131370830e+01, v5;
	v0 =	vld [tilespmem:s23+$0x84B0]  }
0xa0: {  	[tilespmem:s23+$0x8450] =	vst v6;
	v7 =	vmul.f32 $1.131370830e+01, v2;
	v2 =	vld [tilespmem:s23+$0x84C0]  }
0xa1: {  	[tilespmem:s23+$0x8460] =	vst v5;
	v6 =	vmul.f32 $1.131370830e+01, v3;
	v3 =	vld [tilespmem:s23+$0x84D0]  }
0xa2: {  	s7 =	sadd.s32 $0x400, s7;
	[tilespmem:s23+$0x8470] =	vst v7;
	v5 =	vmul.f32 $1.131370830e+01, v4;
	v4 =	vld [tilespmem:s23+$0x84E0]  }
0xa3: {  	[tilespmem:s23+$0x8480] =	vst v6;
	v1 =	vmul.f32 $1.131370830e+01, v1;
	v6 =	vld [tilespmem:s23+$0x84F0]  }
0xa4: {  	[tilespmem:s23+$0x8490] =	vst v5;
	v0 =	vmul.f32 $1.131370830e+01, v0  }
0xa5: {  	[tilespmem:s23+$0x84A0] =	vst v1;
	v1 =	vmul.f32 $1.131370830e+01, v2  }
0xa6: {  	[tilespmem:s23+$0x84B0] =	vst v0;
	v0 =	vmul.f32 $1.131370830e+01, v3  }
0xa7: {  	[tilespmem:s23+$0x84C0] =	vst v1;
	v1 =	vmul.f32 $1.131370830e+01, v4  }
0xa8: {  	[tilespmem:s23+$0x84D0] =	vst v0;
	v0 =	vmul.f32 $1.131370830e+01, v6  }
0xa9: {  	[tilespmem:s23+$0x84E0] =	vst v1  }
0xaa: {  	s7 =	simm.s32 $0x0;
	s8 =	rddreg [dreg:$0x6];
	[tilespmem:s23+$0x84F0] =	vst v0;
	s23 =	simm.s32 $0x8400  }
0xab: {  	[hbm4b:s8+s7] =	stream.linear.scatter [tilespmem:s23], [sflag:$0xA], $0x4000, $0x38;
	[tilespmem:$0x1C400] =	vst v63  }
0xac: {  	_ =	swait.ge [sflag:s19], $0x4000  }
0xad: {  	[sflag:s19] =	ssyncset.done $0x0  }
0xae: {  	s23 =	simm.s32 $0x0;
	[sflag:s19] =	ssyncadd.s32 $0xFFFFC000  }
0xaf: {  	v0 =	vld [tilespmem:s23+$0xC400]  }
0xb0: {  	v1 =	vld [tilespmem:s23+$0xC410]  }
0xb1: {  	v2 =	vld [tilespmem:s23+$0xC420]  }
0xb2: {  	v3 =	vld [tilespmem:s23+$0xC430]  }
0xb3: {  	v4 =	vld [tilespmem:s23+$0xC440]  }
0xb4: {  	v5 =	vld [tilespmem:s23+$0xC450];
	v0 =	vmul.f32 $1.131370830e+01, v0  }
0xb5: {  	v6 =	vld [tilespmem:s23+$0xC460];
	v1 =	vmul.f32 $1.131370830e+01, v1  }
0xb6: {  	v7 =	vld [tilespmem:s23+$0xC470];
	[tilespmem:s23+$0xC400] =	vst v0;
	v0 =	vmul.f32 $1.131370830e+01, v2  }
0xb7: {  	v8 =	vld [tilespmem:s23+$0xC480];
	[tilespmem:s23+$0xC410] =	vst v1;
	v1 =	vmul.f32 $1.131370830e+01, v3  }
0xb8: {  	v9 =	vld [tilespmem:s23+$0xC490];
	[tilespmem:s23+$0xC420] =	vst v0;
	v0 =	vmul.f32 $1.131370830e+01, v4  }
0xb9: {  	v2 =	vmul.f32 $1.131370830e+01, v5;
	[tilespmem:s23+$0xC430] =	vst v1;
	v1 =	vld [tilespmem:s23+$0xC4A0]  }
0xba: {  	v3 =	vmul.f32 $1.131370830e+01, v6;
	[tilespmem:s23+$0xC440] =	vst v0;
	v0 =	vld [tilespmem:s23+$0xC4B0]  }
0xbb: {  	[tilespmem:s23+$0xC450] =	vst v2;
	v2 =	vld [tilespmem:s23+$0xC4C0];
	v4 =	vmul.f32 $1.131370830e+01, v7  }
0xbc: {  	v6 =	vmul.f32 $1.131370830e+01, v8;
	[tilespmem:s23+$0xC460] =	vst v3;
	v3 =	vld [tilespmem:s23+$0xC4D0]  }
0xbd: {  	s7 =	simm.s32 $0x400;
	v5 =	vmul.f32 $1.131370830e+01, v9;
	[tilespmem:s23+$0xC470] =	vst v4;
	v4 =	vld [tilespmem:s23+$0xC4E0]  }
.LBB2_8:
0xbe: {  	s8 =	sshra.s32 s7, $0x2;
	p0 =	sne.s32 s7, $0xFC00;
	[tilespmem:s23+$0xC480] =	vst v6;
	v1 =	vmul.f32 $1.131370830e+01, v1;
	v6 =	vld [tilespmem:s23+$0xC4F0]  }
0xbf: {  	v7 =	vld [tilespmem:s8+$0xC400];
	[tilespmem:s23+$0xC490] =	vst v5;
	v0 =	vmul.f32 $1.131370830e+01, v0  }
0xc0: {  	v5 =	vld [tilespmem:s8+$0xC410];
	[tilespmem:s23+$0xC4A0] =	vst v1;
	v1 =	vmul.f32 $1.131370830e+01, v2  }
0xc1: {  	v2 =	vld [tilespmem:s8+$0xC420];
	[tilespmem:s23+$0xC4B0] =	vst v0;
	v0 =	vmul.f32 $1.131370830e+01, v3  }
0xc2: {  	v3 =	vld [tilespmem:s8+$0xC430];
	[tilespmem:s23+$0xC4C0] =	vst v1;
	v1 =	vmul.f32 $1.131370830e+01, v4  }
0xc3: {  	v4 =	vld [tilespmem:s8+$0xC440];
	[tilespmem:s23+$0xC4D0] =	vst v0;
	v0 =	vmul.f32 $1.131370830e+01, v6  }
0xc4: {  	v6 =	vmul.f32 $1.131370830e+01, v7;
	v7 =	vld [tilespmem:s8+$0xC450];
	[tilespmem:s23+$0xC4E0] =	vst v1  }
0xc5: {  	v1 =	vmul.f32 $1.131370830e+01, v5;
	v5 =	vld [tilespmem:s8+$0xC460];
	[tilespmem:s23+$0xC4F0] =	vst v0;
	s23 =	smov.u32 s8  }
0xc6: {  	[tilespmem:s23+$0xC400] =	vst v6;
	v0 =	vmul.f32 $1.131370830e+01, v2;
	v2 =	vld [tilespmem:s23+$0xC470]  }
0xc7: {  	[tilespmem:s23+$0xC410] =	vst v1;
	v1 =	vmul.f32 $1.131370830e+01, v3;
	v3 =	vld [tilespmem:s23+$0xC480]  }
0xc8: {  	[tilespmem:s23+$0xC420] =	vst v0;
	v0 =	vmul.f32 $1.131370830e+01, v4;
	v4 =	vld [tilespmem:s23+$0xC490]  }
.Ltmp3:
0xc9: {  	[tilespmem:s23+$0xC430] =	vst v1;
	v6 =	vmul.f32 $1.131370830e+01, v7;
	v1 =	vld [tilespmem:s23+$0xC4A0];
	(pc) =	sbr.rel @p0 .LBB2_8-.Ltmp3, $4  }
0xca: {  	[tilespmem:s23+$0xC440] =	vst v0;
	v5 =	vmul.f32 $1.131370830e+01, v5;
	v0 =	vld [tilespmem:s23+$0xC4B0]  }
0xcb: {  	[tilespmem:s23+$0xC450] =	vst v6;
	v7 =	vmul.f32 $1.131370830e+01, v2;
	v2 =	vld [tilespmem:s23+$0xC4C0]  }
0xcc: {  	[tilespmem:s23+$0xC460] =	vst v5;
	v6 =	vmul.f32 $1.131370830e+01, v3;
	v3 =	vld [tilespmem:s23+$0xC4D0]  }
0xcd: {  	s7 =	sadd.s32 $0x400, s7;
	[tilespmem:s23+$0xC470] =	vst v7;
	v5 =	vmul.f32 $1.131370830e+01, v4;
	v4 =	vld [tilespmem:s23+$0xC4E0]  }
0xce: {  	[tilespmem:s23+$0xC480] =	vst v6;
	v1 =	vmul.f32 $1.131370830e+01, v1;
	v6 =	vld [tilespmem:s23+$0xC4F0]  }
0xcf: {  	[tilespmem:s23+$0xC490] =	vst v5;
	v0 =	vmul.f32 $1.131370830e+01, v0  }
0xd0: {  	[tilespmem:s23+$0xC4A0] =	vst v1;
	v1 =	vmul.f32 $1.131370830e+01, v2  }
0xd1: {  	[tilespmem:s23+$0xC4B0] =	vst v0;
	v0 =	vmul.f32 $1.131370830e+01, v3  }
0xd2: {  	[tilespmem:s23+$0xC4C0] =	vst v1;
	v1 =	vmul.f32 $1.131370830e+01, v4  }
0xd3: {  	[tilespmem:s23+$0xC4D0] =	vst v0;
	v0 =	vmul.f32 $1.131370830e+01, v6  }
0xd4: {  	[tilespmem:s23+$0xC4E0] =	vst v1  }
0xd5: {  	s7 =	simm.s32 $0x0;
	s8 =	rddreg [dreg:$0x7];
	[tilespmem:s23+$0xC4F0] =	vst v0;
	s23 =	simm.s32 $0xC400  }
0xd6: {  	[hbm4b:s8+s7] =	stream.linear.scatter [tilespmem:s23], [sflag:$0xB], $0x4000, $0x38;
	[tilespmem:$0x1C400] =	vst v63  }
0xd7: {  	_ =	swait.ge [sflag:s21], $0x4000  }
0xd8: {  	[sflag:s21] =	ssyncset.done $0x0  }
0xd9: {  	s23 =	simm.s32 $0x0;
	[sflag:s21] =	ssyncadd.s32 $0xFFFFC000  }
0xda: {  	v0 =	vld [tilespmem:s23+$0x10400]  }
0xdb: {  	v1 =	vld [tilespmem:s23+$0x10410]  }
0xdc: {  	v2 =	vld [tilespmem:s23+$0x10420]  }
0xdd: {  	v3 =	vld [tilespmem:s23+$0x10430]  }
0xde: {  	v4 =	vld [tilespmem:s23+$0x10440]  }
0xdf: {  	v5 =	vld [tilespmem:s23+$0x10450];
	v0 =	vmul.f32 $1.131370830e+01, v0  }
0xe0: {  	v6 =	vld [tilespmem:s23+$0x10460];
	v1 =	vmul.f32 $1.131370830e+01, v1  }
0xe1: {  	v7 =	vld [tilespmem:s23+$0x10470];
	[tilespmem:s23+$0x10400] =	vst v0;
	v0 =	vmul.f32 $1.131370830e+01, v2  }
0xe2: {  	v8 =	vld [tilespmem:s23+$0x10480];
	[tilespmem:s23+$0x10410] =	vst v1;
	v1 =	vmul.f32 $1.131370830e+01, v3  }
0xe3: {  	v9 =	vld [tilespmem:s23+$0x10490];
	[tilespmem:s23+$0x10420] =	vst v0;
	v0 =	vmul.f32 $1.131370830e+01, v4  }
0xe4: {  	v2 =	vmul.f32 $1.131370830e+01, v5;
	[tilespmem:s23+$0x10430] =	vst v1;
	v1 =	vld [tilespmem:s23+$0x104A0]  }
0xe5: {  	v3 =	vmul.f32 $1.131370830e+01, v6;
	[tilespmem:s23+$0x10440] =	vst v0;
	v0 =	vld [tilespmem:s23+$0x104B0]  }
0xe6: {  	[tilespmem:s23+$0x10450] =	vst v2;
	v2 =	vld [tilespmem:s23+$0x104C0];
	v4 =	vmul.f32 $1.131370830e+01, v7  }
0xe7: {  	v6 =	vmul.f32 $1.131370830e+01, v8;
	[tilespmem:s23+$0x10460] =	vst v3;
	v3 =	vld [tilespmem:s23+$0x104D0]  }
0xe8: {  	s7 =	simm.s32 $0x400;
	v5 =	vmul.f32 $1.131370830e+01, v9;
	[tilespmem:s23+$0x10470] =	vst v4;
	v4 =	vld [tilespmem:s23+$0x104E0]  }
.LBB2_10:
0xe9: {  	s8 =	sshra.s32 s7, $0x2;
	p0 =	sne.s32 s7, $0xFC00;
	[tilespmem:s23+$0x10480] =	vst v6;
	v1 =	vmul.f32 $1.131370830e+01, v1;
	v6 =	vld [tilespmem:s23+$0x104F0]  }
0xea: {  	v7 =	vld [tilespmem:s8+$0x10400];
	[tilespmem:s23+$0x10490] =	vst v5;
	v0 =	vmul.f32 $1.131370830e+01, v0  }
0xeb: {  	v5 =	vld [tilespmem:s8+$0x10410];
	[tilespmem:s23+$0x104A0] =	vst v1;
	v1 =	vmul.f32 $1.131370830e+01, v2  }
0xec: {  	v2 =	vld [tilespmem:s8+$0x10420];
	[tilespmem:s23+$0x104B0] =	vst v0;
	v0 =	vmul.f32 $1.131370830e+01, v3  }
0xed: {  	v3 =	vld [tilespmem:s8+$0x10430];
	[tilespmem:s23+$0x104C0] =	vst v1;
	v1 =	vmul.f32 $1.131370830e+01, v4  }
0xee: {  	v4 =	vld [tilespmem:s8+$0x10440];
	[tilespmem:s23+$0x104D0] =	vst v0;
	v0 =	vmul.f32 $1.131370830e+01, v6  }
0xef: {  	v6 =	vmul.f32 $1.131370830e+01, v7;
	v7 =	vld [tilespmem:s8+$0x10450];
	[tilespmem:s23+$0x104E0] =	vst v1  }
0xf0: {  	v1 =	vmul.f32 $1.131370830e+01, v5;
	v5 =	vld [tilespmem:s8+$0x10460];
	[tilespmem:s23+$0x104F0] =	vst v0;
	s23 =	smov.u32 s8  }
0xf1: {  	[tilespmem:s23+$0x10400] =	vst v6;
	v0 =	vmul.f32 $1.131370830e+01, v2;
	v2 =	vld [tilespmem:s23+$0x10470]  }
0xf2: {  	[tilespmem:s23+$0x10410] =	vst v1;
	v1 =	vmul.f32 $1.131370830e+01, v3;
	v3 =	vld [tilespmem:s23+$0x10480]  }
0xf3: {  	[tilespmem:s23+$0x10420] =	vst v0;
	v0 =	vmul.f32 $1.131370830e+01, v4;
	v4 =	vld [tilespmem:s23+$0x10490]  }
.Ltmp4:
0xf4: {  	[tilespmem:s23+$0x10430] =	vst v1;
	v6 =	vmul.f32 $1.131370830e+01, v7;
	v1 =	vld [tilespmem:s23+$0x104A0];
	(pc) =	sbr.rel @p0 .LBB2_10-.Ltmp4, $4  }
0xf5: {  	[tilespmem:s23+$0x10440] =	vst v0;
	v5 =	vmul.f32 $1.131370830e+01, v5;
	v0 =	vld [tilespmem:s23+$0x104B0]  }
0xf6: {  	[tilespmem:s23+$0x10450] =	vst v6;
	v7 =	vmul.f32 $1.131370830e+01, v2;
	v2 =	vld [tilespmem:s23+$0x104C0]  }
0xf7: {  	[tilespmem:s23+$0x10460] =	vst v5;
	v6 =	vmul.f32 $1.131370830e+01, v3;
	v3 =	vld [tilespmem:s23+$0x104D0]  }
0xf8: {  	s7 =	sadd.s32 $0x400, s7;
	[tilespmem:s23+$0x10470] =	vst v7;
	v5 =	vmul.f32 $1.131370830e+01, v4;
	v4 =	vld [tilespmem:s23+$0x104E0]  }
0xf9: {  	[tilespmem:s23+$0x10480] =	vst v6;
	v1 =	vmul.f32 $1.131370830e+01, v1;
	v6 =	vld [tilespmem:s23+$0x104F0]  }
0xfa: {  	[tilespmem:s23+$0x10490] =	vst v5;
	v0 =	vmul.f32 $1.131370830e+01, v0  }
0xfb: {  	[tilespmem:s23+$0x104A0] =	vst v1;
	v1 =	vmul.f32 $1.131370830e+01, v2  }
0xfc: {  	[tilespmem:s23+$0x104B0] =	vst v0;
	v0 =	vmul.f32 $1.131370830e+01, v3  }
0xfd: {  	[tilespmem:s23+$0x104C0] =	vst v1;
	v1 =	vmul.f32 $1.131370830e+01, v4  }
0xfe: {  	[tilespmem:s23+$0x104D0] =	vst v0;
	v0 =	vmul.f32 $1.131370830e+01, v6  }
0xff: {  	[tilespmem:s23+$0x104E0] =	vst v1  }
0x100: {  	s7 =	simm.s32 $0x0;
	s8 =	simm.s32 $0x10400;
	[tilespmem:s23+$0x104F0] =	vst v0  }
0x101: {  	[hbm4b:s9+s7] =	stream.linear.scatter [tilespmem:s8], [sflag:$0xC], $0x4000, $0x38;
	[tilespmem:$0x1C400] =	vst v63  }
0x102: {  	_ =	swait.ge [sflag:s24], $0x4000  }
0x103: {  	[sflag:s24] =	ssyncset.done $0x0  }
0x104: {  	s23 =	simm.s32 $0x0;
	[sflag:s24] =	ssyncadd.s32 $0xFFFFC000  }
0x105: {  	v0 =	vld [tilespmem:s23+$0x14400]  }
0x106: {  	v1 =	vld [tilespmem:s23+$0x14410]  }
0x107: {  	v2 =	vld [tilespmem:s23+$0x14420]  }
0x108: {  	v3 =	vld [tilespmem:s23+$0x14430]  }
0x109: {  	v4 =	vld [tilespmem:s23+$0x14440]  }
0x10a: {  	v5 =	vld [tilespmem:s23+$0x14450];
	v0 =	vmul.f32 $1.131370830e+01, v0  }
0x10b: {  	v6 =	vld [tilespmem:s23+$0x14460];
	v1 =	vmul.f32 $1.131370830e+01, v1  }
0x10c: {  	v7 =	vld [tilespmem:s23+$0x14470];
	[tilespmem:s23+$0x14400] =	vst v0;
	v0 =	vmul.f32 $1.131370830e+01, v2  }
0x10d: {  	v8 =	vld [tilespmem:s23+$0x14480];
	[tilespmem:s23+$0x14410] =	vst v1;
	v1 =	vmul.f32 $1.131370830e+01, v3  }
0x10e: {  	v9 =	vld [tilespmem:s23+$0x14490];
	[tilespmem:s23+$0x14420] =	vst v0;
	v0 =	vmul.f32 $1.131370830e+01, v4  }
0x10f: {  	v2 =	vmul.f32 $1.131370830e+01, v5;
	[tilespmem:s23+$0x14430] =	vst v1;
	v1 =	vld [tilespmem:s23+$0x144A0]  }
0x110: {  	v3 =	vmul.f32 $1.131370830e+01, v6;
	[tilespmem:s23+$0x14440] =	vst v0;
	v0 =	vld [tilespmem:s23+$0x144B0]  }
0x111: {  	[tilespmem:s23+$0x14450] =	vst v2;
	v2 =	vld [tilespmem:s23+$0x144C0];
	v4 =	vmul.f32 $1.131370830e+01, v7  }
0x112: {  	v6 =	vmul.f32 $1.131370830e+01, v8;
	[tilespmem:s23+$0x14460] =	vst v3;
	v3 =	vld [tilespmem:s23+$0x144D0]  }
0x113: {  	s7 =	simm.s32 $0x400;
	v5 =	vmul.f32 $1.131370830e+01, v9;
	[tilespmem:s23+$0x14470] =	vst v4;
	v4 =	vld [tilespmem:s23+$0x144E0]  }
.LBB2_12:
0x114: {  	s8 =	sshra.s32 s7, $0x2;
	p0 =	sne.s32 s7, $0xFC00;
	[tilespmem:s23+$0x14480] =	vst v6;
	v1 =	vmul.f32 $1.131370830e+01, v1;
	v6 =	vld [tilespmem:s23+$0x144F0]  }
0x115: {  	v7 =	vld [tilespmem:s8+$0x14400];
	[tilespmem:s23+$0x14490] =	vst v5;
	v0 =	vmul.f32 $1.131370830e+01, v0  }
0x116: {  	v5 =	vld [tilespmem:s8+$0x14410];
	[tilespmem:s23+$0x144A0] =	vst v1;
	v1 =	vmul.f32 $1.131370830e+01, v2  }
0x117: {  	v2 =	vld [tilespmem:s8+$0x14420];
	[tilespmem:s23+$0x144B0] =	vst v0;
	v0 =	vmul.f32 $1.131370830e+01, v3  }
0x118: {  	v3 =	vld [tilespmem:s8+$0x14430];
	[tilespmem:s23+$0x144C0] =	vst v1;
	v1 =	vmul.f32 $1.131370830e+01, v4  }
0x119: {  	v4 =	vld [tilespmem:s8+$0x14440];
	[tilespmem:s23+$0x144D0] =	vst v0;
	v0 =	vmul.f32 $1.131370830e+01, v6  }
0x11a: {  	v6 =	vmul.f32 $1.131370830e+01, v7;
	v7 =	vld [tilespmem:s8+$0x14450];
	[tilespmem:s23+$0x144E0] =	vst v1  }
0x11b: {  	v1 =	vmul.f32 $1.131370830e+01, v5;
	v5 =	vld [tilespmem:s8+$0x14460];
	[tilespmem:s23+$0x144F0] =	vst v0;
	s23 =	smov.u32 s8  }
0x11c: {  	[tilespmem:s23+$0x14400] =	vst v6;
	v0 =	vmul.f32 $1.131370830e+01, v2;
	v2 =	vld [tilespmem:s23+$0x14470]  }
0x11d: {  	[tilespmem:s23+$0x14410] =	vst v1;
	v1 =	vmul.f32 $1.131370830e+01, v3;
	v3 =	vld [tilespmem:s23+$0x14480]  }
0x11e: {  	[tilespmem:s23+$0x14420] =	vst v0;
	v0 =	vmul.f32 $1.131370830e+01, v4;
	v4 =	vld [tilespmem:s23+$0x14490]  }
.Ltmp5:
0x11f: {  	[tilespmem:s23+$0x14430] =	vst v1;
	v6 =	vmul.f32 $1.131370830e+01, v7;
	v1 =	vld [tilespmem:s23+$0x144A0];
	(pc) =	sbr.rel @p0 .LBB2_12-.Ltmp5, $4  }
0x120: {  	[tilespmem:s23+$0x14440] =	vst v0;
	v5 =	vmul.f32 $1.131370830e+01, v5;
	v0 =	vld [tilespmem:s23+$0x144B0]  }
0x121: {  	[tilespmem:s23+$0x14450] =	vst v6;
	v7 =	vmul.f32 $1.131370830e+01, v2;
	v2 =	vld [tilespmem:s23+$0x144C0]  }
0x122: {  	[tilespmem:s23+$0x14460] =	vst v5;
	v6 =	vmul.f32 $1.131370830e+01, v3;
	v3 =	vld [tilespmem:s23+$0x144D0]  }
0x123: {  	s7 =	sadd.s32 $0x400, s7;
	[tilespmem:s23+$0x14470] =	vst v7;
	v5 =	vmul.f32 $1.131370830e+01, v4;
	v4 =	vld [tilespmem:s23+$0x144E0]  }
0x124: {  	[tilespmem:s23+$0x14480] =	vst v6;
	v1 =	vmul.f32 $1.131370830e+01, v1;
	v6 =	vld [tilespmem:s23+$0x144F0]  }
0x125: {  	[tilespmem:s23+$0x14490] =	vst v5;
	v0 =	vmul.f32 $1.131370830e+01, v0  }
0x126: {  	[tilespmem:s23+$0x144A0] =	vst v1;
	v1 =	vmul.f32 $1.131370830e+01, v2  }
0x127: {  	[tilespmem:s23+$0x144B0] =	vst v0;
	v0 =	vmul.f32 $1.131370830e+01, v3  }
0x128: {  	[tilespmem:s23+$0x144C0] =	vst v1;
	v1 =	vmul.f32 $1.131370830e+01, v4  }
0x129: {  	[tilespmem:s23+$0x144D0] =	vst v0;
	v0 =	vmul.f32 $1.131370830e+01, v6  }
0x12a: {  	[tilespmem:s23+$0x144E0] =	vst v1  }
0x12b: {  	s7 =	simm.s32 $0x0;
	[tilespmem:s23+$0x144F0] =	vst v0  }
0x12c: {  	[hbm4b:s10+s7] =	stream.linear.scatter [tilespmem:s25], [sflag:$0xD], $0x4000, $0x38;
	[tilespmem:$0x1C400] =	vst v63  }
0x12d: {  	_ =	swait.ge [sflag:s26], $0x4000  }
0x12e: {  	[sflag:s26] =	ssyncset.done $0x0  }
0x12f: {  	s23 =	simm.s32 $0x0;
	[sflag:s26] =	ssyncadd.s32 $0xFFFFC000  }
0x130: {  	v0 =	vld [tilespmem:s23+$0x18400]  }
0x131: {  	v1 =	vld [tilespmem:s23+$0x18410]  }
0x132: {  	v2 =	vld [tilespmem:s23+$0x18420]  }
0x133: {  	v3 =	vld [tilespmem:s23+$0x18430]  }
0x134: {  	v4 =	vld [tilespmem:s23+$0x18440]  }
0x135: {  	v5 =	vld [tilespmem:s23+$0x18450];
	v0 =	vmul.f32 $1.131370830e+01, v0  }
0x136: {  	v6 =	vld [tilespmem:s23+$0x18460];
	v1 =	vmul.f32 $1.131370830e+01, v1  }
0x137: {  	v7 =	vld [tilespmem:s23+$0x18470];
	[tilespmem:s23+$0x18400] =	vst v0;
	v0 =	vmul.f32 $1.131370830e+01, v2  }
0x138: {  	v8 =	vld [tilespmem:s23+$0x18480];
	[tilespmem:s23+$0x18410] =	vst v1;
	v1 =	vmul.f32 $1.131370830e+01, v3  }
0x139: {  	v9 =	vld [tilespmem:s23+$0x18490];
	[tilespmem:s23+$0x18420] =	vst v0;
	v0 =	vmul.f32 $1.131370830e+01, v4  }
0x13a: {  	v2 =	vmul.f32 $1.131370830e+01, v5;
	[tilespmem:s23+$0x18430] =	vst v1;
	v1 =	vld [tilespmem:s23+$0x184A0]  }
0x13b: {  	v3 =	vmul.f32 $1.131370830e+01, v6;
	[tilespmem:s23+$0x18440] =	vst v0;
	v0 =	vld [tilespmem:s23+$0x184B0]  }
0x13c: {  	[tilespmem:s23+$0x18450] =	vst v2;
	v2 =	vld [tilespmem:s23+$0x184C0];
	v4 =	vmul.f32 $1.131370830e+01, v7  }
0x13d: {  	v6 =	vmul.f32 $1.131370830e+01, v8;
	[tilespmem:s23+$0x18460] =	vst v3;
	v3 =	vld [tilespmem:s23+$0x184D0]  }
0x13e: {  	s7 =	simm.s32 $0x400;
	v5 =	vmul.f32 $1.131370830e+01, v9;
	[tilespmem:s23+$0x18470] =	vst v4;
	v4 =	vld [tilespmem:s23+$0x184E0]  }
.LBB2_14:
0x13f: {  	s8 =	sshra.s32 s7, $0x2;
	p0 =	sne.s32 s7, $0xFC00;
	[tilespmem:s23+$0x18480] =	vst v6;
	v1 =	vmul.f32 $1.131370830e+01, v1;
	v6 =	vld [tilespmem:s23+$0x184F0]  }
0x140: {  	v7 =	vld [tilespmem:s8+$0x18400];
	[tilespmem:s23+$0x18490] =	vst v5;
	v0 =	vmul.f32 $1.131370830e+01, v0  }
0x141: {  	v5 =	vld [tilespmem:s8+$0x18410];
	[tilespmem:s23+$0x184A0] =	vst v1;
	v1 =	vmul.f32 $1.131370830e+01, v2  }
0x142: {  	v2 =	vld [tilespmem:s8+$0x18420];
	[tilespmem:s23+$0x184B0] =	vst v0;
	v0 =	vmul.f32 $1.131370830e+01, v3  }
0x143: {  	v3 =	vld [tilespmem:s8+$0x18430];
	[tilespmem:s23+$0x184C0] =	vst v1;
	v1 =	vmul.f32 $1.131370830e+01, v4  }
0x144: {  	v4 =	vld [tilespmem:s8+$0x18440];
	[tilespmem:s23+$0x184D0] =	vst v0;
	v0 =	vmul.f32 $1.131370830e+01, v6  }
0x145: {  	v6 =	vmul.f32 $1.131370830e+01, v7;
	v7 =	vld [tilespmem:s8+$0x18450];
	[tilespmem:s23+$0x184E0] =	vst v1  }
0x146: {  	v1 =	vmul.f32 $1.131370830e+01, v5;
	v5 =	vld [tilespmem:s8+$0x18460];
	[tilespmem:s23+$0x184F0] =	vst v0;
	s23 =	smov.u32 s8  }
0x147: {  	[tilespmem:s23+$0x18400] =	vst v6;
	v0 =	vmul.f32 $1.131370830e+01, v2;
	v2 =	vld [tilespmem:s23+$0x18470]  }
0x148: {  	[tilespmem:s23+$0x18410] =	vst v1;
	v1 =	vmul.f32 $1.131370830e+01, v3;
	v3 =	vld [tilespmem:s23+$0x18480]  }
0x149: {  	[tilespmem:s23+$0x18420] =	vst v0;
	v0 =	vmul.f32 $1.131370830e+01, v4;
	v4 =	vld [tilespmem:s23+$0x18490]  }
.Ltmp6:
0x14a: {  	[tilespmem:s23+$0x18430] =	vst v1;
	v6 =	vmul.f32 $1.131370830e+01, v7;
	v1 =	vld [tilespmem:s23+$0x184A0];
	(pc) =	sbr.rel @p0 .LBB2_14-.Ltmp6, $4  }
0x14b: {  	[tilespmem:s23+$0x18440] =	vst v0;
	v5 =	vmul.f32 $1.131370830e+01, v5;
	v0 =	vld [tilespmem:s23+$0x184B0]  }
0x14c: {  	[tilespmem:s23+$0x18450] =	vst v6;
	v7 =	vmul.f32 $1.131370830e+01, v2;
	v2 =	vld [tilespmem:s23+$0x184C0]  }
0x14d: {  	[tilespmem:s23+$0x18460] =	vst v5;
	v6 =	vmul.f32 $1.131370830e+01, v3;
	v3 =	vld [tilespmem:s23+$0x184D0]  }
0x14e: {  	s7 =	sadd.s32 $0x400, s7;
	[tilespmem:s23+$0x18470] =	vst v7;
	v5 =	vmul.f32 $1.131370830e+01, v4;
	v4 =	vld [tilespmem:s23+$0x184E0]  }
0x14f: {  	[tilespmem:s23+$0x18480] =	vst v6;
	v1 =	vmul.f32 $1.131370830e+01, v1;
	v6 =	vld [tilespmem:s23+$0x184F0]  }
0x150: {  	[tilespmem:s23+$0x18490] =	vst v5;
	v0 =	vmul.f32 $1.131370830e+01, v0  }
0x151: {  	[tilespmem:s23+$0x184A0] =	vst v1;
	v1 =	vmul.f32 $1.131370830e+01, v2  }
0x152: {  	[tilespmem:s23+$0x184B0] =	vst v0;
	v0 =	vmul.f32 $1.131370830e+01, v3  }
0x153: {  	[tilespmem:s23+$0x184C0] =	vst v1;
	v1 =	vmul.f32 $1.131370830e+01, v4  }
0x154: {  	[tilespmem:s23+$0x184D0] =	vst v0;
	v0 =	vmul.f32 $1.131370830e+01, v6  }
0x155: {  	[tilespmem:s23+$0x184E0] =	vst v1  }
0x156: {  	s7 =	simm.s32 $0x0;
	[tilespmem:s23+$0x184F0] =	vst v0  }
0x157: {  	[hbm4b:s11+s7] =	stream.linear.scatter [tilespmem:s28], [sflag:$0xE], $0x4000, $0x38;
	[tilespmem:$0x1C400] =	vst v63  }
0x158: {  	_ =	swait.ge [sflag:s29], $0x4000  }
0x159: {  	[sflag:s29] =	ssyncset.done $0x0  }
0x15a: {  	s23 =	simm.s32 $0x0;
	[sflag:s29] =	ssyncadd.s32 $0xFFFFC000  }
0x15b: {  	v0 =	vld [tilespmem:s23+$0x400]  }
0x15c: {  	v1 =	vld [tilespmem:s23+$0x410]  }
0x15d: {  	v2 =	vld [tilespmem:s23+$0x420]  }
0x15e: {  	v3 =	vld [tilespmem:s23+$0x430]  }
0x15f: {  	v4 =	vld [tilespmem:s23+$0x440]  }
0x160: {  	v5 =	vld [tilespmem:s23+$0x450];
	v0 =	vmul.f32 $1.131370830e+01, v0  }
0x161: {  	v6 =	vld [tilespmem:s23+$0x460];
	v1 =	vmul.f32 $1.131370830e+01, v1  }
0x162: {  	v7 =	vld [tilespmem:s23+$0x470];
	[tilespmem:s23+$0x400] =	vst v0;
	v0 =	vmul.f32 $1.131370830e+01, v2  }
0x163: {  	v8 =	vld [tilespmem:s23+$0x480];
	[tilespmem:s23+$0x410] =	vst v1;
	v1 =	vmul.f32 $1.131370830e+01, v3  }
0x164: {  	v9 =	vld [tilespmem:s23+$0x490];
	[tilespmem:s23+$0x420] =	vst v0;
	v0 =	vmul.f32 $1.131370830e+01, v4  }
0x165: {  	v2 =	vmul.f32 $1.131370830e+01, v5;
	[tilespmem:s23+$0x430] =	vst v1;
	v1 =	vld [tilespmem:s23+$0x4A0]  }
0x166: {  	v3 =	vmul.f32 $1.131370830e+01, v6;
	[tilespmem:s23+$0x440] =	vst v0;
	v0 =	vld [tilespmem:s23+$0x4B0]  }
0x167: {  	[tilespmem:s23+$0x450] =	vst v2;
	v2 =	vld [tilespmem:s23+$0x4C0];
	v4 =	vmul.f32 $1.131370830e+01, v7  }
0x168: {  	v6 =	vmul.f32 $1.131370830e+01, v8;
	[tilespmem:s23+$0x460] =	vst v3;
	v3 =	vld [tilespmem:s23+$0x4D0]  }
0x169: {  	s7 =	simm.s32 $0x400;
	v5 =	vmul.f32 $1.131370830e+01, v9;
	[tilespmem:s23+$0x470] =	vst v4;
	v4 =	vld [tilespmem:s23+$0x4E0]  }
.LBB2_16:
0x16a: {  	s8 =	sshra.s32 s7, $0x2;
	p0 =	sne.s32 s7, $0xFC00;
	[tilespmem:s23+$0x480] =	vst v6;
	v1 =	vmul.f32 $1.131370830e+01, v1;
	v6 =	vld [tilespmem:s23+$0x4F0]  }
0x16b: {  	v7 =	vld [tilespmem:s8+$0x400];
	[tilespmem:s23+$0x490] =	vst v5;
	v0 =	vmul.f32 $1.131370830e+01, v0  }
0x16c: {  	v5 =	vld [tilespmem:s8+$0x410];
	[tilespmem:s23+$0x4A0] =	vst v1;
	v1 =	vmul.f32 $1.131370830e+01, v2  }
0x16d: {  	v2 =	vld [tilespmem:s8+$0x420];
	[tilespmem:s23+$0x4B0] =	vst v0;
	v0 =	vmul.f32 $1.131370830e+01, v3  }
0x16e: {  	v3 =	vld [tilespmem:s8+$0x430];
	[tilespmem:s23+$0x4C0] =	vst v1;
	v1 =	vmul.f32 $1.131370830e+01, v4  }
0x16f: {  	v4 =	vld [tilespmem:s8+$0x440];
	[tilespmem:s23+$0x4D0] =	vst v0;
	v0 =	vmul.f32 $1.131370830e+01, v6  }
0x170: {  	v6 =	vmul.f32 $1.131370830e+01, v7;
	v7 =	vld [tilespmem:s8+$0x450];
	[tilespmem:s23+$0x4E0] =	vst v1  }
0x171: {  	v1 =	vmul.f32 $1.131370830e+01, v5;
	v5 =	vld [tilespmem:s8+$0x460];
	[tilespmem:s23+$0x4F0] =	vst v0;
	s23 =	smov.u32 s8  }
0x172: {  	[tilespmem:s23+$0x400] =	vst v6;
	v0 =	vmul.f32 $1.131370830e+01, v2;
	v2 =	vld [tilespmem:s23+$0x470]  }
0x173: {  	[tilespmem:s23+$0x410] =	vst v1;
	v1 =	vmul.f32 $1.131370830e+01, v3;
	v3 =	vld [tilespmem:s23+$0x480]  }
0x174: {  	[tilespmem:s23+$0x420] =	vst v0;
	v0 =	vmul.f32 $1.131370830e+01, v4;
	v4 =	vld [tilespmem:s23+$0x490]  }
.Ltmp7:
0x175: {  	[tilespmem:s23+$0x430] =	vst v1;
	v6 =	vmul.f32 $1.131370830e+01, v7;
	v1 =	vld [tilespmem:s23+$0x4A0];
	(pc) =	sbr.rel @p0 .LBB2_16-.Ltmp7, $4  }
0x176: {  	[tilespmem:s23+$0x440] =	vst v0;
	v5 =	vmul.f32 $1.131370830e+01, v5;
	v0 =	vld [tilespmem:s23+$0x4B0]  }
0x177: {  	[tilespmem:s23+$0x450] =	vst v6;
	v7 =	vmul.f32 $1.131370830e+01, v2;
	v2 =	vld [tilespmem:s23+$0x4C0]  }
0x178: {  	[tilespmem:s23+$0x460] =	vst v5;
	v6 =	vmul.f32 $1.131370830e+01, v3;
	v3 =	vld [tilespmem:s23+$0x4D0]  }
0x179: {  	s7 =	sadd.s32 $0x400, s7;
	[tilespmem:s23+$0x470] =	vst v7;
	v5 =	vmul.f32 $1.131370830e+01, v4;
	v4 =	vld [tilespmem:s23+$0x4E0]  }
0x17a: {  	[tilespmem:s23+$0x480] =	vst v6;
	v1 =	vmul.f32 $1.131370830e+01, v1;
	v59 =	vld [tilespmem:s23+$0x4F0]  }
0x17b: {  	[tilespmem:s23+$0x490] =	vst v5;
	v0 =	vmul.f32 $1.131370830e+01, v0  }
0x17c: {  	[tilespmem:s23+$0x4A0] =	vst v1;
	v60 =	vmul.f32 $1.131370830e+01, v2  }
0x17d: {  	[tilespmem:s23+$0x4B0] =	vst v0;
	v61 =	vmul.f32 $1.131370830e+01, v3  }
0x17e: {  	[tilespmem:s23+$0x4C0] =	vst v60;
	v62 =	vmul.f32 $1.131370830e+01, v4  }
0x17f: {  	[tilespmem:s23+$0x4D0] =	vst v61;
	v63 =	vmul.f32 $1.131370830e+01, v59  }
0x180: {  	[tilespmem:s23+$0x4E0] =	vst v62  }
0x181: {  	[tilespmem:s23+$0x4F0] =	vst v63  }
0x182: {  	[hbm4b:s12+s3] =	stream.linear.scatter [tilespmem:s17], [sflag:$0x8], $0x4000, $0x38;
	[tilespmem:$0x1C400] =	vst v63  }
0x183: {  	_ =	swait.ge [sflag:s31], $0x4000  }
0x184: {  	[sflag:s31] =	ssyncset.done $0x0  }
0x185: {  	[sflag:s31] =	ssyncadd.s32 $0xFFFFC000  }
0x186: {  	_ =	swait.ge [sflag:s15], $0x4000  }
0x187: {  	[sflag:s15] =	ssyncset.done $0x0  }
0x188: {  	[sflag:s15] =	ssyncadd.s32 $0xFFFFC000  }
0x189: {  	_ =	swait.ge [sflag:s18], $0x4000  }
0x18a: {  	[sflag:s18] =	ssyncset.done $0x0  }
0x18b: {  	[sflag:s18] =	ssyncadd.s32 $0xFFFFC000  }
0x18c: {  	_ =	swait.ge [sflag:s20], $0x4000  }
0x18d: {  	[sflag:s20] =	ssyncset.done $0x0  }
0x18e: {  	[sflag:s20] =	ssyncadd.s32 $0xFFFFC000  }
0x18f: {  	_ =	swait.ge [sflag:s5], $0x4000  }
0x190: {  	[sflag:s5] =	ssyncset.done $0x0  }
0x191: {  	s6 =	sadd.s32 $0x1, s6;
	[sflag:s5] =	ssyncadd.s32 $0xFFFFC000  }
0x192: {  	p0 =	sne.s32 s6, s13;
	_ =	swait.ge [sflag:s22], $0x4000  }
.Ltmp8:
0x193: {  	[sflag:s22] =	ssyncset.done $0x0;
	(pc) =	sbr.rel @p0 .LBB2_1-.Ltmp8, $4  }
0x194: {  	[sflag:s22] =	ssyncadd.s32 $0xFFFFC000  }
0x195: {  	_ =	swait.ge [sflag:s30], $0x4000  }
0x196: {  	[sflag:s30] =	ssyncset.done $0x0  }
0x197: {  	[sflag:s30] =	ssyncadd.s32 $0xFFFFC000  }
0x198: {  	_ =	sfence.sel $0x180000  }
0x199: {  	[bflag:$0x0] =	sbarrier.arrive $0xFFFF  }
0x19a: {  	_ =	strace $0x90000047  }
0x19b: {  	s0 =	stileid.u32;
	[bflag:$0x2] =	sbarrier.arrive $0xFFFF  }
0x19c: {  	p0 =	sne.s32 s0, $0x0;
	s0 =	rddreg [dreg:$0x3]  }
0x19d: {  	s0 =	sadd.s32 @!p0 $0x100000, s0  }
0x19e: {  	[sflag:s0] =	ssyncadd.tile.s32 @!p0 $0x1;
	_ =	shalt  }
.Lfunc_end2:
_tile_overlayer_lowered:
.L_overlay_start_2:
0x19f: {  	(tag) =	ssettag $0x2  }
0x1a0: {  	s0 =	rddreg [dreg:$0x0];
	s2 =	stileid.u32  }
0x1a1: {  	s1 =	rddreg [dreg:$0x1];
	p0 =	sne.s32 s2, $0x0  }
0x1a2: {  	s3 =	rddreg [dreg:$0x2];
	[bflag:$0x3] =	sbarrier.arrive $0xFFFF;
	s2 =	simm.s32 @!p0 $0x1C0F  }
0x1a3: {  	[timem:s3], [sflag:s2] =	dma.local @!p0 [hbm:s0], s1  }
0x1a4: {  	s0 =	simm.s32 @!p0 $0xF  }
0x1a5: {  	_ =	swait.ge @!p0 [sflag:s0], s1  }
0x1a6: {  	s1 =	ssub.s32 @!p0 $0x0, s1;
	[sflag:s0] =	ssyncset.done @!p0 $0x0  }
0x1a7: {  	[sflag:s0] =	ssyncadd.s32 @!p0 s1  }
0x1a8: {  	[bflag:$0x3] =	sbarrier.arrive $0xFFFF  }
0x1a9: {  	_ =	shalt  }

</sc_bundles>
